<compile_context>
chip_gen: v7x
topology: tpu7x:2x2x1
jax: 0.10.2.dev20260603
libtpu: 0.0.44.dev20260713+nightly
codegen_flags: <defaults>
</compile_context>

<pallas_src>
import functools

import jax
import jax.numpy as jnp
from jax import lax
from jax.experimental import pallas as pl
from jax.experimental.pallas import tpu as pltpu
from jax.experimental.pallas import tpu_sc as plsc

VOCAB = 1000000
EMBED_DIM = 32
HIDDEN_DIM = 64
NUM_TIERS = 4
BATCH = 16384
HIST_LEN = 200

_L = 16


def _make_pool_kernel():
    info = plsc.get_sparse_core_info()
    nc, ns = info.num_cores, info.num_subcores
    nw = nc * ns
    S = BATCH // nw
    CH = 256
    NCH = S // CH
    NBUF = 8

    mesh = plsc.VectorSubcoreMesh(core_axis_name="c", subcore_axis_name="s")

    @functools.partial(
        pl.kernel,
        mesh=mesh,
        out_type=jax.ShapeDtypeStruct((BATCH, EMBED_DIM), jnp.float32),
        scratch_types=[
            pltpu.VMEM((CH, HIST_LEN), jnp.int32),
            pltpu.VMEM((NBUF, HIST_LEN, EMBED_DIM), jnp.float32),
            pltpu.VMEM((CH, EMBED_DIM), jnp.float32),
            pltpu.SemaphoreType.DMA,
            pltpu.SemaphoreType.DMA,
            pltpu.SemaphoreType.DMA,
            pltpu.SemaphoreType.DMA,
            pltpu.SemaphoreType.DMA,
            pltpu.SemaphoreType.DMA,
            pltpu.SemaphoreType.DMA,
            pltpu.SemaphoreType.DMA,
        ],
        compiler_params=pltpu.CompilerParams(use_tc_tiling_on_sc=False),
    )
    def pool(ids_hbm, table_hbm, out_hbm, ids_v, rows_v, sums_v, *sems):
        wid = lax.axis_index("s") * nc + lax.axis_index("c")
        base = wid * S

        def start_gather(i, b):
            pltpu.async_copy(
                table_hbm.at[ids_v.at[i, pl.ds(0, 128)]],
                rows_v.at[b, pl.ds(0, 128)],
                sems[b],
            )
            pltpu.async_copy(
                table_hbm.at[ids_v.at[i, pl.ds(128, HIST_LEN - 128)]],
                rows_v.at[b, pl.ds(128, HIST_LEN - 128)],
                sems[b],
            )

        def wait_gather(b):
            pltpu.make_async_copy(
                table_hbm.at[pl.ds(0, HIST_LEN)], rows_v.at[b], sems[b]
            ).wait()

        def accum_store(i, b):
            def acc_body(j, accs):
                accs = list(accs)
                r = j * 8
                for u in range(8):
                    accs[u % 4] = accs[u % 4] + rows_v[b, r + u, pl.ds(0, _L)]
                    accs[4 + u % 4] = accs[4 + u % 4] + rows_v[b, r + u, pl.ds(_L, _L)]
                return tuple(accs)

            z = jnp.zeros((_L,), jnp.float32)
            accs = lax.fori_loop(0, HIST_LEN // 8, acc_body, (z,) * 8)
            sums_v[i, pl.ds(0, _L)] = (accs[0] + accs[1]) + (accs[2] + accs[3])
            sums_v[i, pl.ds(_L, _L)] = (accs[4] + accs[5]) + (accs[6] + accs[7])

        def chunk_body(c, carry):
            cbase = base + c * CH
            pltpu.sync_copy(ids_hbm.at[pl.ds(cbase, CH)], ids_v)
            for b in range(NBUF - 1):
                start_gather(b, b)

            def group_body(g, carry2):
                for b in range(NBUF):
                    i = g * NBUF + b

                    @pl.when(i + NBUF - 1 < CH)
                    def _():
                        start_gather(i + NBUF - 1, (b + NBUF - 1) % NBUF)

                    wait_gather(b)
                    accum_store(i, b)
                return carry2

            lax.fori_loop(0, CH // NBUF, group_body, 0)
            pltpu.sync_copy(sums_v, out_hbm.at[pl.ds(cbase, CH)])
            return carry

        lax.fori_loop(0, NCH, chunk_body, 0)

    return pool


_pool = _make_pool_kernel()


_QP = 1 << 18


def _lin_body(t0, t1, t2, t3, out_ref):
    out_ref[...] = jnp.concatenate(
        [t0[...].T, t1[...].T, t2[...].T, t3[...].T], axis=1
    )


def _linearize(table_t):
    BM = 8192
    G = _QP // BM
    last_blk = VOCAB // BM
    return pl.pallas_call(
        _lin_body,
        grid=(G,),
        in_specs=[
            pl.BlockSpec(
                (EMBED_DIM, BM),
                lambda g, k=k: (0, jnp.minimum(k * G + g, last_blk)),
            )
            for k in range(4)
        ],
        out_specs=pl.BlockSpec((BM, 128), lambda g: (g, 0)),
        out_shape=jax.ShapeDtypeStruct((_QP, 128), jnp.float32),
    )(table_t, table_t, table_t, table_t)


def _remap_body(ids_ref, out_ref):
    v = ids_ref[...]
    out_ref[...] = ((v & (_QP - 1)) << 2) | (v >> 18)


def _remap(ids):
    BT = 1024
    return pl.pallas_call(
        _remap_body,
        grid=(BATCH // BT,),
        in_specs=[pl.BlockSpec((BT, HIST_LEN), lambda i: (i, 0))],
        out_specs=pl.BlockSpec((BT, HIST_LEN), lambda i: (i, 0)),
        out_shape=jax.ShapeDtypeStruct((BATCH, HIST_LEN), jnp.int32),
    )(ids)


def _mlp_body(ids_ref, sums_ref, w1_ref, b1_ref, w2_ref, b2_ref, out_ref):
    ids = ids_ref[...]
    valid = jnp.sum((ids != 0).astype(jnp.float32), axis=1, keepdims=True)
    rep = sums_ref[...] / jnp.maximum(valid, 1.0)
    x = jnp.dot(rep, w1_ref[...], preferred_element_type=jnp.float32) + b1_ref[...]
    x = jnp.maximum(x, 0.0)
    out_ref[...] = (
        jnp.dot(x, w2_ref[...], preferred_element_type=jnp.float32) + b2_ref[...]
    )


def _mlp(ids, sums, w1t, b1r, w2t, b2r):
    BT = 1024
    return pl.pallas_call(
        _mlp_body,
        grid=(BATCH // BT,),
        in_specs=[
            pl.BlockSpec((BT, HIST_LEN), lambda i: (i, 0)),
            pl.BlockSpec((BT, EMBED_DIM), lambda i: (i, 0)),
            pl.BlockSpec((EMBED_DIM, HIDDEN_DIM), lambda i: (0, 0)),
            pl.BlockSpec((1, HIDDEN_DIM), lambda i: (0, 0)),
            pl.BlockSpec((HIDDEN_DIM, NUM_TIERS), lambda i: (0, 0)),
            pl.BlockSpec((1, NUM_TIERS), lambda i: (0, 0)),
        ],
        out_specs=pl.BlockSpec((BT, NUM_TIERS), lambda i: (i, 0)),
        out_shape=jax.ShapeDtypeStruct((BATCH, NUM_TIERS), jnp.float32),
    )(ids, sums, w1t, b1r, w2t, b2r)


def kernel(input_ids, table, W1, b1, W2, b2):
    lin = _linearize(table.T).reshape(4 * _QP, EMBED_DIM)
    rids = _remap(input_ids)
    sums = _pool(rids, lin)
    return _mlp(
        input_ids,
        sums,
        W1.T,
        b1.reshape(1, HIDDEN_DIM),
        W2.T,
        b2.reshape(1, NUM_TIERS),
    )

# --- scband reference (transcript-rebuilt; emitter-appended) ---
"""Pipeline reference for scband-router-mlp-4827543240872 (READ-ONLY COPY).

The authoritative reference and input builder live on the scoring server;
editing this copy changes nothing except your own understanding.
"""

import jax, jax.numpy as jnp
import numpy as np

VOCAB = 1000000
EMBED_DIM = 32
HIDDEN_DIM = 64
NUM_TIERS = 4
BATCH = 16384
HIST_LEN = 200

def setup_inputs(seed: int = 0) -> dict:
    key = jax.random.key(seed)
    k_ids, k_tab, k_w1, k_b1, k_w2, k_b2 = jax.random.split(key, 6)
    input_ids = jax.random.randint(k_ids, (BATCH, HIST_LEN), 0, VOCAB, dtype=jnp.int64 if jax.config.jax_enable_x64 else jnp.int32).astype(jnp.int32)
    table = jax.random.normal(k_tab, (VOCAB, EMBED_DIM), dtype=jnp.float32) * 0.02
    # padding_idx=0: zero out row 0 like torch nn.Embedding(padding_idx=0)
    table = table.at[0].set(0.0)
    W1 = jax.random.normal(k_w1, (HIDDEN_DIM, EMBED_DIM), dtype=jnp.float32) * (1.0 / np.sqrt(EMBED_DIM))
    b1 = jax.random.normal(k_b1, (HIDDEN_DIM,), dtype=jnp.float32) * 0.01
    W2 = jax.random.normal(k_w2, (NUM_TIERS, HIDDEN_DIM), dtype=jnp.float32) * (1.0 / np.sqrt(HIDDEN_DIM))
    b2 = jax.random.normal(k_b2, (NUM_TIERS,), dtype=jnp.float32) * 0.01
    return {"input_ids": input_ids, "table": table, "W1": W1, "b1": b1, "W2": W2, "b2": b2}

def reference(input_ids, table, W1, b1, W2, b2):
    mask = (input_ids != 0).astype(jnp.float32)               # [B, L]
    embedded = jnp.take(table, input_ids, axis=0)             # [B, L, D] gather
    sum_embeddings = (embedded * mask[..., None]).sum(axis=1) # [B, D]
    valid_lengths = jnp.clip(mask.sum(axis=1, keepdims=True), 1.0, None)
    sentence_rep = sum_embeddings / valid_lengths             # [B, D]
    x = sentence_rep @ W1.T + b1                              # [B, H]
    x = jax.nn.relu(x)
    logits = x @ W2.T + b2                                    # [B, T]
    return logits

if __name__ == "__main__":
    import jax
    _d = setup_inputs()
    print(jax.jit(kernel)(*tuple(_d.values())))

</pallas_src>

<mosaic_0001>
#map = affine_map<(d0, d1) -> (0, 0)>
module attributes {stable_mosaic.version = 14 : i64} {
  func.func @pool(%arg0: i32, %arg1: i32, %arg2: memref<16384x200xi32, #tpu.memory_space<hbm>>, %arg3: memref<1048576x32xf32, #tpu.memory_space<hbm>>, %arg4: memref<16384x32xf32, #tpu.memory_space<hbm>>, %arg5: memref<256x200xi32, #tpu.memory_space<vmem>>, %arg6: memref<8x200x32xf32, #tpu.memory_space<vmem>>, %arg7: memref<256x32xf32, #tpu.memory_space<vmem>>, %arg8: memref<!tpu.dma_semaphore, #tpu.memory_space<semaphore_mem>>, %arg9: memref<!tpu.dma_semaphore, #tpu.memory_space<semaphore_mem>>, %arg10: memref<!tpu.dma_semaphore, #tpu.memory_space<semaphore_mem>>, %arg11: memref<!tpu.dma_semaphore, #tpu.memory_space<semaphore_mem>>, %arg12: memref<!tpu.dma_semaphore, #tpu.memory_space<semaphore_mem>>, %arg13: memref<!tpu.dma_semaphore, #tpu.memory_space<semaphore_mem>>, %arg14: memref<!tpu.dma_semaphore, #tpu.memory_space<semaphore_mem>>, %arg15: memref<!tpu.dma_semaphore, #tpu.memory_space<semaphore_mem>>) attributes {dimension_semantics = [#tpu.dimension_semantics<core_parallel>, #tpu.dimension_semantics<subcore_parallel>], iteration_bounds = array<i64: 2, 16>, scalar_prefetch = 0 : i64, scratch_operands = 11 : i64, tpu.core_type = #tpu.core_type<sc_vector_subcore>, window_params = [{transform_indices = #map}, {transform_indices = #map}, {transform_indices = #map}]} {
    %mul3A = arith.constant 2 : i32
    %mul3A_0 = arith.muli %arg1, %mul3A : i32
    %add3A = arith.addi %mul3A_0, %arg0 : i32
    %mul3A_1 = arith.constant 512 : i32
    %mul3A_2 = arith.muli %add3A, %mul3A_1 : i32
    %scan3A = arith.constant 0 : i32
    %scan3A_3 = arith.constant 0 : i32
    %scan3A_4 = arith.constant 2 : i32
    %scan3A_5 = arith.addi %scan3A_3, %scan3A_4 : i32
    %scan3A_6 = arith.constant 1 : i32
    scf.for %scan3A_8 = %scan3A_3 to %scan3A_5 step %scan3A_6  : i32 {
      %mul3A_9 = arith.constant 256 : i32
      %mul3A_10 = arith.muli %scan3A_8, %mul3A_9 : i32
      %add3A_11 = arith.addi %mul3A_2, %mul3A_10 : i32
      "tpu.region"() ({
        %run_scoped3A = tpu.sem_alloc : memref<!tpu.dma_semaphore, #tpu.memory_space<semaphore_mem>>
        %dma_start3A_185 = arith.constant 0 : i32
        %dma_start3A_186 = tpu.memref_slice %arg2[%add3A_11, %dma_start3A_185] : memref<16384x200xi32, #tpu.memory_space<hbm>> -> memref<256x200xi32, #tpu.memory_space<hbm>>
        %dma_start3A_187 = arith.constant 0 : i32
        %dma_start3A_188 = tpu.memref_slice %arg2[%add3A_11, %dma_start3A_187] : memref<16384x200xi32, #tpu.memory_space<hbm>> -> memref<256x200xi32, #tpu.memory_space<hbm>>
        tpu.enqueue_dma source(%dma_start3A_188 : memref<256x200xi32, #tpu.memory_space<hbm>>) target(%arg5 : memref<256x200xi32, #tpu.memory_space<vmem>>) target_semaphore(%run_scoped3A : memref<!tpu.dma_semaphore, #tpu.memory_space<semaphore_mem>>)
        %dma_wait3A = arith.constant 0 : i32
        %dma_wait3A_189 = tpu.memref_slice %arg2[%add3A_11, %dma_wait3A] : memref<16384x200xi32, #tpu.memory_space<hbm>> -> memref<256x200xi32, #tpu.memory_space<hbm>>
        %dma_wait3A_190 = arith.constant 0 : i32
        %dma_wait3A_191 = tpu.memref_slice %arg2[%add3A_11, %dma_wait3A_190] : memref<16384x200xi32, #tpu.memory_space<hbm>> -> memref<256x200xi32, #tpu.memory_space<hbm>>
        tpu.wait_dma2 semaphore(%run_scoped3A : memref<!tpu.dma_semaphore, #tpu.memory_space<semaphore_mem>>) src(%dma_wait3A_191 : memref<256x200xi32, #tpu.memory_space<hbm>>) dst(%arg5 : memref<256x200xi32, #tpu.memory_space<vmem>>)
        tpu.yield
      }) : () -> ()
      %dma_start3A = arith.constant 0 : i32
      %dma_start3A_12 = arith.constant 0 : i32
      %dma_start3A_13 = arith.constant 0 : i32
      %dma_start3A_14 = arith.constant 0 : i32
      %dma_start3A_15 = tpu.memref_slice %arg6[%dma_start3A_12, %dma_start3A_13, %dma_start3A_14] : memref<8x200x32xf32, #tpu.memory_space<vmem>> -> memref<1x128x32xf32, #tpu.memory_space<vmem>>
      %dma_start3A_16 = tpu.memref_squeeze %dma_start3A_15 : memref<1x128x32xf32, #tpu.memory_space<vmem>> -> memref<128x32xf32, #tpu.memory_space<vmem>>
      %dma_start3A_17 = arith.constant 0 : i32
      %dma_start3A_18 = tpu.memref_slice %arg5[%dma_start3A, %dma_start3A_17] : memref<256x200xi32, #tpu.memory_space<vmem>> -> memref<1x128xi32, #tpu.memory_space<vmem>>
      %dma_start3A_19 = tpu.memref_squeeze %dma_start3A_18 : memref<1x128xi32, #tpu.memory_space<vmem>> -> memref<128xi32, #tpu.memory_space<vmem>>
      %dma_start3A_20 = arith.constant 0 : i32
      %dma_start3A_21 = arith.constant 0 : i32
      %dma_start3A_22 = tpu.memref_slice %arg3[%dma_start3A_20, %dma_start3A_21] : memref<1048576x32xf32, #tpu.memory_space<hbm>> -> memref<1048576x32xf32, #tpu.memory_space<hbm>>
      tpu.enqueue_indirect_dma source(%dma_start3A_22 : memref<1048576x32xf32, #tpu.memory_space<hbm>>) target(%dma_start3A_16 : memref<128x32xf32, #tpu.memory_space<vmem>>) offsets(%dma_start3A_19 : memref<128xi32, #tpu.memory_space<vmem>>) semaphore(%arg8 : memref<!tpu.dma_semaphore, #tpu.memory_space<semaphore_mem>>)
      %dma_start3A_23 = arith.constant 0 : i32
      %dma_start3A_24 = arith.constant 0 : i32
      %dma_start3A_25 = arith.constant 128 : i32
      %dma_start3A_26 = arith.constant 0 : i32
      %dma_start3A_27 = tpu.memref_slice %arg6[%dma_start3A_24, %dma_start3A_25, %dma_start3A_26] : memref<8x200x32xf32, #tpu.memory_space<vmem>> -> memref<1x72x32xf32, #tpu.memory_space<vmem>>
      %dma_start3A_28 = tpu.memref_squeeze %dma_start3A_27 : memref<1x72x32xf32, #tpu.memory_space<vmem>> -> memref<72x32xf32, #tpu.memory_space<vmem>>
      %dma_start3A_29 = arith.constant 128 : i32
      %dma_start3A_30 = tpu.memref_slice %arg5[%dma_start3A_23, %dma_start3A_29] : memref<256x200xi32, #tpu.memory_space<vmem>> -> memref<1x72xi32, #tpu.memory_space<vmem>>
      %dma_start3A_31 = tpu.memref_squeeze %dma_start3A_30 : memref<1x72xi32, #tpu.memory_space<vmem>> -> memref<72xi32, #tpu.memory_space<vmem>>
      %dma_start3A_32 = arith.constant 0 : i32
      %dma_start3A_33 = arith.constant 0 : i32
      %dma_start3A_34 = tpu.memref_slice %arg3[%dma_start3A_32, %dma_start3A_33] : memref<1048576x32xf32, #tpu.memory_space<hbm>> -> memref<1048576x32xf32, #tpu.memory_space<hbm>>
      tpu.enqueue_indirect_dma source(%dma_start3A_34 : memref<1048576x32xf32, #tpu.memory_space<hbm>>) target(%dma_start3A_28 : memref<72x32xf32, #tpu.memory_space<vmem>>) offsets(%dma_start3A_31 : memref<72xi32, #tpu.memory_space<vmem>>) semaphore(%arg8 : memref<!tpu.dma_semaphore, #tpu.memory_space<semaphore_mem>>)
      %dma_start3A_35 = arith.constant 1 : i32
      %dma_start3A_36 = arith.constant 1 : i32
      %dma_start3A_37 = arith.constant 0 : i32
      %dma_start3A_38 = arith.constant 0 : i32
      %dma_start3A_39 = tpu.memref_slice %arg6[%dma_start3A_36, %dma_start3A_37, %dma_start3A_38] : memref<8x200x32xf32, #tpu.memory_space<vmem>> -> memref<1x128x32xf32, #tpu.memory_space<vmem>>
      %dma_start3A_40 = tpu.memref_squeeze %dma_start3A_39 : memref<1x128x32xf32, #tpu.memory_space<vmem>> -> memref<128x32xf32, #tpu.memory_space<vmem>>
      %dma_start3A_41 = arith.constant 0 : i32
      %dma_start3A_42 = tpu.memref_slice %arg5[%dma_start3A_35, %dma_start3A_41] : memref<256x200xi32, #tpu.memory_space<vmem>> -> memref<1x128xi32, #tpu.memory_space<vmem>>
      %dma_start3A_43 = tpu.memref_squeeze %dma_start3A_42 : memref<1x128xi32, #tpu.memory_space<vmem>> -> memref<128xi32, #tpu.memory_space<vmem>>
      %dma_start3A_44 = arith.constant 0 : i32
      %dma_start3A_45 = arith.constant 0 : i32
      %dma_start3A_46 = tpu.memref_slice %arg3[%dma_start3A_44, %dma_start3A_45] : memref<1048576x32xf32, #tpu.memory_space<hbm>> -> memref<1048576x32xf32, #tpu.memory_space<hbm>>
      tpu.enqueue_indirect_dma source(%dma_start3A_46 : memref<1048576x32xf32, #tpu.memory_space<hbm>>) target(%dma_start3A_40 : memref<128x32xf32, #tpu.memory_space<vmem>>) offsets(%dma_start3A_43 : memref<128xi32, #tpu.memory_space<vmem>>) semaphore(%arg9 : memref<!tpu.dma_semaphore, #tpu.memory_space<semaphore_mem>>)
      %dma_start3A_47 = arith.constant 1 : i32
      %dma_start3A_48 = arith.constant 1 : i32
      %dma_start3A_49 = arith.constant 128 : i32
      %dma_start3A_50 = arith.constant 0 : i32
      %dma_start3A_51 = tpu.memref_slice %arg6[%dma_start3A_48, %dma_start3A_49, %dma_start3A_50] : memref<8x200x32xf32, #tpu.memory_space<vmem>> -> memref<1x72x32xf32, #tpu.memory_space<vmem>>
      %dma_start3A_52 = tpu.memref_squeeze %dma_start3A_51 : memref<1x72x32xf32, #tpu.memory_space<vmem>> -> memref<72x32xf32, #tpu.memory_space<vmem>>
      %dma_start3A_53 = arith.constant 128 : i32
      %dma_start3A_54 = tpu.memref_slice %arg5[%dma_start3A_47, %dma_start3A_53] : memref<256x200xi32, #tpu.memory_space<vmem>> -> memref<1x72xi32, #tpu.memory_space<vmem>>
      %dma_start3A_55 = tpu.memref_squeeze %dma_start3A_54 : memref<1x72xi32, #tpu.memory_space<vmem>> -> memref<72xi32, #tpu.memory_space<vmem>>
      %dma_start3A_56 = arith.constant 0 : i32
      %dma_start3A_57 = arith.constant 0 : i32
      %dma_start3A_58 = tpu.memref_slice %arg3[%dma_start3A_56, %dma_start3A_57] : memref<1048576x32xf32, #tpu.memory_space<hbm>> -> memref<1048576x32xf32, #tpu.memory_space<hbm>>
      tpu.enqueue_indirect_dma source(%dma_start3A_58 : memref<1048576x32xf32, #tpu.memory_space<hbm>>) target(%dma_start3A_52 : memref<72x32xf32, #tpu.memory_space<vmem>>) offsets(%dma_start3A_55 : memref<72xi32, #tpu.memory_space<vmem>>) semaphore(%arg9 : memref<!tpu.dma_semaphore, #tpu.memory_space<semaphore_mem>>)
      %dma_start3A_59 = arith.constant 2 : i32
      %dma_start3A_60 = arith.constant 2 : i32
      %dma_start3A_61 = arith.constant 0 : i32
      %dma_start3A_62 = arith.constant 0 : i32
      %dma_start3A_63 = tpu.memref_slice %arg6[%dma_start3A_60, %dma_start3A_61, %dma_start3A_62] : memref<8x200x32xf32, #tpu.memory_space<vmem>> -> memref<1x128x32xf32, #tpu.memory_space<vmem>>
      %dma_start3A_64 = tpu.memref_squeeze %dma_start3A_63 : memref<1x128x32xf32, #tpu.memory_space<vmem>> -> memref<128x32xf32, #tpu.memory_space<vmem>>
      %dma_start3A_65 = arith.constant 0 : i32
      %dma_start3A_66 = tpu.memref_slice %arg5[%dma_start3A_59, %dma_start3A_65] : memref<256x200xi32, #tpu.memory_space<vmem>> -> memref<1x128xi32, #tpu.memory_space<vmem>>
      %dma_start3A_67 = tpu.memref_squeeze %dma_start3A_66 : memref<1x128xi32, #tpu.memory_space<vmem>> -> memref<128xi32, #tpu.memory_space<vmem>>
      %dma_start3A_68 = arith.constant 0 : i32
      %dma_start3A_69 = arith.constant 0 : i32
      %dma_start3A_70 = tpu.memref_slice %arg3[%dma_start3A_68, %dma_start3A_69] : memref<1048576x32xf32, #tpu.memory_space<hbm>> -> memref<1048576x32xf32, #tpu.memory_space<hbm>>
      tpu.enqueue_indirect_dma source(%dma_start3A_70 : memref<1048576x32xf32, #tpu.memory_space<hbm>>) target(%dma_start3A_64 : memref<128x32xf32, #tpu.memory_space<vmem>>) offsets(%dma_start3A_67 : memref<128xi32, #tpu.memory_space<vmem>>) semaphore(%arg10 : memref<!tpu.dma_semaphore, #tpu.memory_space<semaphore_mem>>)
      %dma_start3A_71 = arith.constant 2 : i32
      %dma_start3A_72 = arith.constant 2 : i32
      %dma_start3A_73 = arith.constant 128 : i32
      %dma_start3A_74 = arith.constant 0 : i32
      %dma_start3A_75 = tpu.memref_slice %arg6[%dma_start3A_72, %dma_start3A_73, %dma_start3A_74] : memref<8x200x32xf32, #tpu.memory_space<vmem>> -> memref<1x72x32xf32, #tpu.memory_space<vmem>>
      %dma_start3A_76 = tpu.memref_squeeze %dma_start3A_75 : memref<1x72x32xf32, #tpu.memory_space<vmem>> -> memref<72x32xf32, #tpu.memory_space<vmem>>
      %dma_start3A_77 = arith.constant 128 : i32
      %dma_start3A_78 = tpu.memref_slice %arg5[%dma_start3A_71, %dma_start3A_77] : memref<256x200xi32, #tpu.memory_space<vmem>> -> memref<1x72xi32, #tpu.memory_space<vmem>>
      %dma_start3A_79 = tpu.memref_squeeze %dma_start3A_78 : memref<1x72xi32, #tpu.memory_space<vmem>> -> memref<72xi32, #tpu.memory_space<vmem>>
      %dma_start3A_80 = arith.constant 0 : i32
      %dma_start3A_81 = arith.constant 0 : i32
      %dma_start3A_82 = tpu.memref_slice %arg3[%dma_start3A_80, %dma_start3A_81] : memref<1048576x32xf32, #tpu.memory_space<hbm>> -> memref<1048576x32xf32, #tpu.memory_space<hbm>>
      tpu.enqueue_indirect_dma source(%dma_start3A_82 : memref<1048576x32xf32, #tpu.memory_space<hbm>>) target(%dma_start3A_76 : memref<72x32xf32, #tpu.memory_space<vmem>>) offsets(%dma_start3A_79 : memref<72xi32, #tpu.memory_space<vmem>>) semaphore(%arg10 : memref<!tpu.dma_semaphore, #tpu.memory_space<semaphore_mem>>)
      %dma_start3A_83 = arith.constant 3 : i32
      %dma_start3A_84 = arith.constant 3 : i32
      %dma_start3A_85 = arith.constant 0 : i32
      %dma_start3A_86 = arith.constant 0 : i32
      %dma_start3A_87 = tpu.memref_slice %arg6[%dma_start3A_84, %dma_start3A_85, %dma_start3A_86] : memref<8x200x32xf32, #tpu.memory_space<vmem>> -> memref<1x128x32xf32, #tpu.memory_space<vmem>>
      %dma_start3A_88 = tpu.memref_squeeze %dma_start3A_87 : memref<1x128x32xf32, #tpu.memory_space<vmem>> -> memref<128x32xf32, #tpu.memory_space<vmem>>
      %dma_start3A_89 = arith.constant 0 : i32
      %dma_start3A_90 = tpu.memref_slice %arg5[%dma_start3A_83, %dma_start3A_89] : memref<256x200xi32, #tpu.memory_space<vmem>> -> memref<1x128xi32, #tpu.memory_space<vmem>>
      %dma_start3A_91 = tpu.memref_squeeze %dma_start3A_90 : memref<1x128xi32, #tpu.memory_space<vmem>> -> memref<128xi32, #tpu.memory_space<vmem>>
      %dma_start3A_92 = arith.constant 0 : i32
      %dma_start3A_93 = arith.constant 0 : i32
      %dma_start3A_94 = tpu.memref_slice %arg3[%dma_start3A_92, %dma_start3A_93] : memref<1048576x32xf32, #tpu.memory_space<hbm>> -> memref<1048576x32xf32, #tpu.memory_space<hbm>>
      tpu.enqueue_indirect_dma source(%dma_start3A_94 : memref<1048576x32xf32, #tpu.memory_space<hbm>>) target(%dma_start3A_88 : memref<128x32xf32, #tpu.memory_space<vmem>>) offsets(%dma_start3A_91 : memref<128xi32, #tpu.memory_space<vmem>>) semaphore(%arg11 : memref<!tpu.dma_semaphore, #tpu.memory_space<semaphore_mem>>)
      %dma_start3A_95 = arith.constant 3 : i32
      %dma_start3A_96 = arith.constant 3 : i32
      %dma_start3A_97 = arith.constant 128 : i32
      %dma_start3A_98 = arith.constant 0 : i32
      %dma_start3A_99 = tpu.memref_slice %arg6[%dma_start3A_96, %dma_start3A_97, %dma_start3A_98] : memref<8x200x32xf32, #tpu.memory_space<vmem>> -> memref<1x72x32xf32, #tpu.memory_space<vmem>>
      %dma_start3A_100 = tpu.memref_squeeze %dma_start3A_99 : memref<1x72x32xf32, #tpu.memory_space<vmem>> -> memref<72x32xf32, #tpu.memory_space<vmem>>
      %dma_start3A_101 = arith.constant 128 : i32
      %dma_start3A_102 = tpu.memref_slice %arg5[%dma_start3A_95, %dma_start3A_101] : memref<256x200xi32, #tpu.memory_space<vmem>> -> memref<1x72xi32, #tpu.memory_space<vmem>>
      %dma_start3A_103 = tpu.memref_squeeze %dma_start3A_102 : memref<1x72xi32, #tpu.memory_space<vmem>> -> memref<72xi32, #tpu.memory_space<vmem>>
      %dma_start3A_104 = arith.constant 0 : i32
      %dma_start3A_105 = arith.constant 0 : i32
      %dma_start3A_106 = tpu.memref_slice %arg3[%dma_start3A_104, %dma_start3A_105] : memref<1048576x32xf32, #tpu.memory_space<hbm>> -> memref<1048576x32xf32, #tpu.memory_space<hbm>>
      tpu.enqueue_indirect_dma source(%dma_start3A_106 : memref<1048576x32xf32, #tpu.memory_space<hbm>>) target(%dma_start3A_100 : memref<72x32xf32, #tpu.memory_space<vmem>>) offsets(%dma_start3A_103 : memref<72xi32, #tpu.memory_space<vmem>>) semaphore(%arg11 : memref<!tpu.dma_semaphore, #tpu.memory_space<semaphore_mem>>)
      %dma_start3A_107 = arith.constant 4 : i32
      %dma_start3A_108 = arith.constant 4 : i32
      %dma_start3A_109 = arith.constant 0 : i32
      %dma_start3A_110 = arith.constant 0 : i32
      %dma_start3A_111 = tpu.memref_slice %arg6[%dma_start3A_108, %dma_start3A_109, %dma_start3A_110] : memref<8x200x32xf32, #tpu.memory_space<vmem>> -> memref<1x128x32xf32, #tpu.memory_space<vmem>>
      %dma_start3A_112 = tpu.memref_squeeze %dma_start3A_111 : memref<1x128x32xf32, #tpu.memory_space<vmem>> -> memref<128x32xf32, #tpu.memory_space<vmem>>
      %dma_start3A_113 = arith.constant 0 : i32
      %dma_start3A_114 = tpu.memref_slice %arg5[%dma_start3A_107, %dma_start3A_113] : memref<256x200xi32, #tpu.memory_space<vmem>> -> memref<1x128xi32, #tpu.memory_space<vmem>>
      %dma_start3A_115 = tpu.memref_squeeze %dma_start3A_114 : memref<1x128xi32, #tpu.memory_space<vmem>> -> memref<128xi32, #tpu.memory_space<vmem>>
      %dma_start3A_116 = arith.constant 0 : i32
      %dma_start3A_117 = arith.constant 0 : i32
      %dma_start3A_118 = tpu.memref_slice %arg3[%dma_start3A_116, %dma_start3A_117] : memref<1048576x32xf32, #tpu.memory_space<hbm>> -> memref<1048576x32xf32, #tpu.memory_space<hbm>>
      tpu.enqueue_indirect_dma source(%dma_start3A_118 : memref<1048576x32xf32, #tpu.memory_space<hbm>>) target(%dma_start3A_112 : memref<128x32xf32, #tpu.memory_space<vmem>>) offsets(%dma_start3A_115 : memref<128xi32, #tpu.memory_space<vmem>>) semaphore(%arg12 : memref<!tpu.dma_semaphore, #tpu.memory_space<semaphore_mem>>)
      %dma_start3A_119 = arith.constant 4 : i32
      %dma_start3A_120 = arith.constant 4 : i32
      %dma_start3A_121 = arith.constant 128 : i32
      %dma_start3A_122 = arith.constant 0 : i32
      %dma_start3A_123 = tpu.memref_slice %arg6[%dma_start3A_120, %dma_start3A_121, %dma_start3A_122] : memref<8x200x32xf32, #tpu.memory_space<vmem>> -> memref<1x72x32xf32, #tpu.memory_space<vmem>>
      %dma_start3A_124 = tpu.memref_squeeze %dma_start3A_123 : memref<1x72x32xf32, #tpu.memory_space<vmem>> -> memref<72x32xf32, #tpu.memory_space<vmem>>
      %dma_start3A_125 = arith.constant 128 : i32
      %dma_start3A_126 = tpu.memref_slice %arg5[%dma_start3A_119, %dma_start3A_125] : memref<256x200xi32, #tpu.memory_space<vmem>> -> memref<1x72xi32, #tpu.memory_space<vmem>>
      %dma_start3A_127 = tpu.memref_squeeze %dma_start3A_126 : memref<1x72xi32, #tpu.memory_space<vmem>> -> memref<72xi32, #tpu.memory_space<vmem>>
      %dma_start3A_128 = arith.constant 0 : i32
      %dma_start3A_129 = arith.constant 0 : i32
      %dma_start3A_130 = tpu.memref_slice %arg3[%dma_start3A_128, %dma_start3A_129] : memref<1048576x32xf32, #tpu.memory_space<hbm>> -> memref<1048576x32xf32, #tpu.memory_space<hbm>>
      tpu.enqueue_indirect_dma source(%dma_start3A_130 : memref<1048576x32xf32, #tpu.memory_space<hbm>>) target(%dma_start3A_124 : memref<72x32xf32, #tpu.memory_space<vmem>>) offsets(%dma_start3A_127 : memref<72xi32, #tpu.memory_space<vmem>>) semaphore(%arg12 : memref<!tpu.dma_semaphore, #tpu.memory_space<semaphore_mem>>)
      %dma_start3A_131 = arith.constant 5 : i32
      %dma_start3A_132 = arith.constant 5 : i32
      %dma_start3A_133 = arith.constant 0 : i32
      %dma_start3A_134 = arith.constant 0 : i32
      %dma_start3A_135 = tpu.memref_slice %arg6[%dma_start3A_132, %dma_start3A_133, %dma_start3A_134] : memref<8x200x32xf32, #tpu.memory_space<vmem>> -> memref<1x128x32xf32, #tpu.memory_space<vmem>>
      %dma_start3A_136 = tpu.memref_squeeze %dma_start3A_135 : memref<1x128x32xf32, #tpu.memory_space<vmem>> -> memref<128x32xf32, #tpu.memory_space<vmem>>
      %dma_start3A_137 = arith.constant 0 : i32
      %dma_start3A_138 = tpu.memref_slice %arg5[%dma_start3A_131, %dma_start3A_137] : memref<256x200xi32, #tpu.memory_space<vmem>> -> memref<1x128xi32, #tpu.memory_space<vmem>>
      %dma_start3A_139 = tpu.memref_squeeze %dma_start3A_138 : memref<1x128xi32, #tpu.memory_space<vmem>> -> memref<128xi32, #tpu.memory_space<vmem>>
      %dma_start3A_140 = arith.constant 0 : i32
      %dma_start3A_141 = arith.constant 0 : i32
      %dma_start3A_142 = tpu.memref_slice %arg3[%dma_start3A_140, %dma_start3A_141] : memref<1048576x32xf32, #tpu.memory_space<hbm>> -> memref<1048576x32xf32, #tpu.memory_space<hbm>>
      tpu.enqueue_indirect_dma source(%dma_start3A_142 : memref<1048576x32xf32, #tpu.memory_space<hbm>>) target(%dma_start3A_136 : memref<128x32xf32, #tpu.memory_space<vmem>>) offsets(%dma_start3A_139 : memref<128xi32, #tpu.memory_space<vmem>>) semaphore(%arg13 : memref<!tpu.dma_semaphore, #tpu.memory_space<semaphore_mem>>)
      %dma_start3A_143 = arith.constant 5 : i32
      %dma_start3A_144 = arith.constant 5 : i32
      %dma_start3A_145 = arith.constant 128 : i32
      %dma_start3A_146 = arith.constant 0 : i32
      %dma_start3A_147 = tpu.memref_slice %arg6[%dma_start3A_144, %dma_start3A_145, %dma_start3A_146] : memref<8x200x32xf32, #tpu.memory_space<vmem>> -> memref<1x72x32xf32, #tpu.memory_space<vmem>>
      %dma_start3A_148 = tpu.memref_squeeze %dma_start3A_147 : memref<1x72x32xf32, #tpu.memory_space<vmem>> -> memref<72x32xf32, #tpu.memory_space<vmem>>
      %dma_start3A_149 = arith.constant 128 : i32
      %dma_start3A_150 = tpu.memref_slice %arg5[%dma_start3A_143, %dma_start3A_149] : memref<256x200xi32, #tpu.memory_space<vmem>> -> memref<1x72xi32, #tpu.memory_space<vmem>>
      %dma_start3A_151 = tpu.memref_squeeze %dma_start3A_150 : memref<1x72xi32, #tpu.memory_space<vmem>> -> memref<72xi32, #tpu.memory_space<vmem>>
      %dma_start3A_152 = arith.constant 0 : i32
      %dma_start3A_153 = arith.constant 0 : i32
      %dma_start3A_154 = tpu.memref_slice %arg3[%dma_start3A_152, %dma_start3A_153] : memref<1048576x32xf32, #tpu.memory_space<hbm>> -> memref<1048576x32xf32, #tpu.memory_space<hbm>>
      tpu.enqueue_indirect_dma source(%dma_start3A_154 : memref<1048576x32xf32, #tpu.memory_space<hbm>>) target(%dma_start3A_148 : memref<72x32xf32, #tpu.memory_space<vmem>>) offsets(%dma_start3A_151 : memref<72xi32, #tpu.memory_space<vmem>>) semaphore(%arg13 : memref<!tpu.dma_semaphore, #tpu.memory_space<semaphore_mem>>)
      %dma_start3A_155 = arith.constant 6 : i32
      %dma_start3A_156 = arith.constant 6 : i32
      %dma_start3A_157 = arith.constant 0 : i32
      %dma_start3A_158 = arith.constant 0 : i32
      %dma_start3A_159 = tpu.memref_slice %arg6[%dma_start3A_156, %dma_start3A_157, %dma_start3A_158] : memref<8x200x32xf32, #tpu.memory_space<vmem>> -> memref<1x128x32xf32, #tpu.memory_space<vmem>>
      %dma_start3A_160 = tpu.memref_squeeze %dma_start3A_159 : memref<1x128x32xf32, #tpu.memory_space<vmem>> -> memref<128x32xf32, #tpu.memory_space<vmem>>
      %dma_start3A_161 = arith.constant 0 : i32
      %dma_start3A_162 = tpu.memref_slice %arg5[%dma_start3A_155, %dma_start3A_161] : memref<256x200xi32, #tpu.memory_space<vmem>> -> memref<1x128xi32, #tpu.memory_space<vmem>>
      %dma_start3A_163 = tpu.memref_squeeze %dma_start3A_162 : memref<1x128xi32, #tpu.memory_space<vmem>> -> memref<128xi32, #tpu.memory_space<vmem>>
      %dma_start3A_164 = arith.constant 0 : i32
      %dma_start3A_165 = arith.constant 0 : i32
      %dma_start3A_166 = tpu.memref_slice %arg3[%dma_start3A_164, %dma_start3A_165] : memref<1048576x32xf32, #tpu.memory_space<hbm>> -> memref<1048576x32xf32, #tpu.memory_space<hbm>>
      tpu.enqueue_indirect_dma source(%dma_start3A_166 : memref<1048576x32xf32, #tpu.memory_space<hbm>>) target(%dma_start3A_160 : memref<128x32xf32, #tpu.memory_space<vmem>>) offsets(%dma_start3A_163 : memref<128xi32, #tpu.memory_space<vmem>>) semaphore(%arg14 : memref<!tpu.dma_semaphore, #tpu.memory_space<semaphore_mem>>)
      %dma_start3A_167 = arith.constant 6 : i32
      %dma_start3A_168 = arith.constant 6 : i32
      %dma_start3A_169 = arith.constant 128 : i32
      %dma_start3A_170 = arith.constant 0 : i32
      %dma_start3A_171 = tpu.memref_slice %arg6[%dma_start3A_168, %dma_start3A_169, %dma_start3A_170] : memref<8x200x32xf32, #tpu.memory_space<vmem>> -> memref<1x72x32xf32, #tpu.memory_space<vmem>>
      %dma_start3A_172 = tpu.memref_squeeze %dma_start3A_171 : memref<1x72x32xf32, #tpu.memory_space<vmem>> -> memref<72x32xf32, #tpu.memory_space<vmem>>
      %dma_start3A_173 = arith.constant 128 : i32
      %dma_start3A_174 = tpu.memref_slice %arg5[%dma_start3A_167, %dma_start3A_173] : memref<256x200xi32, #tpu.memory_space<vmem>> -> memref<1x72xi32, #tpu.memory_space<vmem>>
      %dma_start3A_175 = tpu.memref_squeeze %dma_start3A_174 : memref<1x72xi32, #tpu.memory_space<vmem>> -> memref<72xi32, #tpu.memory_space<vmem>>
      %dma_start3A_176 = arith.constant 0 : i32
      %dma_start3A_177 = arith.constant 0 : i32
      %dma_start3A_178 = tpu.memref_slice %arg3[%dma_start3A_176, %dma_start3A_177] : memref<1048576x32xf32, #tpu.memory_space<hbm>> -> memref<1048576x32xf32, #tpu.memory_space<hbm>>
      tpu.enqueue_indirect_dma source(%dma_start3A_178 : memref<1048576x32xf32, #tpu.memory_space<hbm>>) target(%dma_start3A_172 : memref<72x32xf32, #tpu.memory_space<vmem>>) offsets(%dma_start3A_175 : memref<72xi32, #tpu.memory_space<vmem>>) semaphore(%arg14 : memref<!tpu.dma_semaphore, #tpu.memory_space<semaphore_mem>>)
      %scan3A_179 = arith.constant 0 : i32
      %scan3A_180 = arith.constant 0 : i32
      %scan3A_181 = arith.constant 32 : i32
      %scan3A_182 = arith.addi %scan3A_180, %scan3A_181 : i32
      %scan3A_183 = arith.constant 1 : i32
      scf.for %scan3A_185 = %scan3A_180 to %scan3A_182 step %scan3A_183  : i32 {
        %mul3A_186 = arith.constant 8 : i32
        %mul3A_187 = arith.muli %scan3A_185, %mul3A_186 : i32
        %add3A_188 = arith.constant 0 : i32
        %add3A_189 = arith.addi %mul3A_187, %add3A_188 : i32
        %add3A_190 = arith.constant 8 : i32
        %add3A_191 = arith.addi %add3A_189, %add3A_190 : i32
        %sub3A = arith.constant 1 : i32
        %sub3A_192 = arith.subi %add3A_191, %sub3A : i32
        %lt3A = arith.constant 256 : i32
        %lt3A_193 = arith.cmpi slt, %sub3A_192, %lt3A : i32
        %convert_element_type3A = arith.extui %lt3A_193 : i1 to i32
        %cond3A = arith.constant 0 : i32
        %cond3A_194 = arith.cmpi ne, %convert_element_type3A, %cond3A : i32
        scf.if %cond3A_194 {
          %add3A_595 = arith.constant 8 : i32
          %add3A_596 = arith.addi %add3A_189, %add3A_595 : i32
          %sub3A_597 = arith.constant 1 : i32
          %sub3A_598 = arith.subi %add3A_596, %sub3A_597 : i32
          %dma_start3A_599 = arith.constant 7 : i32
          %dma_start3A_600 = arith.constant 0 : i32
          %dma_start3A_601 = arith.constant 0 : i32
          %dma_start3A_602 = tpu.memref_slice %arg6[%dma_start3A_599, %dma_start3A_600, %dma_start3A_601] : memref<8x200x32xf32, #tpu.memory_space<vmem>> -> memref<1x128x32xf32, #tpu.memory_space<vmem>>
          %dma_start3A_603 = tpu.memref_squeeze %dma_start3A_602 : memref<1x128x32xf32, #tpu.memory_space<vmem>> -> memref<128x32xf32, #tpu.memory_space<vmem>>
          %dma_start3A_604 = arith.constant 0 : i32
          %dma_start3A_605 = tpu.memref_slice %arg5[%sub3A_598, %dma_start3A_604] : memref<256x200xi32, #tpu.memory_space<vmem>> -> memref<1x128xi32, #tpu.memory_space<vmem>>
          %dma_start3A_606 = tpu.memref_squeeze %dma_start3A_605 : memref<1x128xi32, #tpu.memory_space<vmem>> -> memref<128xi32, #tpu.memory_space<vmem>>
          %dma_start3A_607 = arith.constant 0 : i32
          %dma_start3A_608 = arith.constant 0 : i32
          %dma_start3A_609 = tpu.memref_slice %arg3[%dma_start3A_607, %dma_start3A_608] : memref<1048576x32xf32, #tpu.memory_space<hbm>> -> memref<1048576x32xf32, #tpu.memory_space<hbm>>
          tpu.enqueue_indirect_dma source(%dma_start3A_609 : memref<1048576x32xf32, #tpu.memory_space<hbm>>) target(%dma_start3A_603 : memref<128x32xf32, #tpu.memory_space<vmem>>) offsets(%dma_start3A_606 : memref<128xi32, #tpu.memory_space<vmem>>) semaphore(%arg15 : memref<!tpu.dma_semaphore, #tpu.memory_space<semaphore_mem>>)
          %dma_start3A_610 = arith.constant 7 : i32
          %dma_start3A_611 = arith.constant 128 : i32
          %dma_start3A_612 = arith.constant 0 : i32
          %dma_start3A_613 = tpu.memref_slice %arg6[%dma_start3A_610, %dma_start3A_611, %dma_start3A_612] : memref<8x200x32xf32, #tpu.memory_space<vmem>> -> memref<1x72x32xf32, #tpu.memory_space<vmem>>
          %dma_start3A_614 = tpu.memref_squeeze %dma_start3A_613 : memref<1x72x32xf32, #tpu.memory_space<vmem>> -> memref<72x32xf32, #tpu.memory_space<vmem>>
          %dma_start3A_615 = arith.constant 128 : i32
          %dma_start3A_616 = tpu.memref_slice %arg5[%sub3A_598, %dma_start3A_615] : memref<256x200xi32, #tpu.memory_space<vmem>> -> memref<1x72xi32, #tpu.memory_space<vmem>>
          %dma_start3A_617 = tpu.memref_squeeze %dma_start3A_616 : memref<1x72xi32, #tpu.memory_space<vmem>> -> memref<72xi32, #tpu.memory_space<vmem>>
          %dma_start3A_618 = arith.constant 0 : i32
          %dma_start3A_619 = arith.constant 0 : i32
          %dma_start3A_620 = tpu.memref_slice %arg3[%dma_start3A_618, %dma_start3A_619] : memref<1048576x32xf32, #tpu.memory_space<hbm>> -> memref<1048576x32xf32, #tpu.memory_space<hbm>>
          tpu.enqueue_indirect_dma source(%dma_start3A_620 : memref<1048576x32xf32, #tpu.memory_space<hbm>>) target(%dma_start3A_614 : memref<72x32xf32, #tpu.memory_space<vmem>>) offsets(%dma_start3A_617 : memref<72xi32, #tpu.memory_space<vmem>>) semaphore(%arg15 : memref<!tpu.dma_semaphore, #tpu.memory_space<semaphore_mem>>)
        } else {
        }
        %dma_wait3A = arith.constant 0 : i32
        %dma_wait3A_195 = arith.constant 0 : i32
        %dma_wait3A_196 = arith.constant 0 : i32
        %dma_wait3A_197 = tpu.memref_slice %arg6[%dma_wait3A, %dma_wait3A_195, %dma_wait3A_196] : memref<8x200x32xf32, #tpu.memory_space<vmem>> -> memref<1x200x32xf32, #tpu.memory_space<vmem>>
        %dma_wait3A_198 = tpu.memref_squeeze %dma_wait3A_197 : memref<1x200x32xf32, #tpu.memory_space<vmem>> -> memref<200x32xf32, #tpu.memory_space<vmem>>
        %dma_wait3A_199 = arith.constant 0 : i32
        %dma_wait3A_200 = arith.constant 0 : i32
        %dma_wait3A_201 = tpu.memref_slice %arg3[%dma_wait3A_199, %dma_wait3A_200] : memref<1048576x32xf32, #tpu.memory_space<hbm>> -> memref<200x32xf32, #tpu.memory_space<hbm>>
        %dma_wait3A_202 = arith.constant 0 : i32
        %dma_wait3A_203 = arith.constant 0 : i32
        %dma_wait3A_204 = tpu.memref_slice %arg6[%dma_wait3A, %dma_wait3A_202, %dma_wait3A_203] : memref<8x200x32xf32, #tpu.memory_space<vmem>> -> memref<1x200x32xf32, #tpu.memory_space<vmem>>
        %dma_wait3A_205 = tpu.memref_squeeze %dma_wait3A_204 : memref<1x200x32xf32, #tpu.memory_space<vmem>> -> memref<200x32xf32, #tpu.memory_space<vmem>>
        %dma_wait3A_206 = arith.constant 0 : i32
        %dma_wait3A_207 = arith.constant 0 : i32
        %dma_wait3A_208 = tpu.memref_slice %arg3[%dma_wait3A_206, %dma_wait3A_207] : memref<1048576x32xf32, #tpu.memory_space<hbm>> -> memref<200x32xf32, #tpu.memory_space<hbm>>
        tpu.wait_dma2 semaphore(%arg8 : memref<!tpu.dma_semaphore, #tpu.memory_space<semaphore_mem>>) src(%dma_wait3A_208 : memref<200x32xf32, #tpu.memory_space<hbm>>) dst(%dma_wait3A_205 : memref<200x32xf32, #tpu.memory_space<vmem>>)
        %broadcast_in_dim3A = arith.constant 0.000000e+00 : f32
        %broadcast_in_dim3A_209 = vector.broadcast %broadcast_in_dim3A : f32 to vector<16xf32>
        %scan3A_210 = arith.constant 0 : i32
        %scan3A_211 = arith.constant 25 : i32
        %scan3A_212 = arith.addi %scan3A_210, %scan3A_211 : i32
        %scan3A_213 = arith.constant 1 : i32
        %scan3A_214:8 = scf.for %scan3A_595 = %scan3A_210 to %scan3A_212 step %scan3A_213 iter_args(%scan3A_596 = %broadcast_in_dim3A_209, %scan3A_597 = %broadcast_in_dim3A_209, %scan3A_598 = %broadcast_in_dim3A_209, %scan3A_599 = %broadcast_in_dim3A_209, %scan3A_600 = %broadcast_in_dim3A_209, %scan3A_601 = %broadcast_in_dim3A_209, %scan3A_602 = %broadcast_in_dim3A_209, %scan3A_603 = %broadcast_in_dim3A_209) -> (vector<16xf32>, vector<16xf32>, vector<16xf32>, vector<16xf32>, vector<16xf32>, vector<16xf32>, vector<16xf32>, vector<16xf32>)  : i32 {
          %mul3A_604 = arith.constant 8 : i32
          %mul3A_605 = arith.muli %scan3A_595, %mul3A_604 : i32
          %add3A_606 = arith.constant 0 : i32
          %add3A_607 = arith.addi %mul3A_605, %add3A_606 : i32
          %get3A = arith.constant 0 : i32
          %get3A_608 = arith.index_cast %get3A : i32 to index
          %get3A_609 = arith.index_cast %add3A_607 : i32 to index
          %get3A_610 = arith.constant 0 : index
          %get3A_611 = tpu.vector_load %arg6[%get3A_608, %get3A_609, %get3A_610] {strides = array<i32>} : memref<8x200x32xf32, #tpu.memory_space<vmem>>, vector<1x1x16xf32>,
          %get3A_612 = vector.shape_cast %get3A_611 : vector<1x1x16xf32> to vector<16xf32>
          %add3A_613 = arith.addf %scan3A_596, %get3A_612 : vector<16xf32>
          %add3A_614 = arith.constant 0 : i32
          %add3A_615 = arith.addi %mul3A_605, %add3A_614 : i32
          %get3A_616 = arith.constant 0 : i32
          %get3A_617 = arith.index_cast %get3A_616 : i32 to index
          %get3A_618 = arith.index_cast %add3A_615 : i32 to index
          %get3A_619 = arith.constant 16 : index
          %get3A_620 = tpu.vector_load %arg6[%get3A_617, %get3A_618, %get3A_619] {strides = array<i32>} : memref<8x200x32xf32, #tpu.memory_space<vmem>>, vector<1x1x16xf32>,
          %get3A_621 = vector.shape_cast %get3A_620 : vector<1x1x16xf32> to vector<16xf32>
          %add3A_622 = arith.addf %scan3A_600, %get3A_621 : vector<16xf32>
          %add3A_623 = arith.constant 1 : i32
          %add3A_624 = arith.addi %mul3A_605, %add3A_623 : i32
          %get3A_625 = arith.constant 0 : i32
          %get3A_626 = arith.index_cast %get3A_625 : i32 to index
          %get3A_627 = arith.index_cast %add3A_624 : i32 to index
          %get3A_628 = arith.constant 0 : index
          %get3A_629 = tpu.vector_load %arg6[%get3A_626, %get3A_627, %get3A_628] {strides = array<i32>} : memref<8x200x32xf32, #tpu.memory_space<vmem>>, vector<1x1x16xf32>,
          %get3A_630 = vector.shape_cast %get3A_629 : vector<1x1x16xf32> to vector<16xf32>
          %add3A_631 = arith.addf %scan3A_597, %get3A_630 : vector<16xf32>
          %add3A_632 = arith.constant 1 : i32
          %add3A_633 = arith.addi %mul3A_605, %add3A_632 : i32
          %get3A_634 = arith.constant 0 : i32
          %get3A_635 = arith.index_cast %get3A_634 : i32 to index
          %get3A_636 = arith.index_cast %add3A_633 : i32 to index
          %get3A_637 = arith.constant 16 : index
          %get3A_638 = tpu.vector_load %arg6[%get3A_635, %get3A_636, %get3A_637] {strides = array<i32>} : memref<8x200x32xf32, #tpu.memory_space<vmem>>, vector<1x1x16xf32>,
          %get3A_639 = vector.shape_cast %get3A_638 : vector<1x1x16xf32> to vector<16xf32>
          %add3A_640 = arith.addf %scan3A_601, %get3A_639 : vector<16xf32>
          %add3A_641 = arith.constant 2 : i32
          %add3A_642 = arith.addi %mul3A_605, %add3A_641 : i32
          %get3A_643 = arith.constant 0 : i32
          %get3A_644 = arith.index_cast %get3A_643 : i32 to index
          %get3A_645 = arith.index_cast %add3A_642 : i32 to index
          %get3A_646 = arith.constant 0 : index
          %get3A_647 = tpu.vector_load %arg6[%get3A_644, %get3A_645, %get3A_646] {strides = array<i32>} : memref<8x200x32xf32, #tpu.memory_space<vmem>>, vector<1x1x16xf32>,
          %get3A_648 = vector.shape_cast %get3A_647 : vector<1x1x16xf32> to vector<16xf32>
          %add3A_649 = arith.addf %scan3A_598, %get3A_648 : vector<16xf32>
          %add3A_650 = arith.constant 2 : i32
          %add3A_651 = arith.addi %mul3A_605, %add3A_650 : i32
          %get3A_652 = arith.constant 0 : i32
          %get3A_653 = arith.index_cast %get3A_652 : i32 to index
          %get3A_654 = arith.index_cast %add3A_651 : i32 to index
          %get3A_655 = arith.constant 16 : index
          %get3A_656 = tpu.vector_load %arg6[%get3A_653, %get3A_654, %get3A_655] {strides = array<i32>} : memref<8x200x32xf32, #tpu.memory_space<vmem>>, vector<1x1x16xf32>,
          %get3A_657 = vector.shape_cast %get3A_656 : vector<1x1x16xf32> to vector<16xf32>
          %add3A_658 = arith.addf %scan3A_602, %get3A_657 : vector<16xf32>
          %add3A_659 = arith.constant 3 : i32
          %add3A_660 = arith.addi %mul3A_605, %add3A_659 : i32
          %get3A_661 = arith.constant 0 : i32
          %get3A_662 = arith.index_cast %get3A_661 : i32 to index
          %get3A_663 = arith.index_cast %add3A_660 : i32 to index
          %get3A_664 = arith.constant 0 : index
          %get3A_665 = tpu.vector_load %arg6[%get3A_662, %get3A_663, %get3A_664] {strides = array<i32>} : memref<8x200x32xf32, #tpu.memory_space<vmem>>, vector<1x1x16xf32>,
          %get3A_666 = vector.shape_cast %get3A_665 : vector<1x1x16xf32> to vector<16xf32>
          %add3A_667 = arith.addf %scan3A_599, %get3A_666 : vector<16xf32>
          %add3A_668 = arith.constant 3 : i32
          %add3A_669 = arith.addi %mul3A_605, %add3A_668 : i32
          %get3A_670 = arith.constant 0 : i32
          %get3A_671 = arith.index_cast %get3A_670 : i32 to index
          %get3A_672 = arith.index_cast %add3A_669 : i32 to index
          %get3A_673 = arith.constant 16 : index
          %get3A_674 = tpu.vector_load %arg6[%get3A_671, %get3A_672, %get3A_673] {strides = array<i32>} : memref<8x200x32xf32, #tpu.memory_space<vmem>>, vector<1x1x16xf32>,
          %get3A_675 = vector.shape_cast %get3A_674 : vector<1x1x16xf32> to vector<16xf32>
          %add3A_676 = arith.addf %scan3A_603, %get3A_675 : vector<16xf32>
          %add3A_677 = arith.constant 4 : i32
          %add3A_678 = arith.addi %mul3A_605, %add3A_677 : i32
          %get3A_679 = arith.constant 0 : i32
          %get3A_680 = arith.index_cast %get3A_679 : i32 to index
          %get3A_681 = arith.index_cast %add3A_678 : i32 to index
          %get3A_682 = arith.constant 0 : index
          %get3A_683 = tpu.vector_load %arg6[%get3A_680, %get3A_681, %get3A_682] {strides = array<i32>} : memref<8x200x32xf32, #tpu.memory_space<vmem>>, vector<1x1x16xf32>,
          %get3A_684 = vector.shape_cast %get3A_683 : vector<1x1x16xf32> to vector<16xf32>
          %add3A_685 = arith.addf %add3A_613, %get3A_684 : vector<16xf32>
          %add3A_686 = arith.constant 4 : i32
          %add3A_687 = arith.addi %mul3A_605, %add3A_686 : i32
          %get3A_688 = arith.constant 0 : i32
          %get3A_689 = arith.index_cast %get3A_688 : i32 to index
          %get3A_690 = arith.index_cast %add3A_687 : i32 to index
          %get3A_691 = arith.constant 16 : index
          %get3A_692 = tpu.vector_load %arg6[%get3A_689, %get3A_690, %get3A_691] {strides = array<i32>} : memref<8x200x32xf32, #tpu.memory_space<vmem>>, vector<1x1x16xf32>,
          %get3A_693 = vector.shape_cast %get3A_692 : vector<1x1x16xf32> to vector<16xf32>
          %add3A_694 = arith.addf %add3A_622, %get3A_693 : vector<16xf32>
          %add3A_695 = arith.constant 5 : i32
          %add3A_696 = arith.addi %mul3A_605, %add3A_695 : i32
          %get3A_697 = arith.constant 0 : i32
          %get3A_698 = arith.index_cast %get3A_697 : i32 to index
          %get3A_699 = arith.index_cast %add3A_696 : i32 to index
          %get3A_700 = arith.constant 0 : index
          %get3A_701 = tpu.vector_load %arg6[%get3A_698, %get3A_699, %get3A_700] {strides = array<i32>} : memref<8x200x32xf32, #tpu.memory_space<vmem>>, vector<1x1x16xf32>,
          %get3A_702 = vector.shape_cast %get3A_701 : vector<1x1x16xf32> to vector<16xf32>
          %add3A_703 = arith.addf %add3A_631, %get3A_702 : vector<16xf32>
          %add3A_704 = arith.constant 5 : i32
          %add3A_705 = arith.addi %mul3A_605, %add3A_704 : i32
          %get3A_706 = arith.constant 0 : i32
          %get3A_707 = arith.index_cast %get3A_706 : i32 to index
          %get3A_708 = arith.index_cast %add3A_705 : i32 to index
          %get3A_709 = arith.constant 16 : index
          %get3A_710 = tpu.vector_load %arg6[%get3A_707, %get3A_708, %get3A_709] {strides = array<i32>} : memref<8x200x32xf32, #tpu.memory_space<vmem>>, vector<1x1x16xf32>,
          %get3A_711 = vector.shape_cast %get3A_710 : vector<1x1x16xf32> to vector<16xf32>
          %add3A_712 = arith.addf %add3A_640, %get3A_711 : vector<16xf32>
          %add3A_713 = arith.constant 6 : i32
          %add3A_714 = arith.addi %mul3A_605, %add3A_713 : i32
          %get3A_715 = arith.constant 0 : i32
          %get3A_716 = arith.index_cast %get3A_715 : i32 to index
          %get3A_717 = arith.index_cast %add3A_714 : i32 to index
          %get3A_718 = arith.constant 0 : index
          %get3A_719 = tpu.vector_load %arg6[%get3A_716, %get3A_717, %get3A_718] {strides = array<i32>} : memref<8x200x32xf32, #tpu.memory_space<vmem>>, vector<1x1x16xf32>,
          %get3A_720 = vector.shape_cast %get3A_719 : vector<1x1x16xf32> to vector<16xf32>
          %add3A_721 = arith.addf %add3A_649, %get3A_720 : vector<16xf32>
          %add3A_722 = arith.constant 6 : i32
          %add3A_723 = arith.addi %mul3A_605, %add3A_722 : i32
          %get3A_724 = arith.constant 0 : i32
          %get3A_725 = arith.index_cast %get3A_724 : i32 to index
          %get3A_726 = arith.index_cast %add3A_723 : i32 to index
          %get3A_727 = arith.constant 16 : index
          %get3A_728 = tpu.vector_load %arg6[%get3A_725, %get3A_726, %get3A_727] {strides = array<i32>} : memref<8x200x32xf32, #tpu.memory_space<vmem>>, vector<1x1x16xf32>,
          %get3A_729 = vector.shape_cast %get3A_728 : vector<1x1x16xf32> to vector<16xf32>
          %add3A_730 = arith.addf %add3A_658, %get3A_729 : vector<16xf32>
          %add3A_731 = arith.constant 7 : i32
          %add3A_732 = arith.addi %mul3A_605, %add3A_731 : i32
          %get3A_733 = arith.constant 0 : i32
          %get3A_734 = arith.index_cast %get3A_733 : i32 to index
          %get3A_735 = arith.index_cast %add3A_732 : i32 to index
          %get3A_736 = arith.constant 0 : index
          %get3A_737 = tpu.vector_load %arg6[%get3A_734, %get3A_735, %get3A_736] {strides = array<i32>} : memref<8x200x32xf32, #tpu.memory_space<vmem>>, vector<1x1x16xf32>,
          %get3A_738 = vector.shape_cast %get3A_737 : vector<1x1x16xf32> to vector<16xf32>
          %add3A_739 = arith.addf %add3A_667, %get3A_738 : vector<16xf32>
          %add3A_740 = arith.constant 7 : i32
          %add3A_741 = arith.addi %mul3A_605, %add3A_740 : i32
          %get3A_742 = arith.constant 0 : i32
          %get3A_743 = arith.index_cast %get3A_742 : i32 to index
          %get3A_744 = arith.index_cast %add3A_741 : i32 to index
          %get3A_745 = arith.constant 16 : index
          %get3A_746 = tpu.vector_load %arg6[%get3A_743, %get3A_744, %get3A_745] {strides = array<i32>} : memref<8x200x32xf32, #tpu.memory_space<vmem>>, vector<1x1x16xf32>,
          %get3A_747 = vector.shape_cast %get3A_746 : vector<1x1x16xf32> to vector<16xf32>
          %add3A_748 = arith.addf %add3A_676, %get3A_747 : vector<16xf32>
          scf.yield %add3A_685, %add3A_703, %add3A_721, %add3A_739, %add3A_694, %add3A_712, %add3A_730, %add3A_748 : vector<16xf32>, vector<16xf32>, vector<16xf32>, vector<16xf32>, vector<16xf32>, vector<16xf32>, vector<16xf32>, vector<16xf32>
        }
        %scan3A_215 = arith.constant 25 : i32
        %add3A_216 = arith.addf %scan3A_214#0, %scan3A_214#1 : vector<16xf32>
        %add3A_217 = arith.addf %scan3A_214#2, %scan3A_214#3 : vector<16xf32>
        %add3A_218 = arith.addf %add3A_216, %add3A_217 : vector<16xf32>
        %swap3A = arith.index_cast %add3A_189 : i32 to index
        %swap3A_219 = arith.constant 0 : index
        %swap3A_220 = tpu.vector_load %arg7[%swap3A, %swap3A_219] {strides = array<i32>} : memref<256x32xf32, #tpu.memory_space<vmem>>, vector<1x16xf32>,
        %swap3A_221 = vector.shape_cast %swap3A_220 : vector<1x16xf32> to vector<16xf32>
        %swap3A_222 = vector.shape_cast %add3A_218 : vector<16xf32> to vector<1x16xf32>
        tpu.vector_store %arg7[%swap3A, %swap3A_219], %swap3A_222 {strides = array<i32>} : memref<256x32xf32, #tpu.memory_space<vmem>>, vector<1x16xf32>,
        %add3A_223 = arith.addf %scan3A_214#4, %scan3A_214#5 : vector<16xf32>
        %add3A_224 = arith.addf %scan3A_214#6, %scan3A_214#7 : vector<16xf32>
        %add3A_225 = arith.addf %add3A_223, %add3A_224 : vector<16xf32>
        %swap3A_226 = arith.index_cast %add3A_189 : i32 to index
        %swap3A_227 = arith.constant 16 : index
        %swap3A_228 = tpu.vector_load %arg7[%swap3A_226, %swap3A_227] {strides = array<i32>} : memref<256x32xf32, #tpu.memory_space<vmem>>, vector<1x16xf32>,
        %swap3A_229 = vector.shape_cast %swap3A_228 : vector<1x16xf32> to vector<16xf32>
        %swap3A_230 = vector.shape_cast %add3A_225 : vector<16xf32> to vector<1x16xf32>
        tpu.vector_store %arg7[%swap3A_226, %swap3A_227], %swap3A_230 {strides = array<i32>} : memref<256x32xf32, #tpu.memory_space<vmem>>, vector<1x16xf32>,
        %mul3A_231 = arith.constant 8 : i32
        %mul3A_232 = arith.muli %scan3A_185, %mul3A_231 : i32
        %add3A_233 = arith.constant 1 : i32
        %add3A_234 = arith.addi %mul3A_232, %add3A_233 : i32
        %add3A_235 = arith.constant 8 : i32
        %add3A_236 = arith.addi %add3A_234, %add3A_235 : i32
        %sub3A_237 = arith.constant 1 : i32
        %sub3A_238 = arith.subi %add3A_236, %sub3A_237 : i32
        %lt3A_239 = arith.constant 256 : i32
        %lt3A_240 = arith.cmpi slt, %sub3A_238, %lt3A_239 : i32
        %convert_element_type3A_241 = arith.extui %lt3A_240 : i1 to i32
        %cond3A_242 = arith.constant 0 : i32
        %cond3A_243 = arith.cmpi ne, %convert_element_type3A_241, %cond3A_242 : i32
        scf.if %cond3A_243 {
          %add3A_595 = arith.constant 8 : i32
          %add3A_596 = arith.addi %add3A_234, %add3A_595 : i32
          %sub3A_597 = arith.constant 1 : i32
          %sub3A_598 = arith.subi %add3A_596, %sub3A_597 : i32
          %dma_start3A_599 = arith.constant 0 : i32
          %dma_start3A_600 = arith.constant 0 : i32
          %dma_start3A_601 = arith.constant 0 : i32
          %dma_start3A_602 = tpu.memref_slice %arg6[%dma_start3A_599, %dma_start3A_600, %dma_start3A_601] : memref<8x200x32xf32, #tpu.memory_space<vmem>> -> memref<1x128x32xf32, #tpu.memory_space<vmem>>
          %dma_start3A_603 = tpu.memref_squeeze %dma_start3A_602 : memref<1x128x32xf32, #tpu.memory_space<vmem>> -> memref<128x32xf32, #tpu.memory_space<vmem>>
          %dma_start3A_604 = arith.constant 0 : i32
          %dma_start3A_605 = tpu.memref_slice %arg5[%sub3A_598, %dma_start3A_604] : memref<256x200xi32, #tpu.memory_space<vmem>> -> memref<1x128xi32, #tpu.memory_space<vmem>>
          %dma_start3A_606 = tpu.memref_squeeze %dma_start3A_605 : memref<1x128xi32, #tpu.memory_space<vmem>> -> memref<128xi32, #tpu.memory_space<vmem>>
          %dma_start3A_607 = arith.constant 0 : i32
          %dma_start3A_608 = arith.constant 0 : i32
          %dma_start3A_609 = tpu.memref_slice %arg3[%dma_start3A_607, %dma_start3A_608] : memref<1048576x32xf32, #tpu.memory_space<hbm>> -> memref<1048576x32xf32, #tpu.memory_space<hbm>>
          tpu.enqueue_indirect_dma source(%dma_start3A_609 : memref<1048576x32xf32, #tpu.memory_space<hbm>>) target(%dma_start3A_603 : memref<128x32xf32, #tpu.memory_space<vmem>>) offsets(%dma_start3A_606 : memref<128xi32, #tpu.memory_space<vmem>>) semaphore(%arg8 : memref<!tpu.dma_semaphore, #tpu.memory_space<semaphore_mem>>)
          %dma_start3A_610 = arith.constant 0 : i32
          %dma_start3A_611 = arith.constant 128 : i32
          %dma_start3A_612 = arith.constant 0 : i32
          %dma_start3A_613 = tpu.memref_slice %arg6[%dma_start3A_610, %dma_start3A_611, %dma_start3A_612] : memref<8x200x32xf32, #tpu.memory_space<vmem>> -> memref<1x72x32xf32, #tpu.memory_space<vmem>>
          %dma_start3A_614 = tpu.memref_squeeze %dma_start3A_613 : memref<1x72x32xf32, #tpu.memory_space<vmem>> -> memref<72x32xf32, #tpu.memory_space<vmem>>
          %dma_start3A_615 = arith.constant 128 : i32
          %dma_start3A_616 = tpu.memref_slice %arg5[%sub3A_598, %dma_start3A_615] : memref<256x200xi32, #tpu.memory_space<vmem>> -> memref<1x72xi32, #tpu.memory_space<vmem>>
          %dma_start3A_617 = tpu.memref_squeeze %dma_start3A_616 : memref<1x72xi32, #tpu.memory_space<vmem>> -> memref<72xi32, #tpu.memory_space<vmem>>
          %dma_start3A_618 = arith.constant 0 : i32
          %dma_start3A_619 = arith.constant 0 : i32
          %dma_start3A_620 = tpu.memref_slice %arg3[%dma_start3A_618, %dma_start3A_619] : memref<1048576x32xf32, #tpu.memory_space<hbm>> -> memref<1048576x32xf32, #tpu.memory_space<hbm>>
          tpu.enqueue_indirect_dma source(%dma_start3A_620 : memref<1048576x32xf32, #tpu.memory_space<hbm>>) target(%dma_start3A_614 : memref<72x32xf32, #tpu.memory_space<vmem>>) offsets(%dma_start3A_617 : memref<72xi32, #tpu.memory_space<vmem>>) semaphore(%arg8 : memref<!tpu.dma_semaphore, #tpu.memory_space<semaphore_mem>>)
        } else {
        }
        %dma_wait3A_244 = arith.constant 1 : i32
        %dma_wait3A_245 = arith.constant 0 : i32
        %dma_wait3A_246 = arith.constant 0 : i32
        %dma_wait3A_247 = tpu.memref_slice %arg6[%dma_wait3A_244, %dma_wait3A_245, %dma_wait3A_246] : memref<8x200x32xf32, #tpu.memory_space<vmem>> -> memref<1x200x32xf32, #tpu.memory_space<vmem>>
        %dma_wait3A_248 = tpu.memref_squeeze %dma_wait3A_247 : memref<1x200x32xf32, #tpu.memory_space<vmem>> -> memref<200x32xf32, #tpu.memory_space<vmem>>
        %dma_wait3A_249 = arith.constant 0 : i32
        %dma_wait3A_250 = arith.constant 0 : i32
        %dma_wait3A_251 = tpu.memref_slice %arg3[%dma_wait3A_249, %dma_wait3A_250] : memref<1048576x32xf32, #tpu.memory_space<hbm>> -> memref<200x32xf32, #tpu.memory_space<hbm>>
        %dma_wait3A_252 = arith.constant 0 : i32
        %dma_wait3A_253 = arith.constant 0 : i32
        %dma_wait3A_254 = tpu.memref_slice %arg6[%dma_wait3A_244, %dma_wait3A_252, %dma_wait3A_253] : memref<8x200x32xf32, #tpu.memory_space<vmem>> -> memref<1x200x32xf32, #tpu.memory_space<vmem>>
        %dma_wait3A_255 = tpu.memref_squeeze %dma_wait3A_254 : memref<1x200x32xf32, #tpu.memory_space<vmem>> -> memref<200x32xf32, #tpu.memory_space<vmem>>
        %dma_wait3A_256 = arith.constant 0 : i32
        %dma_wait3A_257 = arith.constant 0 : i32
        %dma_wait3A_258 = tpu.memref_slice %arg3[%dma_wait3A_256, %dma_wait3A_257] : memref<1048576x32xf32, #tpu.memory_space<hbm>> -> memref<200x32xf32, #tpu.memory_space<hbm>>
        tpu.wait_dma2 semaphore(%arg9 : memref<!tpu.dma_semaphore, #tpu.memory_space<semaphore_mem>>) src(%dma_wait3A_258 : memref<200x32xf32, #tpu.memory_space<hbm>>) dst(%dma_wait3A_255 : memref<200x32xf32, #tpu.memory_space<vmem>>)
        %broadcast_in_dim3A_259 = arith.constant 0.000000e+00 : f32
        %broadcast_in_dim3A_260 = vector.broadcast %broadcast_in_dim3A_259 : f32 to vector<16xf32>
        %scan3A_261 = arith.constant 0 : i32
        %scan3A_262 = arith.constant 25 : i32
        %scan3A_263 = arith.addi %scan3A_261, %scan3A_262 : i32
        %scan3A_264 = arith.constant 1 : i32
        %scan3A_265:8 = scf.for %scan3A_595 = %scan3A_261 to %scan3A_263 step %scan3A_264 iter_args(%scan3A_596 = %broadcast_in_dim3A_260, %scan3A_597 = %broadcast_in_dim3A_260, %scan3A_598 = %broadcast_in_dim3A_260, %scan3A_599 = %broadcast_in_dim3A_260, %scan3A_600 = %broadcast_in_dim3A_260, %scan3A_601 = %broadcast_in_dim3A_260, %scan3A_602 = %broadcast_in_dim3A_260, %scan3A_603 = %broadcast_in_dim3A_260) -> (vector<16xf32>, vector<16xf32>, vector<16xf32>, vector<16xf32>, vector<16xf32>, vector<16xf32>, vector<16xf32>, vector<16xf32>)  : i32 {
          %mul3A_604 = arith.constant 8 : i32
          %mul3A_605 = arith.muli %scan3A_595, %mul3A_604 : i32
          %add3A_606 = arith.constant 0 : i32
          %add3A_607 = arith.addi %mul3A_605, %add3A_606 : i32
          %get3A = arith.constant 1 : i32
          %get3A_608 = arith.index_cast %get3A : i32 to index
          %get3A_609 = arith.index_cast %add3A_607 : i32 to index
          %get3A_610 = arith.constant 0 : index
          %get3A_611 = tpu.vector_load %arg6[%get3A_608, %get3A_609, %get3A_610] {strides = array<i32>} : memref<8x200x32xf32, #tpu.memory_space<vmem>>, vector<1x1x16xf32>,
          %get3A_612 = vector.shape_cast %get3A_611 : vector<1x1x16xf32> to vector<16xf32>
          %add3A_613 = arith.addf %scan3A_596, %get3A_612 : vector<16xf32>
          %add3A_614 = arith.constant 0 : i32
          %add3A_615 = arith.addi %mul3A_605, %add3A_614 : i32
          %get3A_616 = arith.constant 1 : i32
          %get3A_617 = arith.index_cast %get3A_616 : i32 to index
          %get3A_618 = arith.index_cast %add3A_615 : i32 to index
          %get3A_619 = arith.constant 16 : index
          %get3A_620 = tpu.vector_load %arg6[%get3A_617, %get3A_618, %get3A_619] {strides = array<i32>} : memref<8x200x32xf32, #tpu.memory_space<vmem>>, vector<1x1x16xf32>,
          %get3A_621 = vector.shape_cast %get3A_620 : vector<1x1x16xf32> to vector<16xf32>
          %add3A_622 = arith.addf %scan3A_600, %get3A_621 : vector<16xf32>
          %add3A_623 = arith.constant 1 : i32
          %add3A_624 = arith.addi %mul3A_605, %add3A_623 : i32
          %get3A_625 = arith.constant 1 : i32
          %get3A_626 = arith.index_cast %get3A_625 : i32 to index
          %get3A_627 = arith.index_cast %add3A_624 : i32 to index
          %get3A_628 = arith.constant 0 : index
          %get3A_629 = tpu.vector_load %arg6[%get3A_626, %get3A_627, %get3A_628] {strides = array<i32>} : memref<8x200x32xf32, #tpu.memory_space<vmem>>, vector<1x1x16xf32>,
          %get3A_630 = vector.shape_cast %get3A_629 : vector<1x1x16xf32> to vector<16xf32>
          %add3A_631 = arith.addf %scan3A_597, %get3A_630 : vector<16xf32>
          %add3A_632 = arith.constant 1 : i32
          %add3A_633 = arith.addi %mul3A_605, %add3A_632 : i32
          %get3A_634 = arith.constant 1 : i32
          %get3A_635 = arith.index_cast %get3A_634 : i32 to index
          %get3A_636 = arith.index_cast %add3A_633 : i32 to index
          %get3A_637 = arith.constant 16 : index
          %get3A_638 = tpu.vector_load %arg6[%get3A_635, %get3A_636, %get3A_637] {strides = array<i32>} : memref<8x200x32xf32, #tpu.memory_space<vmem>>, vector<1x1x16xf32>,
          %get3A_639 = vector.shape_cast %get3A_638 : vector<1x1x16xf32> to vector<16xf32>
          %add3A_640 = arith.addf %scan3A_601, %get3A_639 : vector<16xf32>
          %add3A_641 = arith.constant 2 : i32
          %add3A_642 = arith.addi %mul3A_605, %add3A_641 : i32
          %get3A_643 = arith.constant 1 : i32
          %get3A_644 = arith.index_cast %get3A_643 : i32 to index
          %get3A_645 = arith.index_cast %add3A_642 : i32 to index
          %get3A_646 = arith.constant 0 : index
          %get3A_647 = tpu.vector_load %arg6[%get3A_644, %get3A_645, %get3A_646] {strides = array<i32>} : memref<8x200x32xf32, #tpu.memory_space<vmem>>, vector<1x1x16xf32>,
          %get3A_648 = vector.shape_cast %get3A_647 : vector<1x1x16xf32> to vector<16xf32>
          %add3A_649 = arith.addf %scan3A_598, %get3A_648 : vector<16xf32>
          %add3A_650 = arith.constant 2 : i32
          %add3A_651 = arith.addi %mul3A_605, %add3A_650 : i32
          %get3A_652 = arith.constant 1 : i32
          %get3A_653 = arith.index_cast %get3A_652 : i32 to index
          %get3A_654 = arith.index_cast %add3A_651 : i32 to index
          %get3A_655 = arith.constant 16 : index
          %get3A_656 = tpu.vector_load %arg6[%get3A_653, %get3A_654, %get3A_655] {strides = array<i32>} : memref<8x200x32xf32, #tpu.memory_space<vmem>>, vector<1x1x16xf32>,
          %get3A_657 = vector.shape_cast %get3A_656 : vector<1x1x16xf32> to vector<16xf32>
          %add3A_658 = arith.addf %scan3A_602, %get3A_657 : vector<16xf32>
          %add3A_659 = arith.constant 3 : i32
          %add3A_660 = arith.addi %mul3A_605, %add3A_659 : i32
          %get3A_661 = arith.constant 1 : i32
          %get3A_662 = arith.index_cast %get3A_661 : i32 to index
          %get3A_663 = arith.index_cast %add3A_660 : i32 to index
          %get3A_664 = arith.constant 0 : index
          %get3A_665 = tpu.vector_load %arg6[%get3A_662, %get3A_663, %get3A_664] {strides = array<i32>} : memref<8x200x32xf32, #tpu.memory_space<vmem>>, vector<1x1x16xf32>,
          %get3A_666 = vector.shape_cast %get3A_665 : vector<1x1x16xf32> to vector<16xf32>
          %add3A_667 = arith.addf %scan3A_599, %get3A_666 : vector<16xf32>
          %add3A_668 = arith.constant 3 : i32
          %add3A_669 = arith.addi %mul3A_605, %add3A_668 : i32
          %get3A_670 = arith.constant 1 : i32
          %get3A_671 = arith.index_cast %get3A_670 : i32 to index
          %get3A_672 = arith.index_cast %add3A_669 : i32 to index
          %get3A_673 = arith.constant 16 : index
          %get3A_674 = tpu.vector_load %arg6[%get3A_671, %get3A_672, %get3A_673] {strides = array<i32>} : memref<8x200x32xf32, #tpu.memory_space<vmem>>, vector<1x1x16xf32>,
          %get3A_675 = vector.shape_cast %get3A_674 : vector<1x1x16xf32> to vector<16xf32>
          %add3A_676 = arith.addf %scan3A_603, %get3A_675 : vector<16xf32>
          %add3A_677 = arith.constant 4 : i32
          %add3A_678 = arith.addi %mul3A_605, %add3A_677 : i32
          %get3A_679 = arith.constant 1 : i32
          %get3A_680 = arith.index_cast %get3A_679 : i32 to index
          %get3A_681 = arith.index_cast %add3A_678 : i32 to index
          %get3A_682 = arith.constant 0 : index
          %get3A_683 = tpu.vector_load %arg6[%get3A_680, %get3A_681, %get3A_682] {strides = array<i32>} : memref<8x200x32xf32, #tpu.memory_space<vmem>>, vector<1x1x16xf32>,
          %get3A_684 = vector.shape_cast %get3A_683 : vector<1x1x16xf32> to vector<16xf32>
          %add3A_685 = arith.addf %add3A_613, %get3A_684 : vector<16xf32>
          %add3A_686 = arith.constant 4 : i32
          %add3A_687 = arith.addi %mul3A_605, %add3A_686 : i32
          %get3A_688 = arith.constant 1 : i32
          %get3A_689 = arith.index_cast %get3A_688 : i32 to index
          %get3A_690 = arith.index_cast %add3A_687 : i32 to index
          %get3A_691 = arith.constant 16 : index
          %get3A_692 = tpu.vector_load %arg6[%get3A_689, %get3A_690, %get3A_691] {strides = array<i32>} : memref<8x200x32xf32, #tpu.memory_space<vmem>>, vector<1x1x16xf32>,
          %get3A_693 = vector.shape_cast %get3A_692 : vector<1x1x16xf32> to vector<16xf32>
          %add3A_694 = arith.addf %add3A_622, %get3A_693 : vector<16xf32>
          %add3A_695 = arith.constant 5 : i32
          %add3A_696 = arith.addi %mul3A_605, %add3A_695 : i32
          %get3A_697 = arith.constant 1 : i32
          %get3A_698 = arith.index_cast %get3A_697 : i32 to index
          %get3A_699 = arith.index_cast %add3A_696 : i32 to index
          %get3A_700 = arith.constant 0 : index
          %get3A_701 = tpu.vector_load %arg6[%get3A_698, %get3A_699, %get3A_700] {strides = array<i32>} : memref<8x200x32xf32, #tpu.memory_space<vmem>>, vector<1x1x16xf32>,
          %get3A_702 = vector.shape_cast %get3A_701 : vector<1x1x16xf32> to vector<16xf32>
          %add3A_703 = arith.addf %add3A_631, %get3A_702 : vector<16xf32>
          %add3A_704 = arith.constant 5 : i32
          %add3A_705 = arith.addi %mul3A_605, %add3A_704 : i32
          %get3A_706 = arith.constant 1 : i32
          %get3A_707 = arith.index_cast %get3A_706 : i32 to index
          %get3A_708 = arith.index_cast %add3A_705 : i32 to index
          %get3A_709 = arith.constant 16 : index
          %get3A_710 = tpu.vector_load %arg6[%get3A_707, %get3A_708, %get3A_709] {strides = array<i32>} : memref<8x200x32xf32, #tpu.memory_space<vmem>>, vector<1x1x16xf32>,
          %get3A_711 = vector.shape_cast %get3A_710 : vector<1x1x16xf32> to vector<16xf32>
          %add3A_712 = arith.addf %add3A_640, %get3A_711 : vector<16xf32>
          %add3A_713 = arith.constant 6 : i32
          %add3A_714 = arith.addi %mul3A_605, %add3A_713 : i32
          %get3A_715 = arith.constant 1 : i32
          %get3A_716 = arith.index_cast %get3A_715 : i32 to index
          %get3A_717 = arith.index_cast %add3A_714 : i32 to index
          %get3A_718 = arith.constant 0 : index
          %get3A_719 = tpu.vector_load %arg6[%get3A_716, %get3A_717, %get3A_718] {strides = array<i32>} : memref<8x200x32xf32, #tpu.memory_space<vmem>>, vector<1x1x16xf32>,
          %get3A_720 = vector.shape_cast %get3A_719 : vector<1x1x16xf32> to vector<16xf32>
          %add3A_721 = arith.addf %add3A_649, %get3A_720 : vector<16xf32>
          %add3A_722 = arith.constant 6 : i32
          %add3A_723 = arith.addi %mul3A_605, %add3A_722 : i32
          %get3A_724 = arith.constant 1 : i32
          %get3A_725 = arith.index_cast %get3A_724 : i32 to index
          %get3A_726 = arith.index_cast %add3A_723 : i32 to index
          %get3A_727 = arith.constant 16 : index
          %get3A_728 = tpu.vector_load %arg6[%get3A_725, %get3A_726, %get3A_727] {strides = array<i32>} : memref<8x200x32xf32, #tpu.memory_space<vmem>>, vector<1x1x16xf32>,
          %get3A_729 = vector.shape_cast %get3A_728 : vector<1x1x16xf32> to vector<16xf32>
          %add3A_730 = arith.addf %add3A_658, %get3A_729 : vector<16xf32>
          %add3A_731 = arith.constant 7 : i32
          %add3A_732 = arith.addi %mul3A_605, %add3A_731 : i32
          %get3A_733 = arith.constant 1 : i32
          %get3A_734 = arith.index_cast %get3A_733 : i32 to index
          %get3A_735 = arith.index_cast %add3A_732 : i32 to index
          %get3A_736 = arith.constant 0 : index
          %get3A_737 = tpu.vector_load %arg6[%get3A_734, %get3A_735, %get3A_736] {strides = array<i32>} : memref<8x200x32xf32, #tpu.memory_space<vmem>>, vector<1x1x16xf32>,
          %get3A_738 = vector.shape_cast %get3A_737 : vector<1x1x16xf32> to vector<16xf32>
          %add3A_739 = arith.addf %add3A_667, %get3A_738 : vector<16xf32>
          %add3A_740 = arith.constant 7 : i32
          %add3A_741 = arith.addi %mul3A_605, %add3A_740 : i32
          %get3A_742 = arith.constant 1 : i32
          %get3A_743 = arith.index_cast %get3A_742 : i32 to index
          %get3A_744 = arith.index_cast %add3A_741 : i32 to index
          %get3A_745 = arith.constant 16 : index
          %get3A_746 = tpu.vector_load %arg6[%get3A_743, %get3A_744, %get3A_745] {strides = array<i32>} : memref<8x200x32xf32, #tpu.memory_space<vmem>>, vector<1x1x16xf32>,
          %get3A_747 = vector.shape_cast %get3A_746 : vector<1x1x16xf32> to vector<16xf32>
          %add3A_748 = arith.addf %add3A_676, %get3A_747 : vector<16xf32>
          scf.yield %add3A_685, %add3A_703, %add3A_721, %add3A_739, %add3A_694, %add3A_712, %add3A_730, %add3A_748 : vector<16xf32>, vector<16xf32>, vector<16xf32>, vector<16xf32>, vector<16xf32>, vector<16xf32>, vector<16xf32>, vector<16xf32>
        }
        %scan3A_266 = arith.constant 25 : i32
        %add3A_267 = arith.addf %scan3A_265#0, %scan3A_265#1 : vector<16xf32>
        %add3A_268 = arith.addf %scan3A_265#2, %scan3A_265#3 : vector<16xf32>
        %add3A_269 = arith.addf %add3A_267, %add3A_268 : vector<16xf32>
        %swap3A_270 = arith.index_cast %add3A_234 : i32 to index
        %swap3A_271 = arith.constant 0 : index
        %swap3A_272 = tpu.vector_load %arg7[%swap3A_270, %swap3A_271] {strides = array<i32>} : memref<256x32xf32, #tpu.memory_space<vmem>>, vector<1x16xf32>,
        %swap3A_273 = vector.shape_cast %swap3A_272 : vector<1x16xf32> to vector<16xf32>
        %swap3A_274 = vector.shape_cast %add3A_269 : vector<16xf32> to vector<1x16xf32>
        tpu.vector_store %arg7[%swap3A_270, %swap3A_271], %swap3A_274 {strides = array<i32>} : memref<256x32xf32, #tpu.memory_space<vmem>>, vector<1x16xf32>,
        %add3A_275 = arith.addf %scan3A_265#4, %scan3A_265#5 : vector<16xf32>
        %add3A_276 = arith.addf %scan3A_265#6, %scan3A_265#7 : vector<16xf32>
        %add3A_277 = arith.addf %add3A_275, %add3A_276 : vector<16xf32>
        %swap3A_278 = arith.index_cast %add3A_234 : i32 to index
        %swap3A_279 = arith.constant 16 : index
        %swap3A_280 = tpu.vector_load %arg7[%swap3A_278, %swap3A_279] {strides = array<i32>} : memref<256x32xf32, #tpu.memory_space<vmem>>, vector<1x16xf32>,
        %swap3A_281 = vector.shape_cast %swap3A_280 : vector<1x16xf32> to vector<16xf32>
        %swap3A_282 = vector.shape_cast %add3A_277 : vector<16xf32> to vector<1x16xf32>
        tpu.vector_store %arg7[%swap3A_278, %swap3A_279], %swap3A_282 {strides = array<i32>} : memref<256x32xf32, #tpu.memory_space<vmem>>, vector<1x16xf32>,
        %mul3A_283 = arith.constant 8 : i32
        %mul3A_284 = arith.muli %scan3A_185, %mul3A_283 : i32
        %add3A_285 = arith.constant 2 : i32
        %add3A_286 = arith.addi %mul3A_284, %add3A_285 : i32
        %add3A_287 = arith.constant 8 : i32
        %add3A_288 = arith.addi %add3A_286, %add3A_287 : i32
        %sub3A_289 = arith.constant 1 : i32
        %sub3A_290 = arith.subi %add3A_288, %sub3A_289 : i32
        %lt3A_291 = arith.constant 256 : i32
        %lt3A_292 = arith.cmpi slt, %sub3A_290, %lt3A_291 : i32
        %convert_element_type3A_293 = arith.extui %lt3A_292 : i1 to i32
        %cond3A_294 = arith.constant 0 : i32
        %cond3A_295 = arith.cmpi ne, %convert_element_type3A_293, %cond3A_294 : i32
        scf.if %cond3A_295 {
          %add3A_595 = arith.constant 8 : i32
          %add3A_596 = arith.addi %add3A_286, %add3A_595 : i32
          %sub3A_597 = arith.constant 1 : i32
          %sub3A_598 = arith.subi %add3A_596, %sub3A_597 : i32
          %dma_start3A_599 = arith.constant 1 : i32
          %dma_start3A_600 = arith.constant 0 : i32
          %dma_start3A_601 = arith.constant 0 : i32
          %dma_start3A_602 = tpu.memref_slice %arg6[%dma_start3A_599, %dma_start3A_600, %dma_start3A_601] : memref<8x200x32xf32, #tpu.memory_space<vmem>> -> memref<1x128x32xf32, #tpu.memory_space<vmem>>
          %dma_start3A_603 = tpu.memref_squeeze %dma_start3A_602 : memref<1x128x32xf32, #tpu.memory_space<vmem>> -> memref<128x32xf32, #tpu.memory_space<vmem>>
          %dma_start3A_604 = arith.constant 0 : i32
          %dma_start3A_605 = tpu.memref_slice %arg5[%sub3A_598, %dma_start3A_604] : memref<256x200xi32, #tpu.memory_space<vmem>> -> memref<1x128xi32, #tpu.memory_space<vmem>>
          %dma_start3A_606 = tpu.memref_squeeze %dma_start3A_605 : memref<1x128xi32, #tpu.memory_space<vmem>> -> memref<128xi32, #tpu.memory_space<vmem>>
          %dma_start3A_607 = arith.constant 0 : i32
          %dma_start3A_608 = arith.constant 0 : i32
          %dma_start3A_609 = tpu.memref_slice %arg3[%dma_start3A_607, %dma_start3A_608] : memref<1048576x32xf32, #tpu.memory_space<hbm>> -> memref<1048576x32xf32, #tpu.memory_space<hbm>>
          tpu.enqueue_indirect_dma source(%dma_start3A_609 : memref<1048576x32xf32, #tpu.memory_space<hbm>>) target(%dma_start3A_603 : memref<128x32xf32, #tpu.memory_space<vmem>>) offsets(%dma_start3A_606 : memref<128xi32, #tpu.memory_space<vmem>>) semaphore(%arg9 : memref<!tpu.dma_semaphore, #tpu.memory_space<semaphore_mem>>)
          %dma_start3A_610 = arith.constant 1 : i32
          %dma_start3A_611 = arith.constant 128 : i32
          %dma_start3A_612 = arith.constant 0 : i32
          %dma_start3A_613 = tpu.memref_slice %arg6[%dma_start3A_610, %dma_start3A_611, %dma_start3A_612] : memref<8x200x32xf32, #tpu.memory_space<vmem>> -> memref<1x72x32xf32, #tpu.memory_space<vmem>>
          %dma_start3A_614 = tpu.memref_squeeze %dma_start3A_613 : memref<1x72x32xf32, #tpu.memory_space<vmem>> -> memref<72x32xf32, #tpu.memory_space<vmem>>
          %dma_start3A_615 = arith.constant 128 : i32
          %dma_start3A_616 = tpu.memref_slice %arg5[%sub3A_598, %dma_start3A_615] : memref<256x200xi32, #tpu.memory_space<vmem>> -> memref<1x72xi32, #tpu.memory_space<vmem>>
          %dma_start3A_617 = tpu.memref_squeeze %dma_start3A_616 : memref<1x72xi32, #tpu.memory_space<vmem>> -> memref<72xi32, #tpu.memory_space<vmem>>
          %dma_start3A_618 = arith.constant 0 : i32
          %dma_start3A_619 = arith.constant 0 : i32
          %dma_start3A_620 = tpu.memref_slice %arg3[%dma_start3A_618, %dma_start3A_619] : memref<1048576x32xf32, #tpu.memory_space<hbm>> -> memref<1048576x32xf32, #tpu.memory_space<hbm>>
          tpu.enqueue_indirect_dma source(%dma_start3A_620 : memref<1048576x32xf32, #tpu.memory_space<hbm>>) target(%dma_start3A_614 : memref<72x32xf32, #tpu.memory_space<vmem>>) offsets(%dma_start3A_617 : memref<72xi32, #tpu.memory_space<vmem>>) semaphore(%arg9 : memref<!tpu.dma_semaphore, #tpu.memory_space<semaphore_mem>>)
        } else {
        }
        %dma_wait3A_296 = arith.constant 2 : i32
        %dma_wait3A_297 = arith.constant 0 : i32
        %dma_wait3A_298 = arith.constant 0 : i32
        %dma_wait3A_299 = tpu.memref_slice %arg6[%dma_wait3A_296, %dma_wait3A_297, %dma_wait3A_298] : memref<8x200x32xf32, #tpu.memory_space<vmem>> -> memref<1x200x32xf32, #tpu.memory_space<vmem>>
        %dma_wait3A_300 = tpu.memref_squeeze %dma_wait3A_299 : memref<1x200x32xf32, #tpu.memory_space<vmem>> -> memref<200x32xf32, #tpu.memory_space<vmem>>
        %dma_wait3A_301 = arith.constant 0 : i32
        %dma_wait3A_302 = arith.constant 0 : i32
        %dma_wait3A_303 = tpu.memref_slice %arg3[%dma_wait3A_301, %dma_wait3A_302] : memref<1048576x32xf32, #tpu.memory_space<hbm>> -> memref<200x32xf32, #tpu.memory_space<hbm>>
        %dma_wait3A_304 = arith.constant 0 : i32
        %dma_wait3A_305 = arith.constant 0 : i32
        %dma_wait3A_306 = tpu.memref_slice %arg6[%dma_wait3A_296, %dma_wait3A_304, %dma_wait3A_305] : memref<8x200x32xf32, #tpu.memory_space<vmem>> -> memref<1x200x32xf32, #tpu.memory_space<vmem>>
        %dma_wait3A_307 = tpu.memref_squeeze %dma_wait3A_306 : memref<1x200x32xf32, #tpu.memory_space<vmem>> -> memref<200x32xf32, #tpu.memory_space<vmem>>
        %dma_wait3A_308 = arith.constant 0 : i32
        %dma_wait3A_309 = arith.constant 0 : i32
        %dma_wait3A_310 = tpu.memref_slice %arg3[%dma_wait3A_308, %dma_wait3A_309] : memref<1048576x32xf32, #tpu.memory_space<hbm>> -> memref<200x32xf32, #tpu.memory_space<hbm>>
        tpu.wait_dma2 semaphore(%arg10 : memref<!tpu.dma_semaphore, #tpu.memory_space<semaphore_mem>>) src(%dma_wait3A_310 : memref<200x32xf32, #tpu.memory_space<hbm>>) dst(%dma_wait3A_307 : memref<200x32xf32, #tpu.memory_space<vmem>>)
        %broadcast_in_dim3A_311 = arith.constant 0.000000e+00 : f32
        %broadcast_in_dim3A_312 = vector.broadcast %broadcast_in_dim3A_311 : f32 to vector<16xf32>
        %scan3A_313 = arith.constant 0 : i32
        %scan3A_314 = arith.constant 25 : i32
        %scan3A_315 = arith.addi %scan3A_313, %scan3A_314 : i32
        %scan3A_316 = arith.constant 1 : i32
        %scan3A_317:8 = scf.for %scan3A_595 = %scan3A_313 to %scan3A_315 step %scan3A_316 iter_args(%scan3A_596 = %broadcast_in_dim3A_312, %scan3A_597 = %broadcast_in_dim3A_312, %scan3A_598 = %broadcast_in_dim3A_312, %scan3A_599 = %broadcast_in_dim3A_312, %scan3A_600 = %broadcast_in_dim3A_312, %scan3A_601 = %broadcast_in_dim3A_312, %scan3A_602 = %broadcast_in_dim3A_312, %scan3A_603 = %broadcast_in_dim3A_312) -> (vector<16xf32>, vector<16xf32>, vector<16xf32>, vector<16xf32>, vector<16xf32>, vector<16xf32>, vector<16xf32>, vector<16xf32>)  : i32 {
          %mul3A_604 = arith.constant 8 : i32
          %mul3A_605 = arith.muli %scan3A_595, %mul3A_604 : i32
          %add3A_606 = arith.constant 0 : i32
          %add3A_607 = arith.addi %mul3A_605, %add3A_606 : i32
          %get3A = arith.constant 2 : i32
          %get3A_608 = arith.index_cast %get3A : i32 to index
          %get3A_609 = arith.index_cast %add3A_607 : i32 to index
          %get3A_610 = arith.constant 0 : index
          %get3A_611 = tpu.vector_load %arg6[%get3A_608, %get3A_609, %get3A_610] {strides = array<i32>} : memref<8x200x32xf32, #tpu.memory_space<vmem>>, vector<1x1x16xf32>,
          %get3A_612 = vector.shape_cast %get3A_611 : vector<1x1x16xf32> to vector<16xf32>
          %add3A_613 = arith.addf %scan3A_596, %get3A_612 : vector<16xf32>
          %add3A_614 = arith.constant 0 : i32
          %add3A_615 = arith.addi %mul3A_605, %add3A_614 : i32
          %get3A_616 = arith.constant 2 : i32
          %get3A_617 = arith.index_cast %get3A_616 : i32 to index
          %get3A_618 = arith.index_cast %add3A_615 : i32 to index
          %get3A_619 = arith.constant 16 : index
          %get3A_620 = tpu.vector_load %arg6[%get3A_617, %get3A_618, %get3A_619] {strides = array<i32>} : memref<8x200x32xf32, #tpu.memory_space<vmem>>, vector<1x1x16xf32>,
          %get3A_621 = vector.shape_cast %get3A_620 : vector<1x1x16xf32> to vector<16xf32>
          %add3A_622 = arith.addf %scan3A_600, %get3A_621 : vector<16xf32>
          %add3A_623 = arith.constant 1 : i32
          %add3A_624 = arith.addi %mul3A_605, %add3A_623 : i32
          %get3A_625 = arith.constant 2 : i32
          %get3A_626 = arith.index_cast %get3A_625 : i32 to index
          %get3A_627 = arith.index_cast %add3A_624 : i32 to index
          %get3A_628 = arith.constant 0 : index
          %get3A_629 = tpu.vector_load %arg6[%get3A_626, %get3A_627, %get3A_628] {strides = array<i32>} : memref<8x200x32xf32, #tpu.memory_space<vmem>>, vector<1x1x16xf32>,
          %get3A_630 = vector.shape_cast %get3A_629 : vector<1x1x16xf32> to vector<16xf32>
          %add3A_631 = arith.addf %scan3A_597, %get3A_630 : vector<16xf32>
          %add3A_632 = arith.constant 1 : i32
          %add3A_633 = arith.addi %mul3A_605, %add3A_632 : i32
          %get3A_634 = arith.constant 2 : i32
          %get3A_635 = arith.index_cast %get3A_634 : i32 to index
          %get3A_636 = arith.index_cast %add3A_633 : i32 to index
          %get3A_637 = arith.constant 16 : index
          %get3A_638 = tpu.vector_load %arg6[%get3A_635, %get3A_636, %get3A_637] {strides = array<i32>} : memref<8x200x32xf32, #tpu.memory_space<vmem>>, vector<1x1x16xf32>,
          %get3A_639 = vector.shape_cast %get3A_638 : vector<1x1x16xf32> to vector<16xf32>
          %add3A_640 = arith.addf %scan3A_601, %get3A_639 : vector<16xf32>
          %add3A_641 = arith.constant 2 : i32
          %add3A_642 = arith.addi %mul3A_605, %add3A_641 : i32
          %get3A_643 = arith.constant 2 : i32
          %get3A_644 = arith.index_cast %get3A_643 : i32 to index
          %get3A_645 = arith.index_cast %add3A_642 : i32 to index
          %get3A_646 = arith.constant 0 : index
          %get3A_647 = tpu.vector_load %arg6[%get3A_644, %get3A_645, %get3A_646] {strides = array<i32>} : memref<8x200x32xf32, #tpu.memory_space<vmem>>, vector<1x1x16xf32>,
          %get3A_648 = vector.shape_cast %get3A_647 : vector<1x1x16xf32> to vector<16xf32>
          %add3A_649 = arith.addf %scan3A_598, %get3A_648 : vector<16xf32>
          %add3A_650 = arith.constant 2 : i32
          %add3A_651 = arith.addi %mul3A_605, %add3A_650 : i32
          %get3A_652 = arith.constant 2 : i32
          %get3A_653 = arith.index_cast %get3A_652 : i32 to index
          %get3A_654 = arith.index_cast %add3A_651 : i32 to index
          %get3A_655 = arith.constant 16 : index
          %get3A_656 = tpu.vector_load %arg6[%get3A_653, %get3A_654, %get3A_655] {strides = array<i32>} : memref<8x200x32xf32, #tpu.memory_space<vmem>>, vector<1x1x16xf32>,
          %get3A_657 = vector.shape_cast %get3A_656 : vector<1x1x16xf32> to vector<16xf32>
          %add3A_658 = arith.addf %scan3A_602, %get3A_657 : vector<16xf32>
          %add3A_659 = arith.constant 3 : i32
          %add3A_660 = arith.addi %mul3A_605, %add3A_659 : i32
          %get3A_661 = arith.constant 2 : i32
          %get3A_662 = arith.index_cast %get3A_661 : i32 to index
          %get3A_663 = arith.index_cast %add3A_660 : i32 to index
          %get3A_664 = arith.constant 0 : index
          %get3A_665 = tpu.vector_load %arg6[%get3A_662, %get3A_663, %get3A_664] {strides = array<i32>} : memref<8x200x32xf32, #tpu.memory_space<vmem>>, vector<1x1x16xf32>,
          %get3A_666 = vector.shape_cast %get3A_665 : vector<1x1x16xf32> to vector<16xf32>
          %add3A_667 = arith.addf %scan3A_599, %get3A_666 : vector<16xf32>
          %add3A_668 = arith.constant 3 : i32
          %add3A_669 = arith.addi %mul3A_605, %add3A_668 : i32
          %get3A_670 = arith.constant 2 : i32
          %get3A_671 = arith.index_cast %get3A_670 : i32 to index
          %get3A_672 = arith.index_cast %add3A_669 : i32 to index
          %get3A_673 = arith.constant 16 : index
          %get3A_674 = tpu.vector_load %arg6[%get3A_671, %get3A_672, %get3A_673] {strides = array<i32>} : memref<8x200x32xf32, #tpu.memory_space<vmem>>, vector<1x1x16xf32>,
          %get3A_675 = vector.shape_cast %get3A_674 : vector<1x1x16xf32> to vector<16xf32>
          %add3A_676 = arith.addf %scan3A_603, %get3A_675 : vector<16xf32>
          %add3A_677 = arith.constant 4 : i32
          %add3A_678 = arith.addi %mul3A_605, %add3A_677 : i32
          %get3A_679 = arith.constant 2 : i32
          %get3A_680 = arith.index_cast %get3A_679 : i32 to index
          %get3A_681 = arith.index_cast %add3A_678 : i32 to index
          %get3A_682 = arith.constant 0 : index
          %get3A_683 = tpu.vector_load %arg6[%get3A_680, %get3A_681, %get3A_682] {strides = array<i32>} : memref<8x200x32xf32, #tpu.memory_space<vmem>>, vector<1x1x16xf32>,
          %get3A_684 = vector.shape_cast %get3A_683 : vector<1x1x16xf32> to vector<16xf32>
          %add3A_685 = arith.addf %add3A_613, %get3A_684 : vector<16xf32>
          %add3A_686 = arith.constant 4 : i32
          %add3A_687 = arith.addi %mul3A_605, %add3A_686 : i32
          %get3A_688 = arith.constant 2 : i32
          %get3A_689 = arith.index_cast %get3A_688 : i32 to index
          %get3A_690 = arith.index_cast %add3A_687 : i32 to index
          %get3A_691 = arith.constant 16 : index
          %get3A_692 = tpu.vector_load %arg6[%get3A_689, %get3A_690, %get3A_691] {strides = array<i32>} : memref<8x200x32xf32, #tpu.memory_space<vmem>>, vector<1x1x16xf32>,
          %get3A_693 = vector.shape_cast %get3A_692 : vector<1x1x16xf32> to vector<16xf32>
          %add3A_694 = arith.addf %add3A_622, %get3A_693 : vector<16xf32>
          %add3A_695 = arith.constant 5 : i32
          %add3A_696 = arith.addi %mul3A_605, %add3A_695 : i32
          %get3A_697 = arith.constant 2 : i32
          %get3A_698 = arith.index_cast %get3A_697 : i32 to index
          %get3A_699 = arith.index_cast %add3A_696 : i32 to index
          %get3A_700 = arith.constant 0 : index
          %get3A_701 = tpu.vector_load %arg6[%get3A_698, %get3A_699, %get3A_700] {strides = array<i32>} : memref<8x200x32xf32, #tpu.memory_space<vmem>>, vector<1x1x16xf32>,
          %get3A_702 = vector.shape_cast %get3A_701 : vector<1x1x16xf32> to vector<16xf32>
          %add3A_703 = arith.addf %add3A_631, %get3A_702 : vector<16xf32>
          %add3A_704 = arith.constant 5 : i32
          %add3A_705 = arith.addi %mul3A_605, %add3A_704 : i32
          %get3A_706 = arith.constant 2 : i32
          %get3A_707 = arith.index_cast %get3A_706 : i32 to index
          %get3A_708 = arith.index_cast %add3A_705 : i32 to index
          %get3A_709 = arith.constant 16 : index
          %get3A_710 = tpu.vector_load %arg6[%get3A_707, %get3A_708, %get3A_709] {strides = array<i32>} : memref<8x200x32xf32, #tpu.memory_space<vmem>>, vector<1x1x16xf32>,
          %get3A_711 = vector.shape_cast %get3A_710 : vector<1x1x16xf32> to vector<16xf32>
          %add3A_712 = arith.addf %add3A_640, %get3A_711 : vector<16xf32>
          %add3A_713 = arith.constant 6 : i32
          %add3A_714 = arith.addi %mul3A_605, %add3A_713 : i32
          %get3A_715 = arith.constant 2 : i32
          %get3A_716 = arith.index_cast %get3A_715 : i32 to index
          %get3A_717 = arith.index_cast %add3A_714 : i32 to index
          %get3A_718 = arith.constant 0 : index
          %get3A_719 = tpu.vector_load %arg6[%get3A_716, %get3A_717, %get3A_718] {strides = array<i32>} : memref<8x200x32xf32, #tpu.memory_space<vmem>>, vector<1x1x16xf32>,
          %get3A_720 = vector.shape_cast %get3A_719 : vector<1x1x16xf32> to vector<16xf32>
          %add3A_721 = arith.addf %add3A_649, %get3A_720 : vector<16xf32>
          %add3A_722 = arith.constant 6 : i32
          %add3A_723 = arith.addi %mul3A_605, %add3A_722 : i32
          %get3A_724 = arith.constant 2 : i32
          %get3A_725 = arith.index_cast %get3A_724 : i32 to index
          %get3A_726 = arith.index_cast %add3A_723 : i32 to index
          %get3A_727 = arith.constant 16 : index
          %get3A_728 = tpu.vector_load %arg6[%get3A_725, %get3A_726, %get3A_727] {strides = array<i32>} : memref<8x200x32xf32, #tpu.memory_space<vmem>>, vector<1x1x16xf32>,
          %get3A_729 = vector.shape_cast %get3A_728 : vector<1x1x16xf32> to vector<16xf32>
          %add3A_730 = arith.addf %add3A_658, %get3A_729 : vector<16xf32>
          %add3A_731 = arith.constant 7 : i32
          %add3A_732 = arith.addi %mul3A_605, %add3A_731 : i32
          %get3A_733 = arith.constant 2 : i32
          %get3A_734 = arith.index_cast %get3A_733 : i32 to index
          %get3A_735 = arith.index_cast %add3A_732 : i32 to index
          %get3A_736 = arith.constant 0 : index
          %get3A_737 = tpu.vector_load %arg6[%get3A_734, %get3A_735, %get3A_736] {strides = array<i32>} : memref<8x200x32xf32, #tpu.memory_space<vmem>>, vector<1x1x16xf32>,
          %get3A_738 = vector.shape_cast %get3A_737 : vector<1x1x16xf32> to vector<16xf32>
          %add3A_739 = arith.addf %add3A_667, %get3A_738 : vector<16xf32>
          %add3A_740 = arith.constant 7 : i32
          %add3A_741 = arith.addi %mul3A_605, %add3A_740 : i32
          %get3A_742 = arith.constant 2 : i32
          %get3A_743 = arith.index_cast %get3A_742 : i32 to index
          %get3A_744 = arith.index_cast %add3A_741 : i32 to index
          %get3A_745 = arith.constant 16 : index
          %get3A_746 = tpu.vector_load %arg6[%get3A_743, %get3A_744, %get3A_745] {strides = array<i32>} : memref<8x200x32xf32, #tpu.memory_space<vmem>>, vector<1x1x16xf32>,
          %get3A_747 = vector.shape_cast %get3A_746 : vector<1x1x16xf32> to vector<16xf32>
          %add3A_748 = arith.addf %add3A_676, %get3A_747 : vector<16xf32>
          scf.yield %add3A_685, %add3A_703, %add3A_721, %add3A_739, %add3A_694, %add3A_712, %add3A_730, %add3A_748 : vector<16xf32>, vector<16xf32>, vector<16xf32>, vector<16xf32>, vector<16xf32>, vector<16xf32>, vector<16xf32>, vector<16xf32>
        }
        %scan3A_318 = arith.constant 25 : i32
        %add3A_319 = arith.addf %scan3A_317#0, %scan3A_317#1 : vector<16xf32>
        %add3A_320 = arith.addf %scan3A_317#2, %scan3A_317#3 : vector<16xf32>
        %add3A_321 = arith.addf %add3A_319, %add3A_320 : vector<16xf32>
        %swap3A_322 = arith.index_cast %add3A_286 : i32 to index
        %swap3A_323 = arith.constant 0 : index
        %swap3A_324 = tpu.vector_load %arg7[%swap3A_322, %swap3A_323] {strides = array<i32>} : memref<256x32xf32, #tpu.memory_space<vmem>>, vector<1x16xf32>,
        %swap3A_325 = vector.shape_cast %swap3A_324 : vector<1x16xf32> to vector<16xf32>
        %swap3A_326 = vector.shape_cast %add3A_321 : vector<16xf32> to vector<1x16xf32>
        tpu.vector_store %arg7[%swap3A_322, %swap3A_323], %swap3A_326 {strides = array<i32>} : memref<256x32xf32, #tpu.memory_space<vmem>>, vector<1x16xf32>,
        %add3A_327 = arith.addf %scan3A_317#4, %scan3A_317#5 : vector<16xf32>
        %add3A_328 = arith.addf %scan3A_317#6, %scan3A_317#7 : vector<16xf32>
        %add3A_329 = arith.addf %add3A_327, %add3A_328 : vector<16xf32>
        %swap3A_330 = arith.index_cast %add3A_286 : i32 to index
        %swap3A_331 = arith.constant 16 : index
        %swap3A_332 = tpu.vector_load %arg7[%swap3A_330, %swap3A_331] {strides = array<i32>} : memref<256x32xf32, #tpu.memory_space<vmem>>, vector<1x16xf32>,
        %swap3A_333 = vector.shape_cast %swap3A_332 : vector<1x16xf32> to vector<16xf32>
        %swap3A_334 = vector.shape_cast %add3A_329 : vector<16xf32> to vector<1x16xf32>
        tpu.vector_store %arg7[%swap3A_330, %swap3A_331], %swap3A_334 {strides = array<i32>} : memref<256x32xf32, #tpu.memory_space<vmem>>, vector<1x16xf32>,
        %mul3A_335 = arith.constant 8 : i32
        %mul3A_336 = arith.muli %scan3A_185, %mul3A_335 : i32
        %add3A_337 = arith.constant 3 : i32
        %add3A_338 = arith.addi %mul3A_336, %add3A_337 : i32
        %add3A_339 = arith.constant 8 : i32
        %add3A_340 = arith.addi %add3A_338, %add3A_339 : i32
        %sub3A_341 = arith.constant 1 : i32
        %sub3A_342 = arith.subi %add3A_340, %sub3A_341 : i32
        %lt3A_343 = arith.constant 256 : i32
        %lt3A_344 = arith.cmpi slt, %sub3A_342, %lt3A_343 : i32
        %convert_element_type3A_345 = arith.extui %lt3A_344 : i1 to i32
        %cond3A_346 = arith.constant 0 : i32
        %cond3A_347 = arith.cmpi ne, %convert_element_type3A_345, %cond3A_346 : i32
        scf.if %cond3A_347 {
          %add3A_595 = arith.constant 8 : i32
          %add3A_596 = arith.addi %add3A_338, %add3A_595 : i32
          %sub3A_597 = arith.constant 1 : i32
          %sub3A_598 = arith.subi %add3A_596, %sub3A_597 : i32
          %dma_start3A_599 = arith.constant 2 : i32
          %dma_start3A_600 = arith.constant 0 : i32
          %dma_start3A_601 = arith.constant 0 : i32
          %dma_start3A_602 = tpu.memref_slice %arg6[%dma_start3A_599, %dma_start3A_600, %dma_start3A_601] : memref<8x200x32xf32, #tpu.memory_space<vmem>> -> memref<1x128x32xf32, #tpu.memory_space<vmem>>
          %dma_start3A_603 = tpu.memref_squeeze %dma_start3A_602 : memref<1x128x32xf32, #tpu.memory_space<vmem>> -> memref<128x32xf32, #tpu.memory_space<vmem>>
          %dma_start3A_604 = arith.constant 0 : i32
          %dma_start3A_605 = tpu.memref_slice %arg5[%sub3A_598, %dma_start3A_604] : memref<256x200xi32, #tpu.memory_space<vmem>> -> memref<1x128xi32, #tpu.memory_space<vmem>>
          %dma_start3A_606 = tpu.memref_squeeze %dma_start3A_605 : memref<1x128xi32, #tpu.memory_space<vmem>> -> memref<128xi32, #tpu.memory_space<vmem>>
          %dma_start3A_607 = arith.constant 0 : i32
          %dma_start3A_608 = arith.constant 0 : i32
          %dma_start3A_609 = tpu.memref_slice %arg3[%dma_start3A_607, %dma_start3A_608] : memref<1048576x32xf32, #tpu.memory_space<hbm>> -> memref<1048576x32xf32, #tpu.memory_space<hbm>>
          tpu.enqueue_indirect_dma source(%dma_start3A_609 : memref<1048576x32xf32, #tpu.memory_space<hbm>>) target(%dma_start3A_603 : memref<128x32xf32, #tpu.memory_space<vmem>>) offsets(%dma_start3A_606 : memref<128xi32, #tpu.memory_space<vmem>>) semaphore(%arg10 : memref<!tpu.dma_semaphore, #tpu.memory_space<semaphore_mem>>)
          %dma_start3A_610 = arith.constant 2 : i32
          %dma_start3A_611 = arith.constant 128 : i32
          %dma_start3A_612 = arith.constant 0 : i32
          %dma_start3A_613 = tpu.memref_slice %arg6[%dma_start3A_610, %dma_start3A_611, %dma_start3A_612] : memref<8x200x32xf32, #tpu.memory_space<vmem>> -> memref<1x72x32xf32, #tpu.memory_space<vmem>>
          %dma_start3A_614 = tpu.memref_squeeze %dma_start3A_613 : memref<1x72x32xf32, #tpu.memory_space<vmem>> -> memref<72x32xf32, #tpu.memory_space<vmem>>
          %dma_start3A_615 = arith.constant 128 : i32
          %dma_start3A_616 = tpu.memref_slice %arg5[%sub3A_598, %dma_start3A_615] : memref<256x200xi32, #tpu.memory_space<vmem>> -> memref<1x72xi32, #tpu.memory_space<vmem>>
          %dma_start3A_617 = tpu.memref_squeeze %dma_start3A_616 : memref<1x72xi32, #tpu.memory_space<vmem>> -> memref<72xi32, #tpu.memory_space<vmem>>
          %dma_start3A_618 = arith.constant 0 : i32
          %dma_start3A_619 = arith.constant 0 : i32
          %dma_start3A_620 = tpu.memref_slice %arg3[%dma_start3A_618, %dma_start3A_619] : memref<1048576x32xf32, #tpu.memory_space<hbm>> -> memref<1048576x32xf32, #tpu.memory_space<hbm>>
          tpu.enqueue_indirect_dma source(%dma_start3A_620 : memref<1048576x32xf32, #tpu.memory_space<hbm>>) target(%dma_start3A_614 : memref<72x32xf32, #tpu.memory_space<vmem>>) offsets(%dma_start3A_617 : memref<72xi32, #tpu.memory_space<vmem>>) semaphore(%arg10 : memref<!tpu.dma_semaphore, #tpu.memory_space<semaphore_mem>>)
        } else {
        }
        %dma_wait3A_348 = arith.constant 3 : i32
        %dma_wait3A_349 = arith.constant 0 : i32
        %dma_wait3A_350 = arith.constant 0 : i32
        %dma_wait3A_351 = tpu.memref_slice %arg6[%dma_wait3A_348, %dma_wait3A_349, %dma_wait3A_350] : memref<8x200x32xf32, #tpu.memory_space<vmem>> -> memref<1x200x32xf32, #tpu.memory_space<vmem>>
        %dma_wait3A_352 = tpu.memref_squeeze %dma_wait3A_351 : memref<1x200x32xf32, #tpu.memory_space<vmem>> -> memref<200x32xf32, #tpu.memory_space<vmem>>
        %dma_wait3A_353 = arith.constant 0 : i32
        %dma_wait3A_354 = arith.constant 0 : i32
        %dma_wait3A_355 = tpu.memref_slice %arg3[%dma_wait3A_353, %dma_wait3A_354] : memref<1048576x32xf32, #tpu.memory_space<hbm>> -> memref<200x32xf32, #tpu.memory_space<hbm>>
        %dma_wait3A_356 = arith.constant 0 : i32
        %dma_wait3A_357 = arith.constant 0 : i32
        %dma_wait3A_358 = tpu.memref_slice %arg6[%dma_wait3A_348, %dma_wait3A_356, %dma_wait3A_357] : memref<8x200x32xf32, #tpu.memory_space<vmem>> -> memref<1x200x32xf32, #tpu.memory_space<vmem>>
        %dma_wait3A_359 = tpu.memref_squeeze %dma_wait3A_358 : memref<1x200x32xf32, #tpu.memory_space<vmem>> -> memref<200x32xf32, #tpu.memory_space<vmem>>
        %dma_wait3A_360 = arith.constant 0 : i32
        %dma_wait3A_361 = arith.constant 0 : i32
        %dma_wait3A_362 = tpu.memref_slice %arg3[%dma_wait3A_360, %dma_wait3A_361] : memref<1048576x32xf32, #tpu.memory_space<hbm>> -> memref<200x32xf32, #tpu.memory_space<hbm>>
        tpu.wait_dma2 semaphore(%arg11 : memref<!tpu.dma_semaphore, #tpu.memory_space<semaphore_mem>>) src(%dma_wait3A_362 : memref<200x32xf32, #tpu.memory_space<hbm>>) dst(%dma_wait3A_359 : memref<200x32xf32, #tpu.memory_space<vmem>>)
        %broadcast_in_dim3A_363 = arith.constant 0.000000e+00 : f32
        %broadcast_in_dim3A_364 = vector.broadcast %broadcast_in_dim3A_363 : f32 to vector<16xf32>
        %scan3A_365 = arith.constant 0 : i32
        %scan3A_366 = arith.constant 25 : i32
        %scan3A_367 = arith.addi %scan3A_365, %scan3A_366 : i32
        %scan3A_368 = arith.constant 1 : i32
        %scan3A_369:8 = scf.for %scan3A_595 = %scan3A_365 to %scan3A_367 step %scan3A_368 iter_args(%scan3A_596 = %broadcast_in_dim3A_364, %scan3A_597 = %broadcast_in_dim3A_364, %scan3A_598 = %broadcast_in_dim3A_364, %scan3A_599 = %broadcast_in_dim3A_364, %scan3A_600 = %broadcast_in_dim3A_364, %scan3A_601 = %broadcast_in_dim3A_364, %scan3A_602 = %broadcast_in_dim3A_364, %scan3A_603 = %broadcast_in_dim3A_364) -> (vector<16xf32>, vector<16xf32>, vector<16xf32>, vector<16xf32>, vector<16xf32>, vector<16xf32>, vector<16xf32>, vector<16xf32>)  : i32 {
          %mul3A_604 = arith.constant 8 : i32
          %mul3A_605 = arith.muli %scan3A_595, %mul3A_604 : i32
          %add3A_606 = arith.constant 0 : i32
          %add3A_607 = arith.addi %mul3A_605, %add3A_606 : i32
          %get3A = arith.constant 3 : i32
          %get3A_608 = arith.index_cast %get3A : i32 to index
          %get3A_609 = arith.index_cast %add3A_607 : i32 to index
          %get3A_610 = arith.constant 0 : index
          %get3A_611 = tpu.vector_load %arg6[%get3A_608, %get3A_609, %get3A_610] {strides = array<i32>} : memref<8x200x32xf32, #tpu.memory_space<vmem>>, vector<1x1x16xf32>,
          %get3A_612 = vector.shape_cast %get3A_611 : vector<1x1x16xf32> to vector<16xf32>
          %add3A_613 = arith.addf %scan3A_596, %get3A_612 : vector<16xf32>
          %add3A_614 = arith.constant 0 : i32
          %add3A_615 = arith.addi %mul3A_605, %add3A_614 : i32
          %get3A_616 = arith.constant 3 : i32
          %get3A_617 = arith.index_cast %get3A_616 : i32 to index
          %get3A_618 = arith.index_cast %add3A_615 : i32 to index
          %get3A_619 = arith.constant 16 : index
          %get3A_620 = tpu.vector_load %arg6[%get3A_617, %get3A_618, %get3A_619] {strides = array<i32>} : memref<8x200x32xf32, #tpu.memory_space<vmem>>, vector<1x1x16xf32>,
          %get3A_621 = vector.shape_cast %get3A_620 : vector<1x1x16xf32> to vector<16xf32>
          %add3A_622 = arith.addf %scan3A_600, %get3A_621 : vector<16xf32>
          %add3A_623 = arith.constant 1 : i32
          %add3A_624 = arith.addi %mul3A_605, %add3A_623 : i32
          %get3A_625 = arith.constant 3 : i32
          %get3A_626 = arith.index_cast %get3A_625 : i32 to index
          %get3A_627 = arith.index_cast %add3A_624 : i32 to index
          %get3A_628 = arith.constant 0 : index
          %get3A_629 = tpu.vector_load %arg6[%get3A_626, %get3A_627, %get3A_628] {strides = array<i32>} : memref<8x200x32xf32, #tpu.memory_space<vmem>>, vector<1x1x16xf32>,
          %get3A_630 = vector.shape_cast %get3A_629 : vector<1x1x16xf32> to vector<16xf32>
          %add3A_631 = arith.addf %scan3A_597, %get3A_630 : vector<16xf32>
          %add3A_632 = arith.constant 1 : i32
          %add3A_633 = arith.addi %mul3A_605, %add3A_632 : i32
          %get3A_634 = arith.constant 3 : i32
          %get3A_635 = arith.index_cast %get3A_634 : i32 to index
          %get3A_636 = arith.index_cast %add3A_633 : i32 to index
          %get3A_637 = arith.constant 16 : index
          %get3A_638 = tpu.vector_load %arg6[%get3A_635, %get3A_636, %get3A_637] {strides = array<i32>} : memref<8x200x32xf32, #tpu.memory_space<vmem>>, vector<1x1x16xf32>,
          %get3A_639 = vector.shape_cast %get3A_638 : vector<1x1x16xf32> to vector<16xf32>
          %add3A_640 = arith.addf %scan3A_601, %get3A_639 : vector<16xf32>
          %add3A_641 = arith.constant 2 : i32
          %add3A_642 = arith.addi %mul3A_605, %add3A_641 : i32
          %get3A_643 = arith.constant 3 : i32
          %get3A_644 = arith.index_cast %get3A_643 : i32 to index
          %get3A_645 = arith.index_cast %add3A_642 : i32 to index
          %get3A_646 = arith.constant 0 : index
          %get3A_647 = tpu.vector_load %arg6[%get3A_644, %get3A_645, %get3A_646] {strides = array<i32>} : memref<8x200x32xf32, #tpu.memory_space<vmem>>, vector<1x1x16xf32>,
          %get3A_648 = vector.shape_cast %get3A_647 : vector<1x1x16xf32> to vector<16xf32>
          %add3A_649 = arith.addf %scan3A_598, %get3A_648 : vector<16xf32>
          %add3A_650 = arith.constant 2 : i32
          %add3A_651 = arith.addi %mul3A_605, %add3A_650 : i32
          %get3A_652 = arith.constant 3 : i32
          %get3A_653 = arith.index_cast %get3A_652 : i32 to index
          %get3A_654 = arith.index_cast %add3A_651 : i32 to index
          %get3A_655 = arith.constant 16 : index
          %get3A_656 = tpu.vector_load %arg6[%get3A_653, %get3A_654, %get3A_655] {strides = array<i32>} : memref<8x200x32xf32, #tpu.memory_space<vmem>>, vector<1x1x16xf32>,
          %get3A_657 = vector.shape_cast %get3A_656 : vector<1x1x16xf32> to vector<16xf32>
          %add3A_658 = arith.addf %scan3A_602, %get3A_657 : vector<16xf32>
          %add3A_659 = arith.constant 3 : i32
          %add3A_660 = arith.addi %mul3A_605, %add3A_659 : i32
          %get3A_661 = arith.constant 3 : i32
          %get3A_662 = arith.index_cast %get3A_661 : i32 to index
          %get3A_663 = arith.index_cast %add3A_660 : i32 to index
          %get3A_664 = arith.constant 0 : index
          %get3A_665 = tpu.vector_load %arg6[%get3A_662, %get3A_663, %get3A_664] {strides = array<i32>} : memref<8x200x32xf32, #tpu.memory_space<vmem>>, vector<1x1x16xf32>,
          %get3A_666 = vector.shape_cast %get3A_665 : vector<1x1x16xf32> to vector<16xf32>
          %add3A_667 = arith.addf %scan3A_599, %get3A_666 : vector<16xf32>
          %add3A_668 = arith.constant 3 : i32
          %add3A_669 = arith.addi %mul3A_605, %add3A_668 : i32
          %get3A_670 = arith.constant 3 : i32
          %get3A_671 = arith.index_cast %get3A_670 : i32 to index
          %get3A_672 = arith.index_cast %add3A_669 : i32 to index
          %get3A_673 = arith.constant 16 : index
          %get3A_674 = tpu.vector_load %arg6[%get3A_671, %get3A_672, %get3A_673] {strides = array<i32>} : memref<8x200x32xf32, #tpu.memory_space<vmem>>, vector<1x1x16xf32>,
          %get3A_675 = vector.shape_cast %get3A_674 : vector<1x1x16xf32> to vector<16xf32>
          %add3A_676 = arith.addf %scan3A_603, %get3A_675 : vector<16xf32>
          %add3A_677 = arith.constant 4 : i32
          %add3A_678 = arith.addi %mul3A_605, %add3A_677 : i32
          %get3A_679 = arith.constant 3 : i32
          %get3A_680 = arith.index_cast %get3A_679 : i32 to index
          %get3A_681 = arith.index_cast %add3A_678 : i32 to index
          %get3A_682 = arith.constant 0 : index
          %get3A_683 = tpu.vector_load %arg6[%get3A_680, %get3A_681, %get3A_682] {strides = array<i32>} : memref<8x200x32xf32, #tpu.memory_space<vmem>>, vector<1x1x16xf32>,
          %get3A_684 = vector.shape_cast %get3A_683 : vector<1x1x16xf32> to vector<16xf32>
          %add3A_685 = arith.addf %add3A_613, %get3A_684 : vector<16xf32>
          %add3A_686 = arith.constant 4 : i32
          %add3A_687 = arith.addi %mul3A_605, %add3A_686 : i32
          %get3A_688 = arith.constant 3 : i32
          %get3A_689 = arith.index_cast %get3A_688 : i32 to index
          %get3A_690 = arith.index_cast %add3A_687 : i32 to index
          %get3A_691 = arith.constant 16 : index
          %get3A_692 = tpu.vector_load %arg6[%get3A_689, %get3A_690, %get3A_691] {strides = array<i32>} : memref<8x200x32xf32, #tpu.memory_space<vmem>>, vector<1x1x16xf32>,
          %get3A_693 = vector.shape_cast %get3A_692 : vector<1x1x16xf32> to vector<16xf32>
          %add3A_694 = arith.addf %add3A_622, %get3A_693 : vector<16xf32>
          %add3A_695 = arith.constant 5 : i32
          %add3A_696 = arith.addi %mul3A_605, %add3A_695 : i32
          %get3A_697 = arith.constant 3 : i32
          %get3A_698 = arith.index_cast %get3A_697 : i32 to index
          %get3A_699 = arith.index_cast %add3A_696 : i32 to index
          %get3A_700 = arith.constant 0 : index
          %get3A_701 = tpu.vector_load %arg6[%get3A_698, %get3A_699, %get3A_700] {strides = array<i32>} : memref<8x200x32xf32, #tpu.memory_space<vmem>>, vector<1x1x16xf32>,
          %get3A_702 = vector.shape_cast %get3A_701 : vector<1x1x16xf32> to vector<16xf32>
          %add3A_703 = arith.addf %add3A_631, %get3A_702 : vector<16xf32>
          %add3A_704 = arith.constant 5 : i32
          %add3A_705 = arith.addi %mul3A_605, %add3A_704 : i32
          %get3A_706 = arith.constant 3 : i32
          %get3A_707 = arith.index_cast %get3A_706 : i32 to index
          %get3A_708 = arith.index_cast %add3A_705 : i32 to index
          %get3A_709 = arith.constant 16 : index
          %get3A_710 = tpu.vector_load %arg6[%get3A_707, %get3A_708, %get3A_709] {strides = array<i32>} : memref<8x200x32xf32, #tpu.memory_space<vmem>>, vector<1x1x16xf32>,
          %get3A_711 = vector.shape_cast %get3A_710 : vector<1x1x16xf32> to vector<16xf32>
          %add3A_712 = arith.addf %add3A_640, %get3A_711 : vector<16xf32>
          %add3A_713 = arith.constant 6 : i32
          %add3A_714 = arith.addi %mul3A_605, %add3A_713 : i32
          %get3A_715 = arith.constant 3 : i32
          %get3A_716 = arith.index_cast %get3A_715 : i32 to index
          %get3A_717 = arith.index_cast %add3A_714 : i32 to index
          %get3A_718 = arith.constant 0 : index
          %get3A_719 = tpu.vector_load %arg6[%get3A_716, %get3A_717, %get3A_718] {strides = array<i32>} : memref<8x200x32xf32, #tpu.memory_space<vmem>>, vector<1x1x16xf32>,
          %get3A_720 = vector.shape_cast %get3A_719 : vector<1x1x16xf32> to vector<16xf32>
          %add3A_721 = arith.addf %add3A_649, %get3A_720 : vector<16xf32>
          %add3A_722 = arith.constant 6 : i32
          %add3A_723 = arith.addi %mul3A_605, %add3A_722 : i32
          %get3A_724 = arith.constant 3 : i32
          %get3A_725 = arith.index_cast %get3A_724 : i32 to index
          %get3A_726 = arith.index_cast %add3A_723 : i32 to index
          %get3A_727 = arith.constant 16 : index
          %get3A_728 = tpu.vector_load %arg6[%get3A_725, %get3A_726, %get3A_727] {strides = array<i32>} : memref<8x200x32xf32, #tpu.memory_space<vmem>>, vector<1x1x16xf32>,
          %get3A_729 = vector.shape_cast %get3A_728 : vector<1x1x16xf32> to vector<16xf32>
          %add3A_730 = arith.addf %add3A_658, %get3A_729 : vector<16xf32>
          %add3A_731 = arith.constant 7 : i32
          %add3A_732 = arith.addi %mul3A_605, %add3A_731 : i32
          %get3A_733 = arith.constant 3 : i32
          %get3A_734 = arith.index_cast %get3A_733 : i32 to index
          %get3A_735 = arith.index_cast %add3A_732 : i32 to index
          %get3A_736 = arith.constant 0 : index
          %get3A_737 = tpu.vector_load %arg6[%get3A_734, %get3A_735, %get3A_736] {strides = array<i32>} : memref<8x200x32xf32, #tpu.memory_space<vmem>>, vector<1x1x16xf32>,
          %get3A_738 = vector.shape_cast %get3A_737 : vector<1x1x16xf32> to vector<16xf32>
          %add3A_739 = arith.addf %add3A_667, %get3A_738 : vector<16xf32>
          %add3A_740 = arith.constant 7 : i32
          %add3A_741 = arith.addi %mul3A_605, %add3A_740 : i32
          %get3A_742 = arith.constant 3 : i32
          %get3A_743 = arith.index_cast %get3A_742 : i32 to index
          %get3A_744 = arith.index_cast %add3A_741 : i32 to index
          %get3A_745 = arith.constant 16 : index
          %get3A_746 = tpu.vector_load %arg6[%get3A_743, %get3A_744, %get3A_745] {strides = array<i32>} : memref<8x200x32xf32, #tpu.memory_space<vmem>>, vector<1x1x16xf32>,
          %get3A_747 = vector.shape_cast %get3A_746 : vector<1x1x16xf32> to vector<16xf32>
          %add3A_748 = arith.addf %add3A_676, %get3A_747 : vector<16xf32>
          scf.yield %add3A_685, %add3A_703, %add3A_721, %add3A_739, %add3A_694, %add3A_712, %add3A_730, %add3A_748 : vector<16xf32>, vector<16xf32>, vector<16xf32>, vector<16xf32>, vector<16xf32>, vector<16xf32>, vector<16xf32>, vector<16xf32>
        }
        %scan3A_370 = arith.constant 25 : i32
        %add3A_371 = arith.addf %scan3A_369#0, %scan3A_369#1 : vector<16xf32>
        %add3A_372 = arith.addf %scan3A_369#2, %scan3A_369#3 : vector<16xf32>
        %add3A_373 = arith.addf %add3A_371, %add3A_372 : vector<16xf32>
        %swap3A_374 = arith.index_cast %add3A_338 : i32 to index
        %swap3A_375 = arith.constant 0 : index
        %swap3A_376 = tpu.vector_load %arg7[%swap3A_374, %swap3A_375] {strides = array<i32>} : memref<256x32xf32, #tpu.memory_space<vmem>>, vector<1x16xf32>,
        %swap3A_377 = vector.shape_cast %swap3A_376 : vector<1x16xf32> to vector<16xf32>
        %swap3A_378 = vector.shape_cast %add3A_373 : vector<16xf32> to vector<1x16xf32>
        tpu.vector_store %arg7[%swap3A_374, %swap3A_375], %swap3A_378 {strides = array<i32>} : memref<256x32xf32, #tpu.memory_space<vmem>>, vector<1x16xf32>,
        %add3A_379 = arith.addf %scan3A_369#4, %scan3A_369#5 : vector<16xf32>
        %add3A_380 = arith.addf %scan3A_369#6, %scan3A_369#7 : vector<16xf32>
        %add3A_381 = arith.addf %add3A_379, %add3A_380 : vector<16xf32>
        %swap3A_382 = arith.index_cast %add3A_338 : i32 to index
        %swap3A_383 = arith.constant 16 : index
        %swap3A_384 = tpu.vector_load %arg7[%swap3A_382, %swap3A_383] {strides = array<i32>} : memref<256x32xf32, #tpu.memory_space<vmem>>, vector<1x16xf32>,
        %swap3A_385 = vector.shape_cast %swap3A_384 : vector<1x16xf32> to vector<16xf32>
        %swap3A_386 = vector.shape_cast %add3A_381 : vector<16xf32> to vector<1x16xf32>
        tpu.vector_store %arg7[%swap3A_382, %swap3A_383], %swap3A_386 {strides = array<i32>} : memref<256x32xf32, #tpu.memory_space<vmem>>, vector<1x16xf32>,
        %mul3A_387 = arith.constant 8 : i32
        %mul3A_388 = arith.muli %scan3A_185, %mul3A_387 : i32
        %add3A_389 = arith.constant 4 : i32
        %add3A_390 = arith.addi %mul3A_388, %add3A_389 : i32
        %add3A_391 = arith.constant 8 : i32
        %add3A_392 = arith.addi %add3A_390, %add3A_391 : i32
        %sub3A_393 = arith.constant 1 : i32
        %sub3A_394 = arith.subi %add3A_392, %sub3A_393 : i32
        %lt3A_395 = arith.constant 256 : i32
        %lt3A_396 = arith.cmpi slt, %sub3A_394, %lt3A_395 : i32
        %convert_element_type3A_397 = arith.extui %lt3A_396 : i1 to i32
        %cond3A_398 = arith.constant 0 : i32
        %cond3A_399 = arith.cmpi ne, %convert_element_type3A_397, %cond3A_398 : i32
        scf.if %cond3A_399 {
          %add3A_595 = arith.constant 8 : i32
          %add3A_596 = arith.addi %add3A_390, %add3A_595 : i32
          %sub3A_597 = arith.constant 1 : i32
          %sub3A_598 = arith.subi %add3A_596, %sub3A_597 : i32
          %dma_start3A_599 = arith.constant 3 : i32
          %dma_start3A_600 = arith.constant 0 : i32
          %dma_start3A_601 = arith.constant 0 : i32
          %dma_start3A_602 = tpu.memref_slice %arg6[%dma_start3A_599, %dma_start3A_600, %dma_start3A_601] : memref<8x200x32xf32, #tpu.memory_space<vmem>> -> memref<1x128x32xf32, #tpu.memory_space<vmem>>
          %dma_start3A_603 = tpu.memref_squeeze %dma_start3A_602 : memref<1x128x32xf32, #tpu.memory_space<vmem>> -> memref<128x32xf32, #tpu.memory_space<vmem>>
          %dma_start3A_604 = arith.constant 0 : i32
          %dma_start3A_605 = tpu.memref_slice %arg5[%sub3A_598, %dma_start3A_604] : memref<256x200xi32, #tpu.memory_space<vmem>> -> memref<1x128xi32, #tpu.memory_space<vmem>>
          %dma_start3A_606 = tpu.memref_squeeze %dma_start3A_605 : memref<1x128xi32, #tpu.memory_space<vmem>> -> memref<128xi32, #tpu.memory_space<vmem>>
          %dma_start3A_607 = arith.constant 0 : i32
          %dma_start3A_608 = arith.constant 0 : i32
          %dma_start3A_609 = tpu.memref_slice %arg3[%dma_start3A_607, %dma_start3A_608] : memref<1048576x32xf32, #tpu.memory_space<hbm>> -> memref<1048576x32xf32, #tpu.memory_space<hbm>>
          tpu.enqueue_indirect_dma source(%dma_start3A_609 : memref<1048576x32xf32, #tpu.memory_space<hbm>>) target(%dma_start3A_603 : memref<128x32xf32, #tpu.memory_space<vmem>>) offsets(%dma_start3A_606 : memref<128xi32, #tpu.memory_space<vmem>>) semaphore(%arg11 : memref<!tpu.dma_semaphore, #tpu.memory_space<semaphore_mem>>)
          %dma_start3A_610 = arith.constant 3 : i32
          %dma_start3A_611 = arith.constant 128 : i32
          %dma_start3A_612 = arith.constant 0 : i32
          %dma_start3A_613 = tpu.memref_slice %arg6[%dma_start3A_610, %dma_start3A_611, %dma_start3A_612] : memref<8x200x32xf32, #tpu.memory_space<vmem>> -> memref<1x72x32xf32, #tpu.memory_space<vmem>>
          %dma_start3A_614 = tpu.memref_squeeze %dma_start3A_613 : memref<1x72x32xf32, #tpu.memory_space<vmem>> -> memref<72x32xf32, #tpu.memory_space<vmem>>
          %dma_start3A_615 = arith.constant 128 : i32
          %dma_start3A_616 = tpu.memref_slice %arg5[%sub3A_598, %dma_start3A_615] : memref<256x200xi32, #tpu.memory_space<vmem>> -> memref<1x72xi32, #tpu.memory_space<vmem>>
          %dma_start3A_617 = tpu.memref_squeeze %dma_start3A_616 : memref<1x72xi32, #tpu.memory_space<vmem>> -> memref<72xi32, #tpu.memory_space<vmem>>
          %dma_start3A_618 = arith.constant 0 : i32
          %dma_start3A_619 = arith.constant 0 : i32
          %dma_start3A_620 = tpu.memref_slice %arg3[%dma_start3A_618, %dma_start3A_619] : memref<1048576x32xf32, #tpu.memory_space<hbm>> -> memref<1048576x32xf32, #tpu.memory_space<hbm>>
          tpu.enqueue_indirect_dma source(%dma_start3A_620 : memref<1048576x32xf32, #tpu.memory_space<hbm>>) target(%dma_start3A_614 : memref<72x32xf32, #tpu.memory_space<vmem>>) offsets(%dma_start3A_617 : memref<72xi32, #tpu.memory_space<vmem>>) semaphore(%arg11 : memref<!tpu.dma_semaphore, #tpu.memory_space<semaphore_mem>>)
        } else {
        }
        %dma_wait3A_400 = arith.constant 4 : i32
        %dma_wait3A_401 = arith.constant 0 : i32
        %dma_wait3A_402 = arith.constant 0 : i32
        %dma_wait3A_403 = tpu.memref_slice %arg6[%dma_wait3A_400, %dma_wait3A_401, %dma_wait3A_402] : memref<8x200x32xf32, #tpu.memory_space<vmem>> -> memref<1x200x32xf32, #tpu.memory_space<vmem>>
        %dma_wait3A_404 = tpu.memref_squeeze %dma_wait3A_403 : memref<1x200x32xf32, #tpu.memory_space<vmem>> -> memref<200x32xf32, #tpu.memory_space<vmem>>
        %dma_wait3A_405 = arith.constant 0 : i32
        %dma_wait3A_406 = arith.constant 0 : i32
        %dma_wait3A_407 = tpu.memref_slice %arg3[%dma_wait3A_405, %dma_wait3A_406] : memref<1048576x32xf32, #tpu.memory_space<hbm>> -> memref<200x32xf32, #tpu.memory_space<hbm>>
        %dma_wait3A_408 = arith.constant 0 : i32
        %dma_wait3A_409 = arith.constant 0 : i32
        %dma_wait3A_410 = tpu.memref_slice %arg6[%dma_wait3A_400, %dma_wait3A_408, %dma_wait3A_409] : memref<8x200x32xf32, #tpu.memory_space<vmem>> -> memref<1x200x32xf32, #tpu.memory_space<vmem>>
        %dma_wait3A_411 = tpu.memref_squeeze %dma_wait3A_410 : memref<1x200x32xf32, #tpu.memory_space<vmem>> -> memref<200x32xf32, #tpu.memory_space<vmem>>
        %dma_wait3A_412 = arith.constant 0 : i32
        %dma_wait3A_413 = arith.constant 0 : i32
        %dma_wait3A_414 = tpu.memref_slice %arg3[%dma_wait3A_412, %dma_wait3A_413] : memref<1048576x32xf32, #tpu.memory_space<hbm>> -> memref<200x32xf32, #tpu.memory_space<hbm>>
        tpu.wait_dma2 semaphore(%arg12 : memref<!tpu.dma_semaphore, #tpu.memory_space<semaphore_mem>>) src(%dma_wait3A_414 : memref<200x32xf32, #tpu.memory_space<hbm>>) dst(%dma_wait3A_411 : memref<200x32xf32, #tpu.memory_space<vmem>>)
        %broadcast_in_dim3A_415 = arith.constant 0.000000e+00 : f32
        %broadcast_in_dim3A_416 = vector.broadcast %broadcast_in_dim3A_415 : f32 to vector<16xf32>
        %scan3A_417 = arith.constant 0 : i32
        %scan3A_418 = arith.constant 25 : i32
        %scan3A_419 = arith.addi %scan3A_417, %scan3A_418 : i32
        %scan3A_420 = arith.constant 1 : i32
        %scan3A_421:8 = scf.for %scan3A_595 = %scan3A_417 to %scan3A_419 step %scan3A_420 iter_args(%scan3A_596 = %broadcast_in_dim3A_416, %scan3A_597 = %broadcast_in_dim3A_416, %scan3A_598 = %broadcast_in_dim3A_416, %scan3A_599 = %broadcast_in_dim3A_416, %scan3A_600 = %broadcast_in_dim3A_416, %scan3A_601 = %broadcast_in_dim3A_416, %scan3A_602 = %broadcast_in_dim3A_416, %scan3A_603 = %broadcast_in_dim3A_416) -> (vector<16xf32>, vector<16xf32>, vector<16xf32>, vector<16xf32>, vector<16xf32>, vector<16xf32>, vector<16xf32>, vector<16xf32>)  : i32 {
          %mul3A_604 = arith.constant 8 : i32
          %mul3A_605 = arith.muli %scan3A_595, %mul3A_604 : i32
          %add3A_606 = arith.constant 0 : i32
          %add3A_607 = arith.addi %mul3A_605, %add3A_606 : i32
          %get3A = arith.constant 4 : i32
          %get3A_608 = arith.index_cast %get3A : i32 to index
          %get3A_609 = arith.index_cast %add3A_607 : i32 to index
          %get3A_610 = arith.constant 0 : index
          %get3A_611 = tpu.vector_load %arg6[%get3A_608, %get3A_609, %get3A_610] {strides = array<i32>} : memref<8x200x32xf32, #tpu.memory_space<vmem>>, vector<1x1x16xf32>,
          %get3A_612 = vector.shape_cast %get3A_611 : vector<1x1x16xf32> to vector<16xf32>
          %add3A_613 = arith.addf %scan3A_596, %get3A_612 : vector<16xf32>
          %add3A_614 = arith.constant 0 : i32
          %add3A_615 = arith.addi %mul3A_605, %add3A_614 : i32
          %get3A_616 = arith.constant 4 : i32
          %get3A_617 = arith.index_cast %get3A_616 : i32 to index
          %get3A_618 = arith.index_cast %add3A_615 : i32 to index
          %get3A_619 = arith.constant 16 : index
          %get3A_620 = tpu.vector_load %arg6[%get3A_617, %get3A_618, %get3A_619] {strides = array<i32>} : memref<8x200x32xf32, #tpu.memory_space<vmem>>, vector<1x1x16xf32>,
          %get3A_621 = vector.shape_cast %get3A_620 : vector<1x1x16xf32> to vector<16xf32>
          %add3A_622 = arith.addf %scan3A_600, %get3A_621 : vector<16xf32>
          %add3A_623 = arith.constant 1 : i32
          %add3A_624 = arith.addi %mul3A_605, %add3A_623 : i32
          %get3A_625 = arith.constant 4 : i32
          %get3A_626 = arith.index_cast %get3A_625 : i32 to index
          %get3A_627 = arith.index_cast %add3A_624 : i32 to index
          %get3A_628 = arith.constant 0 : index
          %get3A_629 = tpu.vector_load %arg6[%get3A_626, %get3A_627, %get3A_628] {strides = array<i32>} : memref<8x200x32xf32, #tpu.memory_space<vmem>>, vector<1x1x16xf32>,
          %get3A_630 = vector.shape_cast %get3A_629 : vector<1x1x16xf32> to vector<16xf32>
          %add3A_631 = arith.addf %scan3A_597, %get3A_630 : vector<16xf32>
          %add3A_632 = arith.constant 1 : i32
          %add3A_633 = arith.addi %mul3A_605, %add3A_632 : i32
          %get3A_634 = arith.constant 4 : i32
          %get3A_635 = arith.index_cast %get3A_634 : i32 to index
          %get3A_636 = arith.index_cast %add3A_633 : i32 to index
          %get3A_637 = arith.constant 16 : index
          %get3A_638 = tpu.vector_load %arg6[%get3A_635, %get3A_636, %get3A_637] {strides = array<i32>} : memref<8x200x32xf32, #tpu.memory_space<vmem>>, vector<1x1x16xf32>,
          %get3A_639 = vector.shape_cast %get3A_638 : vector<1x1x16xf32> to vector<16xf32>
          %add3A_640 = arith.addf %scan3A_601, %get3A_639 : vector<16xf32>
          %add3A_641 = arith.constant 2 : i32
          %add3A_642 = arith.addi %mul3A_605, %add3A_641 : i32
          %get3A_643 = arith.constant 4 : i32
          %get3A_644 = arith.index_cast %get3A_643 : i32 to index
          %get3A_645 = arith.index_cast %add3A_642 : i32 to index
          %get3A_646 = arith.constant 0 : index
          %get3A_647 = tpu.vector_load %arg6[%get3A_644, %get3A_645, %get3A_646] {strides = array<i32>} : memref<8x200x32xf32, #tpu.memory_space<vmem>>, vector<1x1x16xf32>,
          %get3A_648 = vector.shape_cast %get3A_647 : vector<1x1x16xf32> to vector<16xf32>
          %add3A_649 = arith.addf %scan3A_598, %get3A_648 : vector<16xf32>
          %add3A_650 = arith.constant 2 : i32
          %add3A_651 = arith.addi %mul3A_605, %add3A_650 : i32
          %get3A_652 = arith.constant 4 : i32
          %get3A_653 = arith.index_cast %get3A_652 : i32 to index
          %get3A_654 = arith.index_cast %add3A_651 : i32 to index
          %get3A_655 = arith.constant 16 : index
          %get3A_656 = tpu.vector_load %arg6[%get3A_653, %get3A_654, %get3A_655] {strides = array<i32>} : memref<8x200x32xf32, #tpu.memory_space<vmem>>, vector<1x1x16xf32>,
          %get3A_657 = vector.shape_cast %get3A_656 : vector<1x1x16xf32> to vector<16xf32>
          %add3A_658 = arith.addf %scan3A_602, %get3A_657 : vector<16xf32>
          %add3A_659 = arith.constant 3 : i32
          %add3A_660 = arith.addi %mul3A_605, %add3A_659 : i32
          %get3A_661 = arith.constant 4 : i32
          %get3A_662 = arith.index_cast %get3A_661 : i32 to index
          %get3A_663 = arith.index_cast %add3A_660 : i32 to index
          %get3A_664 = arith.constant 0 : index
          %get3A_665 = tpu.vector_load %arg6[%get3A_662, %get3A_663, %get3A_664] {strides = array<i32>} : memref<8x200x32xf32, #tpu.memory_space<vmem>>, vector<1x1x16xf32>,
          %get3A_666 = vector.shape_cast %get3A_665 : vector<1x1x16xf32> to vector<16xf32>
          %add3A_667 = arith.addf %scan3A_599, %get3A_666 : vector<16xf32>
          %add3A_668 = arith.constant 3 : i32
          %add3A_669 = arith.addi %mul3A_605, %add3A_668 : i32
          %get3A_670 = arith.constant 4 : i32
          %get3A_671 = arith.index_cast %get3A_670 : i32 to index
          %get3A_672 = arith.index_cast %add3A_669 : i32 to index
          %get3A_673 = arith.constant 16 : index
          %get3A_674 = tpu.vector_load %arg6[%get3A_671, %get3A_672, %get3A_673] {strides = array<i32>} : memref<8x200x32xf32, #tpu.memory_space<vmem>>, vector<1x1x16xf32>,
          %get3A_675 = vector.shape_cast %get3A_674 : vector<1x1x16xf32> to vector<16xf32>
          %add3A_676 = arith.addf %scan3A_603, %get3A_675 : vector<16xf32>
          %add3A_677 = arith.constant 4 : i32
          %add3A_678 = arith.addi %mul3A_605, %add3A_677 : i32
          %get3A_679 = arith.constant 4 : i32
          %get3A_680 = arith.index_cast %get3A_679 : i32 to index
          %get3A_681 = arith.index_cast %add3A_678 : i32 to index
          %get3A_682 = arith.constant 0 : index
          %get3A_683 = tpu.vector_load %arg6[%get3A_680, %get3A_681, %get3A_682] {strides = array<i32>} : memref<8x200x32xf32, #tpu.memory_space<vmem>>, vector<1x1x16xf32>,
          %get3A_684 = vector.shape_cast %get3A_683 : vector<1x1x16xf32> to vector<16xf32>
          %add3A_685 = arith.addf %add3A_613, %get3A_684 : vector<16xf32>
          %add3A_686 = arith.constant 4 : i32
          %add3A_687 = arith.addi %mul3A_605, %add3A_686 : i32
          %get3A_688 = arith.constant 4 : i32
          %get3A_689 = arith.index_cast %get3A_688 : i32 to index
          %get3A_690 = arith.index_cast %add3A_687 : i32 to index
          %get3A_691 = arith.constant 16 : index
          %get3A_692 = tpu.vector_load %arg6[%get3A_689, %get3A_690, %get3A_691] {strides = array<i32>} : memref<8x200x32xf32, #tpu.memory_space<vmem>>, vector<1x1x16xf32>,
          %get3A_693 = vector.shape_cast %get3A_692 : vector<1x1x16xf32> to vector<16xf32>
          %add3A_694 = arith.addf %add3A_622, %get3A_693 : vector<16xf32>
          %add3A_695 = arith.constant 5 : i32
          %add3A_696 = arith.addi %mul3A_605, %add3A_695 : i32
          %get3A_697 = arith.constant 4 : i32
          %get3A_698 = arith.index_cast %get3A_697 : i32 to index
          %get3A_699 = arith.index_cast %add3A_696 : i32 to index
          %get3A_700 = arith.constant 0 : index
          %get3A_701 = tpu.vector_load %arg6[%get3A_698, %get3A_699, %get3A_700] {strides = array<i32>} : memref<8x200x32xf32, #tpu.memory_space<vmem>>, vector<1x1x16xf32>,
          %get3A_702 = vector.shape_cast %get3A_701 : vector<1x1x16xf32> to vector<16xf32>
          %add3A_703 = arith.addf %add3A_631, %get3A_702 : vector<16xf32>
          %add3A_704 = arith.constant 5 : i32
          %add3A_705 = arith.addi %mul3A_605, %add3A_704 : i32
          %get3A_706 = arith.constant 4 : i32
          %get3A_707 = arith.index_cast %get3A_706 : i32 to index
          %get3A_708 = arith.index_cast %add3A_705 : i32 to index
          %get3A_709 = arith.constant 16 : index
          %get3A_710 = tpu.vector_load %arg6[%get3A_707, %get3A_708, %get3A_709] {strides = array<i32>} : memref<8x200x32xf32, #tpu.memory_space<vmem>>, vector<1x1x16xf32>,
          %get3A_711 = vector.shape_cast %get3A_710 : vector<1x1x16xf32> to vector<16xf32>
          %add3A_712 = arith.addf %add3A_640, %get3A_711 : vector<16xf32>
          %add3A_713 = arith.constant 6 : i32
          %add3A_714 = arith.addi %mul3A_605, %add3A_713 : i32
          %get3A_715 = arith.constant 4 : i32
          %get3A_716 = arith.index_cast %get3A_715 : i32 to index
          %get3A_717 = arith.index_cast %add3A_714 : i32 to index
          %get3A_718 = arith.constant 0 : index
          %get3A_719 = tpu.vector_load %arg6[%get3A_716, %get3A_717, %get3A_718] {strides = array<i32>} : memref<8x200x32xf32, #tpu.memory_space<vmem>>, vector<1x1x16xf32>,
          %get3A_720 = vector.shape_cast %get3A_719 : vector<1x1x16xf32> to vector<16xf32>
          %add3A_721 = arith.addf %add3A_649, %get3A_720 : vector<16xf32>
          %add3A_722 = arith.constant 6 : i32
          %add3A_723 = arith.addi %mul3A_605, %add3A_722 : i32
          %get3A_724 = arith.constant 4 : i32
          %get3A_725 = arith.index_cast %get3A_724 : i32 to index
          %get3A_726 = arith.index_cast %add3A_723 : i32 to index
          %get3A_727 = arith.constant 16 : index
          %get3A_728 = tpu.vector_load %arg6[%get3A_725, %get3A_726, %get3A_727] {strides = array<i32>} : memref<8x200x32xf32, #tpu.memory_space<vmem>>, vector<1x1x16xf32>,
          %get3A_729 = vector.shape_cast %get3A_728 : vector<1x1x16xf32> to vector<16xf32>
          %add3A_730 = arith.addf %add3A_658, %get3A_729 : vector<16xf32>
          %add3A_731 = arith.constant 7 : i32
          %add3A_732 = arith.addi %mul3A_605, %add3A_731 : i32
          %get3A_733 = arith.constant 4 : i32
          %get3A_734 = arith.index_cast %get3A_733 : i32 to index
          %get3A_735 = arith.index_cast %add3A_732 : i32 to index
          %get3A_736 = arith.constant 0 : index
          %get3A_737 = tpu.vector_load %arg6[%get3A_734, %get3A_735, %get3A_736] {strides = array<i32>} : memref<8x200x32xf32, #tpu.memory_space<vmem>>, vector<1x1x16xf32>,
          %get3A_738 = vector.shape_cast %get3A_737 : vector<1x1x16xf32> to vector<16xf32>
          %add3A_739 = arith.addf %add3A_667, %get3A_738 : vector<16xf32>
          %add3A_740 = arith.constant 7 : i32
          %add3A_741 = arith.addi %mul3A_605, %add3A_740 : i32
          %get3A_742 = arith.constant 4 : i32
          %get3A_743 = arith.index_cast %get3A_742 : i32 to index
          %get3A_744 = arith.index_cast %add3A_741 : i32 to index
          %get3A_745 = arith.constant 16 : index
          %get3A_746 = tpu.vector_load %arg6[%get3A_743, %get3A_744, %get3A_745] {strides = array<i32>} : memref<8x200x32xf32, #tpu.memory_space<vmem>>, vector<1x1x16xf32>,
          %get3A_747 = vector.shape_cast %get3A_746 : vector<1x1x16xf32> to vector<16xf32>
          %add3A_748 = arith.addf %add3A_676, %get3A_747 : vector<16xf32>
          scf.yield %add3A_685, %add3A_703, %add3A_721, %add3A_739, %add3A_694, %add3A_712, %add3A_730, %add3A_748 : vector<16xf32>, vector<16xf32>, vector<16xf32>, vector<16xf32>, vector<16xf32>, vector<16xf32>, vector<16xf32>, vector<16xf32>
        }
        %scan3A_422 = arith.constant 25 : i32
        %add3A_423 = arith.addf %scan3A_421#0, %scan3A_421#1 : vector<16xf32>
        %add3A_424 = arith.addf %scan3A_421#2, %scan3A_421#3 : vector<16xf32>
        %add3A_425 = arith.addf %add3A_423, %add3A_424 : vector<16xf32>
        %swap3A_426 = arith.index_cast %add3A_390 : i32 to index
        %swap3A_427 = arith.constant 0 : index
        %swap3A_428 = tpu.vector_load %arg7[%swap3A_426, %swap3A_427] {strides = array<i32>} : memref<256x32xf32, #tpu.memory_space<vmem>>, vector<1x16xf32>,
        %swap3A_429 = vector.shape_cast %swap3A_428 : vector<1x16xf32> to vector<16xf32>
        %swap3A_430 = vector.shape_cast %add3A_425 : vector<16xf32> to vector<1x16xf32>
        tpu.vector_store %arg7[%swap3A_426, %swap3A_427], %swap3A_430 {strides = array<i32>} : memref<256x32xf32, #tpu.memory_space<vmem>>, vector<1x16xf32>,
        %add3A_431 = arith.addf %scan3A_421#4, %scan3A_421#5 : vector<16xf32>
        %add3A_432 = arith.addf %scan3A_421#6, %scan3A_421#7 : vector<16xf32>
        %add3A_433 = arith.addf %add3A_431, %add3A_432 : vector<16xf32>
        %swap3A_434 = arith.index_cast %add3A_390 : i32 to index
        %swap3A_435 = arith.constant 16 : index
        %swap3A_436 = tpu.vector_load %arg7[%swap3A_434, %swap3A_435] {strides = array<i32>} : memref<256x32xf32, #tpu.memory_space<vmem>>, vector<1x16xf32>,
        %swap3A_437 = vector.shape_cast %swap3A_436 : vector<1x16xf32> to vector<16xf32>
        %swap3A_438 = vector.shape_cast %add3A_433 : vector<16xf32> to vector<1x16xf32>
        tpu.vector_store %arg7[%swap3A_434, %swap3A_435], %swap3A_438 {strides = array<i32>} : memref<256x32xf32, #tpu.memory_space<vmem>>, vector<1x16xf32>,
        %mul3A_439 = arith.constant 8 : i32
        %mul3A_440 = arith.muli %scan3A_185, %mul3A_439 : i32
        %add3A_441 = arith.constant 5 : i32
        %add3A_442 = arith.addi %mul3A_440, %add3A_441 : i32
        %add3A_443 = arith.constant 8 : i32
        %add3A_444 = arith.addi %add3A_442, %add3A_443 : i32
        %sub3A_445 = arith.constant 1 : i32
        %sub3A_446 = arith.subi %add3A_444, %sub3A_445 : i32
        %lt3A_447 = arith.constant 256 : i32
        %lt3A_448 = arith.cmpi slt, %sub3A_446, %lt3A_447 : i32
        %convert_element_type3A_449 = arith.extui %lt3A_448 : i1 to i32
        %cond3A_450 = arith.constant 0 : i32
        %cond3A_451 = arith.cmpi ne, %convert_element_type3A_449, %cond3A_450 : i32
        scf.if %cond3A_451 {
          %add3A_595 = arith.constant 8 : i32
          %add3A_596 = arith.addi %add3A_442, %add3A_595 : i32
          %sub3A_597 = arith.constant 1 : i32
          %sub3A_598 = arith.subi %add3A_596, %sub3A_597 : i32
          %dma_start3A_599 = arith.constant 4 : i32
          %dma_start3A_600 = arith.constant 0 : i32
          %dma_start3A_601 = arith.constant 0 : i32
          %dma_start3A_602 = tpu.memref_slice %arg6[%dma_start3A_599, %dma_start3A_600, %dma_start3A_601] : memref<8x200x32xf32, #tpu.memory_space<vmem>> -> memref<1x128x32xf32, #tpu.memory_space<vmem>>
          %dma_start3A_603 = tpu.memref_squeeze %dma_start3A_602 : memref<1x128x32xf32, #tpu.memory_space<vmem>> -> memref<128x32xf32, #tpu.memory_space<vmem>>
          %dma_start3A_604 = arith.constant 0 : i32
          %dma_start3A_605 = tpu.memref_slice %arg5[%sub3A_598, %dma_start3A_604] : memref<256x200xi32, #tpu.memory_space<vmem>> -> memref<1x128xi32, #tpu.memory_space<vmem>>
          %dma_start3A_606 = tpu.memref_squeeze %dma_start3A_605 : memref<1x128xi32, #tpu.memory_space<vmem>> -> memref<128xi32, #tpu.memory_space<vmem>>
          %dma_start3A_607 = arith.constant 0 : i32
          %dma_start3A_608 = arith.constant 0 : i32
          %dma_start3A_609 = tpu.memref_slice %arg3[%dma_start3A_607, %dma_start3A_608] : memref<1048576x32xf32, #tpu.memory_space<hbm>> -> memref<1048576x32xf32, #tpu.memory_space<hbm>>
          tpu.enqueue_indirect_dma source(%dma_start3A_609 : memref<1048576x32xf32, #tpu.memory_space<hbm>>) target(%dma_start3A_603 : memref<128x32xf32, #tpu.memory_space<vmem>>) offsets(%dma_start3A_606 : memref<128xi32, #tpu.memory_space<vmem>>) semaphore(%arg12 : memref<!tpu.dma_semaphore, #tpu.memory_space<semaphore_mem>>)
          %dma_start3A_610 = arith.constant 4 : i32
          %dma_start3A_611 = arith.constant 128 : i32
          %dma_start3A_612 = arith.constant 0 : i32
          %dma_start3A_613 = tpu.memref_slice %arg6[%dma_start3A_610, %dma_start3A_611, %dma_start3A_612] : memref<8x200x32xf32, #tpu.memory_space<vmem>> -> memref<1x72x32xf32, #tpu.memory_space<vmem>>
          %dma_start3A_614 = tpu.memref_squeeze %dma_start3A_613 : memref<1x72x32xf32, #tpu.memory_space<vmem>> -> memref<72x32xf32, #tpu.memory_space<vmem>>
          %dma_start3A_615 = arith.constant 128 : i32
          %dma_start3A_616 = tpu.memref_slice %arg5[%sub3A_598, %dma_start3A_615] : memref<256x200xi32, #tpu.memory_space<vmem>> -> memref<1x72xi32, #tpu.memory_space<vmem>>
          %dma_start3A_617 = tpu.memref_squeeze %dma_start3A_616 : memref<1x72xi32, #tpu.memory_space<vmem>> -> memref<72xi32, #tpu.memory_space<vmem>>
          %dma_start3A_618 = arith.constant 0 : i32
          %dma_start3A_619 = arith.constant 0 : i32
          %dma_start3A_620 = tpu.memref_slice %arg3[%dma_start3A_618, %dma_start3A_619] : memref<1048576x32xf32, #tpu.memory_space<hbm>> -> memref<1048576x32xf32, #tpu.memory_space<hbm>>
          tpu.enqueue_indirect_dma source(%dma_start3A_620 : memref<1048576x32xf32, #tpu.memory_space<hbm>>) target(%dma_start3A_614 : memref<72x32xf32, #tpu.memory_space<vmem>>) offsets(%dma_start3A_617 : memref<72xi32, #tpu.memory_space<vmem>>) semaphore(%arg12 : memref<!tpu.dma_semaphore, #tpu.memory_space<semaphore_mem>>)
        } else {
        }
        %dma_wait3A_452 = arith.constant 5 : i32
        %dma_wait3A_453 = arith.constant 0 : i32
        %dma_wait3A_454 = arith.constant 0 : i32
        %dma_wait3A_455 = tpu.memref_slice %arg6[%dma_wait3A_452, %dma_wait3A_453, %dma_wait3A_454] : memref<8x200x32xf32, #tpu.memory_space<vmem>> -> memref<1x200x32xf32, #tpu.memory_space<vmem>>
        %dma_wait3A_456 = tpu.memref_squeeze %dma_wait3A_455 : memref<1x200x32xf32, #tpu.memory_space<vmem>> -> memref<200x32xf32, #tpu.memory_space<vmem>>
        %dma_wait3A_457 = arith.constant 0 : i32
        %dma_wait3A_458 = arith.constant 0 : i32
        %dma_wait3A_459 = tpu.memref_slice %arg3[%dma_wait3A_457, %dma_wait3A_458] : memref<1048576x32xf32, #tpu.memory_space<hbm>> -> memref<200x32xf32, #tpu.memory_space<hbm>>
        %dma_wait3A_460 = arith.constant 0 : i32
        %dma_wait3A_461 = arith.constant 0 : i32
        %dma_wait3A_462 = tpu.memref_slice %arg6[%dma_wait3A_452, %dma_wait3A_460, %dma_wait3A_461] : memref<8x200x32xf32, #tpu.memory_space<vmem>> -> memref<1x200x32xf32, #tpu.memory_space<vmem>>
        %dma_wait3A_463 = tpu.memref_squeeze %dma_wait3A_462 : memref<1x200x32xf32, #tpu.memory_space<vmem>> -> memref<200x32xf32, #tpu.memory_space<vmem>>
        %dma_wait3A_464 = arith.constant 0 : i32
        %dma_wait3A_465 = arith.constant 0 : i32
        %dma_wait3A_466 = tpu.memref_slice %arg3[%dma_wait3A_464, %dma_wait3A_465] : memref<1048576x32xf32, #tpu.memory_space<hbm>> -> memref<200x32xf32, #tpu.memory_space<hbm>>
        tpu.wait_dma2 semaphore(%arg13 : memref<!tpu.dma_semaphore, #tpu.memory_space<semaphore_mem>>) src(%dma_wait3A_466 : memref<200x32xf32, #tpu.memory_space<hbm>>) dst(%dma_wait3A_463 : memref<200x32xf32, #tpu.memory_space<vmem>>)
        %broadcast_in_dim3A_467 = arith.constant 0.000000e+00 : f32
        %broadcast_in_dim3A_468 = vector.broadcast %broadcast_in_dim3A_467 : f32 to vector<16xf32>
        %scan3A_469 = arith.constant 0 : i32
        %scan3A_470 = arith.constant 25 : i32
        %scan3A_471 = arith.addi %scan3A_469, %scan3A_470 : i32
        %scan3A_472 = arith.constant 1 : i32
        %scan3A_473:8 = scf.for %scan3A_595 = %scan3A_469 to %scan3A_471 step %scan3A_472 iter_args(%scan3A_596 = %broadcast_in_dim3A_468, %scan3A_597 = %broadcast_in_dim3A_468, %scan3A_598 = %broadcast_in_dim3A_468, %scan3A_599 = %broadcast_in_dim3A_468, %scan3A_600 = %broadcast_in_dim3A_468, %scan3A_601 = %broadcast_in_dim3A_468, %scan3A_602 = %broadcast_in_dim3A_468, %scan3A_603 = %broadcast_in_dim3A_468) -> (vector<16xf32>, vector<16xf32>, vector<16xf32>, vector<16xf32>, vector<16xf32>, vector<16xf32>, vector<16xf32>, vector<16xf32>)  : i32 {
          %mul3A_604 = arith.constant 8 : i32
          %mul3A_605 = arith.muli %scan3A_595, %mul3A_604 : i32
          %add3A_606 = arith.constant 0 : i32
          %add3A_607 = arith.addi %mul3A_605, %add3A_606 : i32
          %get3A = arith.constant 5 : i32
          %get3A_608 = arith.index_cast %get3A : i32 to index
          %get3A_609 = arith.index_cast %add3A_607 : i32 to index
          %get3A_610 = arith.constant 0 : index
          %get3A_611 = tpu.vector_load %arg6[%get3A_608, %get3A_609, %get3A_610] {strides = array<i32>} : memref<8x200x32xf32, #tpu.memory_space<vmem>>, vector<1x1x16xf32>,
          %get3A_612 = vector.shape_cast %get3A_611 : vector<1x1x16xf32> to vector<16xf32>
          %add3A_613 = arith.addf %scan3A_596, %get3A_612 : vector<16xf32>
          %add3A_614 = arith.constant 0 : i32
          %add3A_615 = arith.addi %mul3A_605, %add3A_614 : i32
          %get3A_616 = arith.constant 5 : i32
          %get3A_617 = arith.index_cast %get3A_616 : i32 to index
          %get3A_618 = arith.index_cast %add3A_615 : i32 to index
          %get3A_619 = arith.constant 16 : index
          %get3A_620 = tpu.vector_load %arg6[%get3A_617, %get3A_618, %get3A_619] {strides = array<i32>} : memref<8x200x32xf32, #tpu.memory_space<vmem>>, vector<1x1x16xf32>,
          %get3A_621 = vector.shape_cast %get3A_620 : vector<1x1x16xf32> to vector<16xf32>
          %add3A_622 = arith.addf %scan3A_600, %get3A_621 : vector<16xf32>
          %add3A_623 = arith.constant 1 : i32
          %add3A_624 = arith.addi %mul3A_605, %add3A_623 : i32
          %get3A_625 = arith.constant 5 : i32
          %get3A_626 = arith.index_cast %get3A_625 : i32 to index
          %get3A_627 = arith.index_cast %add3A_624 : i32 to index
          %get3A_628 = arith.constant 0 : index
          %get3A_629 = tpu.vector_load %arg6[%get3A_626, %get3A_627, %get3A_628] {strides = array<i32>} : memref<8x200x32xf32, #tpu.memory_space<vmem>>, vector<1x1x16xf32>,
          %get3A_630 = vector.shape_cast %get3A_629 : vector<1x1x16xf32> to vector<16xf32>
          %add3A_631 = arith.addf %scan3A_597, %get3A_630 : vector<16xf32>
          %add3A_632 = arith.constant 1 : i32
          %add3A_633 = arith.addi %mul3A_605, %add3A_632 : i32
          %get3A_634 = arith.constant 5 : i32
          %get3A_635 = arith.index_cast %get3A_634 : i32 to index
          %get3A_636 = arith.index_cast %add3A_633 : i32 to index
          %get3A_637 = arith.constant 16 : index
          %get3A_638 = tpu.vector_load %arg6[%get3A_635, %get3A_636, %get3A_637] {strides = array<i32>} : memref<8x200x32xf32, #tpu.memory_space<vmem>>, vector<1x1x16xf32>,
          %get3A_639 = vector.shape_cast %get3A_638 : vector<1x1x16xf32> to vector<16xf32>
          %add3A_640 = arith.addf %scan3A_601, %get3A_639 : vector<16xf32>
          %add3A_641 = arith.constant 2 : i32
          %add3A_642 = arith.addi %mul3A_605, %add3A_641 : i32
          %get3A_643 = arith.constant 5 : i32
          %get3A_644 = arith.index_cast %get3A_643 : i32 to index
          %get3A_645 = arith.index_cast %add3A_642 : i32 to index
          %get3A_646 = arith.constant 0 : index
          %get3A_647 = tpu.vector_load %arg6[%get3A_644, %get3A_645, %get3A_646] {strides = array<i32>} : memref<8x200x32xf32, #tpu.memory_space<vmem>>, vector<1x1x16xf32>,
          %get3A_648 = vector.shape_cast %get3A_647 : vector<1x1x16xf32> to vector<16xf32>
          %add3A_649 = arith.addf %scan3A_598, %get3A_648 : vector<16xf32>
          %add3A_650 = arith.constant 2 : i32
          %add3A_651 = arith.addi %mul3A_605, %add3A_650 : i32
          %get3A_652 = arith.constant 5 : i32
          %get3A_653 = arith.index_cast %get3A_652 : i32 to index
          %get3A_654 = arith.index_cast %add3A_651 : i32 to index
          %get3A_655 = arith.constant 16 : index
          %get3A_656 = tpu.vector_load %arg6[%get3A_653, %get3A_654, %get3A_655] {strides = array<i32>} : memref<8x200x32xf32, #tpu.memory_space<vmem>>, vector<1x1x16xf32>,
          %get3A_657 = vector.shape_cast %get3A_656 : vector<1x1x16xf32> to vector<16xf32>
          %add3A_658 = arith.addf %scan3A_602, %get3A_657 : vector<16xf32>
          %add3A_659 = arith.constant 3 : i32
          %add3A_660 = arith.addi %mul3A_605, %add3A_659 : i32
          %get3A_661 = arith.constant 5 : i32
          %get3A_662 = arith.index_cast %get3A_661 : i32 to index
          %get3A_663 = arith.index_cast %add3A_660 : i32 to index
          %get3A_664 = arith.constant 0 : index
          %get3A_665 = tpu.vector_load %arg6[%get3A_662, %get3A_663, %get3A_664] {strides = array<i32>} : memref<8x200x32xf32, #tpu.memory_space<vmem>>, vector<1x1x16xf32>,
          %get3A_666 = vector.shape_cast %get3A_665 : vector<1x1x16xf32> to vector<16xf32>
          %add3A_667 = arith.addf %scan3A_599, %get3A_666 : vector<16xf32>
          %add3A_668 = arith.constant 3 : i32
          %add3A_669 = arith.addi %mul3A_605, %add3A_668 : i32
          %get3A_670 = arith.constant 5 : i32
          %get3A_671 = arith.index_cast %get3A_670 : i32 to index
          %get3A_672 = arith.index_cast %add3A_669 : i32 to index
          %get3A_673 = arith.constant 16 : index
          %get3A_674 = tpu.vector_load %arg6[%get3A_671, %get3A_672, %get3A_673] {strides = array<i32>} : memref<8x200x32xf32, #tpu.memory_space<vmem>>, vector<1x1x16xf32>,
          %get3A_675 = vector.shape_cast %get3A_674 : vector<1x1x16xf32> to vector<16xf32>
          %add3A_676 = arith.addf %scan3A_603, %get3A_675 : vector<16xf32>
          %add3A_677 = arith.constant 4 : i32
          %add3A_678 = arith.addi %mul3A_605, %add3A_677 : i32
          %get3A_679 = arith.constant 5 : i32
          %get3A_680 = arith.index_cast %get3A_679 : i32 to index
          %get3A_681 = arith.index_cast %add3A_678 : i32 to index
          %get3A_682 = arith.constant 0 : index
          %get3A_683 = tpu.vector_load %arg6[%get3A_680, %get3A_681, %get3A_682] {strides = array<i32>} : memref<8x200x32xf32, #tpu.memory_space<vmem>>, vector<1x1x16xf32>,
          %get3A_684 = vector.shape_cast %get3A_683 : vector<1x1x16xf32> to vector<16xf32>
          %add3A_685 = arith.addf %add3A_613, %get3A_684 : vector<16xf32>
          %add3A_686 = arith.constant 4 : i32
          %add3A_687 = arith.addi %mul3A_605, %add3A_686 : i32
          %get3A_688 = arith.constant 5 : i32
          %get3A_689 = arith.index_cast %get3A_688 : i32 to index
          %get3A_690 = arith.index_cast %add3A_687 : i32 to index
          %get3A_691 = arith.constant 16 : index
          %get3A_692 = tpu.vector_load %arg6[%get3A_689, %get3A_690, %get3A_691] {strides = array<i32>} : memref<8x200x32xf32, #tpu.memory_space<vmem>>, vector<1x1x16xf32>,
          %get3A_693 = vector.shape_cast %get3A_692 : vector<1x1x16xf32> to vector<16xf32>
          %add3A_694 = arith.addf %add3A_622, %get3A_693 : vector<16xf32>
          %add3A_695 = arith.constant 5 : i32
          %add3A_696 = arith.addi %mul3A_605, %add3A_695 : i32
          %get3A_697 = arith.constant 5 : i32
          %get3A_698 = arith.index_cast %get3A_697 : i32 to index
          %get3A_699 = arith.index_cast %add3A_696 : i32 to index
          %get3A_700 = arith.constant 0 : index
          %get3A_701 = tpu.vector_load %arg6[%get3A_698, %get3A_699, %get3A_700] {strides = array<i32>} : memref<8x200x32xf32, #tpu.memory_space<vmem>>, vector<1x1x16xf32>,
          %get3A_702 = vector.shape_cast %get3A_701 : vector<1x1x16xf32> to vector<16xf32>
          %add3A_703 = arith.addf %add3A_631, %get3A_702 : vector<16xf32>
          %add3A_704 = arith.constant 5 : i32
          %add3A_705 = arith.addi %mul3A_605, %add3A_704 : i32
          %get3A_706 = arith.constant 5 : i32
          %get3A_707 = arith.index_cast %get3A_706 : i32 to index
          %get3A_708 = arith.index_cast %add3A_705 : i32 to index
          %get3A_709 = arith.constant 16 : index
          %get3A_710 = tpu.vector_load %arg6[%get3A_707, %get3A_708, %get3A_709] {strides = array<i32>} : memref<8x200x32xf32, #tpu.memory_space<vmem>>, vector<1x1x16xf32>,
          %get3A_711 = vector.shape_cast %get3A_710 : vector<1x1x16xf32> to vector<16xf32>
          %add3A_712 = arith.addf %add3A_640, %get3A_711 : vector<16xf32>
          %add3A_713 = arith.constant 6 : i32
          %add3A_714 = arith.addi %mul3A_605, %add3A_713 : i32
          %get3A_715 = arith.constant 5 : i32
          %get3A_716 = arith.index_cast %get3A_715 : i32 to index
          %get3A_717 = arith.index_cast %add3A_714 : i32 to index
          %get3A_718 = arith.constant 0 : index
          %get3A_719 = tpu.vector_load %arg6[%get3A_716, %get3A_717, %get3A_718] {strides = array<i32>} : memref<8x200x32xf32, #tpu.memory_space<vmem>>, vector<1x1x16xf32>,
          %get3A_720 = vector.shape_cast %get3A_719 : vector<1x1x16xf32> to vector<16xf32>
          %add3A_721 = arith.addf %add3A_649, %get3A_720 : vector<16xf32>
          %add3A_722 = arith.constant 6 : i32
          %add3A_723 = arith.addi %mul3A_605, %add3A_722 : i32
          %get3A_724 = arith.constant 5 : i32
          %get3A_725 = arith.index_cast %get3A_724 : i32 to index
          %get3A_726 = arith.index_cast %add3A_723 : i32 to index
          %get3A_727 = arith.constant 16 : index
          %get3A_728 = tpu.vector_load %arg6[%get3A_725, %get3A_726, %get3A_727] {strides = array<i32>} : memref<8x200x32xf32, #tpu.memory_space<vmem>>, vector<1x1x16xf32>,
          %get3A_729 = vector.shape_cast %get3A_728 : vector<1x1x16xf32> to vector<16xf32>
          %add3A_730 = arith.addf %add3A_658, %get3A_729 : vector<16xf32>
          %add3A_731 = arith.constant 7 : i32
          %add3A_732 = arith.addi %mul3A_605, %add3A_731 : i32
          %get3A_733 = arith.constant 5 : i32
          %get3A_734 = arith.index_cast %get3A_733 : i32 to index
          %get3A_735 = arith.index_cast %add3A_732 : i32 to index
          %get3A_736 = arith.constant 0 : index
          %get3A_737 = tpu.vector_load %arg6[%get3A_734, %get3A_735, %get3A_736] {strides = array<i32>} : memref<8x200x32xf32, #tpu.memory_space<vmem>>, vector<1x1x16xf32>,
          %get3A_738 = vector.shape_cast %get3A_737 : vector<1x1x16xf32> to vector<16xf32>
          %add3A_739 = arith.addf %add3A_667, %get3A_738 : vector<16xf32>
          %add3A_740 = arith.constant 7 : i32
          %add3A_741 = arith.addi %mul3A_605, %add3A_740 : i32
          %get3A_742 = arith.constant 5 : i32
          %get3A_743 = arith.index_cast %get3A_742 : i32 to index
          %get3A_744 = arith.index_cast %add3A_741 : i32 to index
          %get3A_745 = arith.constant 16 : index
          %get3A_746 = tpu.vector_load %arg6[%get3A_743, %get3A_744, %get3A_745] {strides = array<i32>} : memref<8x200x32xf32, #tpu.memory_space<vmem>>, vector<1x1x16xf32>,
          %get3A_747 = vector.shape_cast %get3A_746 : vector<1x1x16xf32> to vector<16xf32>
          %add3A_748 = arith.addf %add3A_676, %get3A_747 : vector<16xf32>
          scf.yield %add3A_685, %add3A_703, %add3A_721, %add3A_739, %add3A_694, %add3A_712, %add3A_730, %add3A_748 : vector<16xf32>, vector<16xf32>, vector<16xf32>, vector<16xf32>, vector<16xf32>, vector<16xf32>, vector<16xf32>, vector<16xf32>
        }
        %scan3A_474 = arith.constant 25 : i32
        %add3A_475 = arith.addf %scan3A_473#0, %scan3A_473#1 : vector<16xf32>
        %add3A_476 = arith.addf %scan3A_473#2, %scan3A_473#3 : vector<16xf32>
        %add3A_477 = arith.addf %add3A_475, %add3A_476 : vector<16xf32>
        %swap3A_478 = arith.index_cast %add3A_442 : i32 to index
        %swap3A_479 = arith.constant 0 : index
        %swap3A_480 = tpu.vector_load %arg7[%swap3A_478, %swap3A_479] {strides = array<i32>} : memref<256x32xf32, #tpu.memory_space<vmem>>, vector<1x16xf32>,
        %swap3A_481 = vector.shape_cast %swap3A_480 : vector<1x16xf32> to vector<16xf32>
        %swap3A_482 = vector.shape_cast %add3A_477 : vector<16xf32> to vector<1x16xf32>
        tpu.vector_store %arg7[%swap3A_478, %swap3A_479], %swap3A_482 {strides = array<i32>} : memref<256x32xf32, #tpu.memory_space<vmem>>, vector<1x16xf32>,
        %add3A_483 = arith.addf %scan3A_473#4, %scan3A_473#5 : vector<16xf32>
        %add3A_484 = arith.addf %scan3A_473#6, %scan3A_473#7 : vector<16xf32>
        %add3A_485 = arith.addf %add3A_483, %add3A_484 : vector<16xf32>
        %swap3A_486 = arith.index_cast %add3A_442 : i32 to index
        %swap3A_487 = arith.constant 16 : index
        %swap3A_488 = tpu.vector_load %arg7[%swap3A_486, %swap3A_487] {strides = array<i32>} : memref<256x32xf32, #tpu.memory_space<vmem>>, vector<1x16xf32>,
        %swap3A_489 = vector.shape_cast %swap3A_488 : vector<1x16xf32> to vector<16xf32>
        %swap3A_490 = vector.shape_cast %add3A_485 : vector<16xf32> to vector<1x16xf32>
        tpu.vector_store %arg7[%swap3A_486, %swap3A_487], %swap3A_490 {strides = array<i32>} : memref<256x32xf32, #tpu.memory_space<vmem>>, vector<1x16xf32>,
        %mul3A_491 = arith.constant 8 : i32
        %mul3A_492 = arith.muli %scan3A_185, %mul3A_491 : i32
        %add3A_493 = arith.constant 6 : i32
        %add3A_494 = arith.addi %mul3A_492, %add3A_493 : i32
        %add3A_495 = arith.constant 8 : i32
        %add3A_496 = arith.addi %add3A_494, %add3A_495 : i32
        %sub3A_497 = arith.constant 1 : i32
        %sub3A_498 = arith.subi %add3A_496, %sub3A_497 : i32
        %lt3A_499 = arith.constant 256 : i32
        %lt3A_500 = arith.cmpi slt, %sub3A_498, %lt3A_499 : i32
        %convert_element_type3A_501 = arith.extui %lt3A_500 : i1 to i32
        %cond3A_502 = arith.constant 0 : i32
        %cond3A_503 = arith.cmpi ne, %convert_element_type3A_501, %cond3A_502 : i32
        scf.if %cond3A_503 {
          %add3A_595 = arith.constant 8 : i32
          %add3A_596 = arith.addi %add3A_494, %add3A_595 : i32
          %sub3A_597 = arith.constant 1 : i32
          %sub3A_598 = arith.subi %add3A_596, %sub3A_597 : i32
          %dma_start3A_599 = arith.constant 5 : i32
          %dma_start3A_600 = arith.constant 0 : i32
          %dma_start3A_601 = arith.constant 0 : i32
          %dma_start3A_602 = tpu.memref_slice %arg6[%dma_start3A_599, %dma_start3A_600, %dma_start3A_601] : memref<8x200x32xf32, #tpu.memory_space<vmem>> -> memref<1x128x32xf32, #tpu.memory_space<vmem>>
          %dma_start3A_603 = tpu.memref_squeeze %dma_start3A_602 : memref<1x128x32xf32, #tpu.memory_space<vmem>> -> memref<128x32xf32, #tpu.memory_space<vmem>>
          %dma_start3A_604 = arith.constant 0 : i32
          %dma_start3A_605 = tpu.memref_slice %arg5[%sub3A_598, %dma_start3A_604] : memref<256x200xi32, #tpu.memory_space<vmem>> -> memref<1x128xi32, #tpu.memory_space<vmem>>
          %dma_start3A_606 = tpu.memref_squeeze %dma_start3A_605 : memref<1x128xi32, #tpu.memory_space<vmem>> -> memref<128xi32, #tpu.memory_space<vmem>>
          %dma_start3A_607 = arith.constant 0 : i32
          %dma_start3A_608 = arith.constant 0 : i32
          %dma_start3A_609 = tpu.memref_slice %arg3[%dma_start3A_607, %dma_start3A_608] : memref<1048576x32xf32, #tpu.memory_space<hbm>> -> memref<1048576x32xf32, #tpu.memory_space<hbm>>
          tpu.enqueue_indirect_dma source(%dma_start3A_609 : memref<1048576x32xf32, #tpu.memory_space<hbm>>) target(%dma_start3A_603 : memref<128x32xf32, #tpu.memory_space<vmem>>) offsets(%dma_start3A_606 : memref<128xi32, #tpu.memory_space<vmem>>) semaphore(%arg13 : memref<!tpu.dma_semaphore, #tpu.memory_space<semaphore_mem>>)
          %dma_start3A_610 = arith.constant 5 : i32
          %dma_start3A_611 = arith.constant 128 : i32
          %dma_start3A_612 = arith.constant 0 : i32
          %dma_start3A_613 = tpu.memref_slice %arg6[%dma_start3A_610, %dma_start3A_611, %dma_start3A_612] : memref<8x200x32xf32, #tpu.memory_space<vmem>> -> memref<1x72x32xf32, #tpu.memory_space<vmem>>
          %dma_start3A_614 = tpu.memref_squeeze %dma_start3A_613 : memref<1x72x32xf32, #tpu.memory_space<vmem>> -> memref<72x32xf32, #tpu.memory_space<vmem>>
          %dma_start3A_615 = arith.constant 128 : i32
          %dma_start3A_616 = tpu.memref_slice %arg5[%sub3A_598, %dma_start3A_615] : memref<256x200xi32, #tpu.memory_space<vmem>> -> memref<1x72xi32, #tpu.memory_space<vmem>>
          %dma_start3A_617 = tpu.memref_squeeze %dma_start3A_616 : memref<1x72xi32, #tpu.memory_space<vmem>> -> memref<72xi32, #tpu.memory_space<vmem>>
          %dma_start3A_618 = arith.constant 0 : i32
          %dma_start3A_619 = arith.constant 0 : i32
          %dma_start3A_620 = tpu.memref_slice %arg3[%dma_start3A_618, %dma_start3A_619] : memref<1048576x32xf32, #tpu.memory_space<hbm>> -> memref<1048576x32xf32, #tpu.memory_space<hbm>>
          tpu.enqueue_indirect_dma source(%dma_start3A_620 : memref<1048576x32xf32, #tpu.memory_space<hbm>>) target(%dma_start3A_614 : memref<72x32xf32, #tpu.memory_space<vmem>>) offsets(%dma_start3A_617 : memref<72xi32, #tpu.memory_space<vmem>>) semaphore(%arg13 : memref<!tpu.dma_semaphore, #tpu.memory_space<semaphore_mem>>)
        } else {
        }
        %dma_wait3A_504 = arith.constant 6 : i32
        %dma_wait3A_505 = arith.constant 0 : i32
        %dma_wait3A_506 = arith.constant 0 : i32
        %dma_wait3A_507 = tpu.memref_slice %arg6[%dma_wait3A_504, %dma_wait3A_505, %dma_wait3A_506] : memref<8x200x32xf32, #tpu.memory_space<vmem>> -> memref<1x200x32xf32, #tpu.memory_space<vmem>>
        %dma_wait3A_508 = tpu.memref_squeeze %dma_wait3A_507 : memref<1x200x32xf32, #tpu.memory_space<vmem>> -> memref<200x32xf32, #tpu.memory_space<vmem>>
        %dma_wait3A_509 = arith.constant 0 : i32
        %dma_wait3A_510 = arith.constant 0 : i32
        %dma_wait3A_511 = tpu.memref_slice %arg3[%dma_wait3A_509, %dma_wait3A_510] : memref<1048576x32xf32, #tpu.memory_space<hbm>> -> memref<200x32xf32, #tpu.memory_space<hbm>>
        %dma_wait3A_512 = arith.constant 0 : i32
        %dma_wait3A_513 = arith.constant 0 : i32
        %dma_wait3A_514 = tpu.memref_slice %arg6[%dma_wait3A_504, %dma_wait3A_512, %dma_wait3A_513] : memref<8x200x32xf32, #tpu.memory_space<vmem>> -> memref<1x200x32xf32, #tpu.memory_space<vmem>>
        %dma_wait3A_515 = tpu.memref_squeeze %dma_wait3A_514 : memref<1x200x32xf32, #tpu.memory_space<vmem>> -> memref<200x32xf32, #tpu.memory_space<vmem>>
        %dma_wait3A_516 = arith.constant 0 : i32
        %dma_wait3A_517 = arith.constant 0 : i32
        %dma_wait3A_518 = tpu.memref_slice %arg3[%dma_wait3A_516, %dma_wait3A_517] : memref<1048576x32xf32, #tpu.memory_space<hbm>> -> memref<200x32xf32, #tpu.memory_space<hbm>>
        tpu.wait_dma2 semaphore(%arg14 : memref<!tpu.dma_semaphore, #tpu.memory_space<semaphore_mem>>) src(%dma_wait3A_518 : memref<200x32xf32, #tpu.memory_space<hbm>>) dst(%dma_wait3A_515 : memref<200x32xf32, #tpu.memory_space<vmem>>)
        %broadcast_in_dim3A_519 = arith.constant 0.000000e+00 : f32
        %broadcast_in_dim3A_520 = vector.broadcast %broadcast_in_dim3A_519 : f32 to vector<16xf32>
        %scan3A_521 = arith.constant 0 : i32
        %scan3A_522 = arith.constant 25 : i32
        %scan3A_523 = arith.addi %scan3A_521, %scan3A_522 : i32
        %scan3A_524 = arith.constant 1 : i32
        %scan3A_525:8 = scf.for %scan3A_595 = %scan3A_521 to %scan3A_523 step %scan3A_524 iter_args(%scan3A_596 = %broadcast_in_dim3A_520, %scan3A_597 = %broadcast_in_dim3A_520, %scan3A_598 = %broadcast_in_dim3A_520, %scan3A_599 = %broadcast_in_dim3A_520, %scan3A_600 = %broadcast_in_dim3A_520, %scan3A_601 = %broadcast_in_dim3A_520, %scan3A_602 = %broadcast_in_dim3A_520, %scan3A_603 = %broadcast_in_dim3A_520) -> (vector<16xf32>, vector<16xf32>, vector<16xf32>, vector<16xf32>, vector<16xf32>, vector<16xf32>, vector<16xf32>, vector<16xf32>)  : i32 {
          %mul3A_604 = arith.constant 8 : i32
          %mul3A_605 = arith.muli %scan3A_595, %mul3A_604 : i32
          %add3A_606 = arith.constant 0 : i32
          %add3A_607 = arith.addi %mul3A_605, %add3A_606 : i32
          %get3A = arith.constant 6 : i32
          %get3A_608 = arith.index_cast %get3A : i32 to index
          %get3A_609 = arith.index_cast %add3A_607 : i32 to index
          %get3A_610 = arith.constant 0 : index
          %get3A_611 = tpu.vector_load %arg6[%get3A_608, %get3A_609, %get3A_610] {strides = array<i32>} : memref<8x200x32xf32, #tpu.memory_space<vmem>>, vector<1x1x16xf32>,
          %get3A_612 = vector.shape_cast %get3A_611 : vector<1x1x16xf32> to vector<16xf32>
          %add3A_613 = arith.addf %scan3A_596, %get3A_612 : vector<16xf32>
          %add3A_614 = arith.constant 0 : i32
          %add3A_615 = arith.addi %mul3A_605, %add3A_614 : i32
          %get3A_616 = arith.constant 6 : i32
          %get3A_617 = arith.index_cast %get3A_616 : i32 to index
          %get3A_618 = arith.index_cast %add3A_615 : i32 to index
          %get3A_619 = arith.constant 16 : index
          %get3A_620 = tpu.vector_load %arg6[%get3A_617, %get3A_618, %get3A_619] {strides = array<i32>} : memref<8x200x32xf32, #tpu.memory_space<vmem>>, vector<1x1x16xf32>,
          %get3A_621 = vector.shape_cast %get3A_620 : vector<1x1x16xf32> to vector<16xf32>
          %add3A_622 = arith.addf %scan3A_600, %get3A_621 : vector<16xf32>
          %add3A_623 = arith.constant 1 : i32
          %add3A_624 = arith.addi %mul3A_605, %add3A_623 : i32
          %get3A_625 = arith.constant 6 : i32
          %get3A_626 = arith.index_cast %get3A_625 : i32 to index
          %get3A_627 = arith.index_cast %add3A_624 : i32 to index
          %get3A_628 = arith.constant 0 : index
          %get3A_629 = tpu.vector_load %arg6[%get3A_626, %get3A_627, %get3A_628] {strides = array<i32>} : memref<8x200x32xf32, #tpu.memory_space<vmem>>, vector<1x1x16xf32>,
          %get3A_630 = vector.shape_cast %get3A_629 : vector<1x1x16xf32> to vector<16xf32>
          %add3A_631 = arith.addf %scan3A_597, %get3A_630 : vector<16xf32>
          %add3A_632 = arith.constant 1 : i32
          %add3A_633 = arith.addi %mul3A_605, %add3A_632 : i32
          %get3A_634 = arith.constant 6 : i32
          %get3A_635 = arith.index_cast %get3A_634 : i32 to index
          %get3A_636 = arith.index_cast %add3A_633 : i32 to index
          %get3A_637 = arith.constant 16 : index
          %get3A_638 = tpu.vector_load %arg6[%get3A_635, %get3A_636, %get3A_637] {strides = array<i32>} : memref<8x200x32xf32, #tpu.memory_space<vmem>>, vector<1x1x16xf32>,
          %get3A_639 = vector.shape_cast %get3A_638 : vector<1x1x16xf32> to vector<16xf32>
          %add3A_640 = arith.addf %scan3A_601, %get3A_639 : vector<16xf32>
          %add3A_641 = arith.constant 2 : i32
          %add3A_642 = arith.addi %mul3A_605, %add3A_641 : i32
          %get3A_643 = arith.constant 6 : i32
          %get3A_644 = arith.index_cast %get3A_643 : i32 to index
          %get3A_645 = arith.index_cast %add3A_642 : i32 to index
          %get3A_646 = arith.constant 0 : index
          %get3A_647 = tpu.vector_load %arg6[%get3A_644, %get3A_645, %get3A_646] {strides = array<i32>} : memref<8x200x32xf32, #tpu.memory_space<vmem>>, vector<1x1x16xf32>,
          %get3A_648 = vector.shape_cast %get3A_647 : vector<1x1x16xf32> to vector<16xf32>
          %add3A_649 = arith.addf %scan3A_598, %get3A_648 : vector<16xf32>
          %add3A_650 = arith.constant 2 : i32
          %add3A_651 = arith.addi %mul3A_605, %add3A_650 : i32
          %get3A_652 = arith.constant 6 : i32
          %get3A_653 = arith.index_cast %get3A_652 : i32 to index
          %get3A_654 = arith.index_cast %add3A_651 : i32 to index
          %get3A_655 = arith.constant 16 : index
          %get3A_656 = tpu.vector_load %arg6[%get3A_653, %get3A_654, %get3A_655] {strides = array<i32>} : memref<8x200x32xf32, #tpu.memory_space<vmem>>, vector<1x1x16xf32>,
          %get3A_657 = vector.shape_cast %get3A_656 : vector<1x1x16xf32> to vector<16xf32>
          %add3A_658 = arith.addf %scan3A_602, %get3A_657 : vector<16xf32>
          %add3A_659 = arith.constant 3 : i32
          %add3A_660 = arith.addi %mul3A_605, %add3A_659 : i32
          %get3A_661 = arith.constant 6 : i32
          %get3A_662 = arith.index_cast %get3A_661 : i32 to index
          %get3A_663 = arith.index_cast %add3A_660 : i32 to index
          %get3A_664 = arith.constant 0 : index
          %get3A_665 = tpu.vector_load %arg6[%get3A_662, %get3A_663, %get3A_664] {strides = array<i32>} : memref<8x200x32xf32, #tpu.memory_space<vmem>>, vector<1x1x16xf32>,
          %get3A_666 = vector.shape_cast %get3A_665 : vector<1x1x16xf32> to vector<16xf32>
          %add3A_667 = arith.addf %scan3A_599, %get3A_666 : vector<16xf32>
          %add3A_668 = arith.constant 3 : i32
          %add3A_669 = arith.addi %mul3A_605, %add3A_668 : i32
          %get3A_670 = arith.constant 6 : i32
          %get3A_671 = arith.index_cast %get3A_670 : i32 to index
          %get3A_672 = arith.index_cast %add3A_669 : i32 to index
          %get3A_673 = arith.constant 16 : index
          %get3A_674 = tpu.vector_load %arg6[%get3A_671, %get3A_672, %get3A_673] {strides = array<i32>} : memref<8x200x32xf32, #tpu.memory_space<vmem>>, vector<1x1x16xf32>,
          %get3A_675 = vector.shape_cast %get3A_674 : vector<1x1x16xf32> to vector<16xf32>
          %add3A_676 = arith.addf %scan3A_603, %get3A_675 : vector<16xf32>
          %add3A_677 = arith.constant 4 : i32
          %add3A_678 = arith.addi %mul3A_605, %add3A_677 : i32
          %get3A_679 = arith.constant 6 : i32
          %get3A_680 = arith.index_cast %get3A_679 : i32 to index
          %get3A_681 = arith.index_cast %add3A_678 : i32 to index
          %get3A_682 = arith.constant 0 : index
          %get3A_683 = tpu.vector_load %arg6[%get3A_680, %get3A_681, %get3A_682] {strides = array<i32>} : memref<8x200x32xf32, #tpu.memory_space<vmem>>, vector<1x1x16xf32>,
          %get3A_684 = vector.shape_cast %get3A_683 : vector<1x1x16xf32> to vector<16xf32>
          %add3A_685 = arith.addf %add3A_613, %get3A_684 : vector<16xf32>
          %add3A_686 = arith.constant 4 : i32
          %add3A_687 = arith.addi %mul3A_605, %add3A_686 : i32
          %get3A_688 = arith.constant 6 : i32
          %get3A_689 = arith.index_cast %get3A_688 : i32 to index
          %get3A_690 = arith.index_cast %add3A_687 : i32 to index
          %get3A_691 = arith.constant 16 : index
          %get3A_692 = tpu.vector_load %arg6[%get3A_689, %get3A_690, %get3A_691] {strides = array<i32>} : memref<8x200x32xf32, #tpu.memory_space<vmem>>, vector<1x1x16xf32>,
          %get3A_693 = vector.shape_cast %get3A_692 : vector<1x1x16xf32> to vector<16xf32>
          %add3A_694 = arith.addf %add3A_622, %get3A_693 : vector<16xf32>
          %add3A_695 = arith.constant 5 : i32
          %add3A_696 = arith.addi %mul3A_605, %add3A_695 : i32
          %get3A_697 = arith.constant 6 : i32
          %get3A_698 = arith.index_cast %get3A_697 : i32 to index
          %get3A_699 = arith.index_cast %add3A_696 : i32 to index
          %get3A_700 = arith.constant 0 : index
          %get3A_701 = tpu.vector_load %arg6[%get3A_698, %get3A_699, %get3A_700] {strides = array<i32>} : memref<8x200x32xf32, #tpu.memory_space<vmem>>, vector<1x1x16xf32>,
          %get3A_702 = vector.shape_cast %get3A_701 : vector<1x1x16xf32> to vector<16xf32>
          %add3A_703 = arith.addf %add3A_631, %get3A_702 : vector<16xf32>
          %add3A_704 = arith.constant 5 : i32
          %add3A_705 = arith.addi %mul3A_605, %add3A_704 : i32
          %get3A_706 = arith.constant 6 : i32
          %get3A_707 = arith.index_cast %get3A_706 : i32 to index
          %get3A_708 = arith.index_cast %add3A_705 : i32 to index
          %get3A_709 = arith.constant 16 : index
          %get3A_710 = tpu.vector_load %arg6[%get3A_707, %get3A_708, %get3A_709] {strides = array<i32>} : memref<8x200x32xf32, #tpu.memory_space<vmem>>, vector<1x1x16xf32>,
          %get3A_711 = vector.shape_cast %get3A_710 : vector<1x1x16xf32> to vector<16xf32>
          %add3A_712 = arith.addf %add3A_640, %get3A_711 : vector<16xf32>
          %add3A_713 = arith.constant 6 : i32
          %add3A_714 = arith.addi %mul3A_605, %add3A_713 : i32
          %get3A_715 = arith.constant 6 : i32
          %get3A_716 = arith.index_cast %get3A_715 : i32 to index
          %get3A_717 = arith.index_cast %add3A_714 : i32 to index
          %get3A_718 = arith.constant 0 : index
          %get3A_719 = tpu.vector_load %arg6[%get3A_716, %get3A_717, %get3A_718] {strides = array<i32>} : memref<8x200x32xf32, #tpu.memory_space<vmem>>, vector<1x1x16xf32>,
          %get3A_720 = vector.shape_cast %get3A_719 : vector<1x1x16xf32> to vector<16xf32>
          %add3A_721 = arith.addf %add3A_649, %get3A_720 : vector<16xf32>
          %add3A_722 = arith.constant 6 : i32
          %add3A_723 = arith.addi %mul3A_605, %add3A_722 : i32
          %get3A_724 = arith.constant 6 : i32
          %get3A_725 = arith.index_cast %get3A_724 : i32 to index
          %get3A_726 = arith.index_cast %add3A_723 : i32 to index
          %get3A_727 = arith.constant 16 : index
          %get3A_728 = tpu.vector_load %arg6[%get3A_725, %get3A_726, %get3A_727] {strides = array<i32>} : memref<8x200x32xf32, #tpu.memory_space<vmem>>, vector<1x1x16xf32>,
          %get3A_729 = vector.shape_cast %get3A_728 : vector<1x1x16xf32> to vector<16xf32>
          %add3A_730 = arith.addf %add3A_658, %get3A_729 : vector<16xf32>
          %add3A_731 = arith.constant 7 : i32
          %add3A_732 = arith.addi %mul3A_605, %add3A_731 : i32
          %get3A_733 = arith.constant 6 : i32
          %get3A_734 = arith.index_cast %get3A_733 : i32 to index
          %get3A_735 = arith.index_cast %add3A_732 : i32 to index
          %get3A_736 = arith.constant 0 : index
          %get3A_737 = tpu.vector_load %arg6[%get3A_734, %get3A_735, %get3A_736] {strides = array<i32>} : memref<8x200x32xf32, #tpu.memory_space<vmem>>, vector<1x1x16xf32>,
          %get3A_738 = vector.shape_cast %get3A_737 : vector<1x1x16xf32> to vector<16xf32>
          %add3A_739 = arith.addf %add3A_667, %get3A_738 : vector<16xf32>
          %add3A_740 = arith.constant 7 : i32
          %add3A_741 = arith.addi %mul3A_605, %add3A_740 : i32
          %get3A_742 = arith.constant 6 : i32
          %get3A_743 = arith.index_cast %get3A_742 : i32 to index
          %get3A_744 = arith.index_cast %add3A_741 : i32 to index
          %get3A_745 = arith.constant 16 : index
          %get3A_746 = tpu.vector_load %arg6[%get3A_743, %get3A_744, %get3A_745] {strides = array<i32>} : memref<8x200x32xf32, #tpu.memory_space<vmem>>, vector<1x1x16xf32>,
          %get3A_747 = vector.shape_cast %get3A_746 : vector<1x1x16xf32> to vector<16xf32>
          %add3A_748 = arith.addf %add3A_676, %get3A_747 : vector<16xf32>
          scf.yield %add3A_685, %add3A_703, %add3A_721, %add3A_739, %add3A_694, %add3A_712, %add3A_730, %add3A_748 : vector<16xf32>, vector<16xf32>, vector<16xf32>, vector<16xf32>, vector<16xf32>, vector<16xf32>, vector<16xf32>, vector<16xf32>
        }
        %scan3A_526 = arith.constant 25 : i32
        %add3A_527 = arith.addf %scan3A_525#0, %scan3A_525#1 : vector<16xf32>
        %add3A_528 = arith.addf %scan3A_525#2, %scan3A_525#3 : vector<16xf32>
        %add3A_529 = arith.addf %add3A_527, %add3A_528 : vector<16xf32>
        %swap3A_530 = arith.index_cast %add3A_494 : i32 to index
        %swap3A_531 = arith.constant 0 : index
        %swap3A_532 = tpu.vector_load %arg7[%swap3A_530, %swap3A_531] {strides = array<i32>} : memref<256x32xf32, #tpu.memory_space<vmem>>, vector<1x16xf32>,
        %swap3A_533 = vector.shape_cast %swap3A_532 : vector<1x16xf32> to vector<16xf32>
        %swap3A_534 = vector.shape_cast %add3A_529 : vector<16xf32> to vector<1x16xf32>
        tpu.vector_store %arg7[%swap3A_530, %swap3A_531], %swap3A_534 {strides = array<i32>} : memref<256x32xf32, #tpu.memory_space<vmem>>, vector<1x16xf32>,
        %add3A_535 = arith.addf %scan3A_525#4, %scan3A_525#5 : vector<16xf32>
        %add3A_536 = arith.addf %scan3A_525#6, %scan3A_525#7 : vector<16xf32>
        %add3A_537 = arith.addf %add3A_535, %add3A_536 : vector<16xf32>
        %swap3A_538 = arith.index_cast %add3A_494 : i32 to index
        %swap3A_539 = arith.constant 16 : index
        %swap3A_540 = tpu.vector_load %arg7[%swap3A_538, %swap3A_539] {strides = array<i32>} : memref<256x32xf32, #tpu.memory_space<vmem>>, vector<1x16xf32>,
        %swap3A_541 = vector.shape_cast %swap3A_540 : vector<1x16xf32> to vector<16xf32>
        %swap3A_542 = vector.shape_cast %add3A_537 : vector<16xf32> to vector<1x16xf32>
        tpu.vector_store %arg7[%swap3A_538, %swap3A_539], %swap3A_542 {strides = array<i32>} : memref<256x32xf32, #tpu.memory_space<vmem>>, vector<1x16xf32>,
        %mul3A_543 = arith.constant 8 : i32
        %mul3A_544 = arith.muli %scan3A_185, %mul3A_543 : i32
        %add3A_545 = arith.constant 7 : i32
        %add3A_546 = arith.addi %mul3A_544, %add3A_545 : i32
        %add3A_547 = arith.constant 8 : i32
        %add3A_548 = arith.addi %add3A_546, %add3A_547 : i32
        %sub3A_549 = arith.constant 1 : i32
        %sub3A_550 = arith.subi %add3A_548, %sub3A_549 : i32
        %lt3A_551 = arith.constant 256 : i32
        %lt3A_552 = arith.cmpi slt, %sub3A_550, %lt3A_551 : i32
        %convert_element_type3A_553 = arith.extui %lt3A_552 : i1 to i32
        %cond3A_554 = arith.constant 0 : i32
        %cond3A_555 = arith.cmpi ne, %convert_element_type3A_553, %cond3A_554 : i32
        scf.if %cond3A_555 {
          %add3A_595 = arith.constant 8 : i32
          %add3A_596 = arith.addi %add3A_546, %add3A_595 : i32
          %sub3A_597 = arith.constant 1 : i32
          %sub3A_598 = arith.subi %add3A_596, %sub3A_597 : i32
          %dma_start3A_599 = arith.constant 6 : i32
          %dma_start3A_600 = arith.constant 0 : i32
          %dma_start3A_601 = arith.constant 0 : i32
          %dma_start3A_602 = tpu.memref_slice %arg6[%dma_start3A_599, %dma_start3A_600, %dma_start3A_601] : memref<8x200x32xf32, #tpu.memory_space<vmem>> -> memref<1x128x32xf32, #tpu.memory_space<vmem>>
          %dma_start3A_603 = tpu.memref_squeeze %dma_start3A_602 : memref<1x128x32xf32, #tpu.memory_space<vmem>> -> memref<128x32xf32, #tpu.memory_space<vmem>>
          %dma_start3A_604 = arith.constant 0 : i32
          %dma_start3A_605 = tpu.memref_slice %arg5[%sub3A_598, %dma_start3A_604] : memref<256x200xi32, #tpu.memory_space<vmem>> -> memref<1x128xi32, #tpu.memory_space<vmem>>
          %dma_start3A_606 = tpu.memref_squeeze %dma_start3A_605 : memref<1x128xi32, #tpu.memory_space<vmem>> -> memref<128xi32, #tpu.memory_space<vmem>>
          %dma_start3A_607 = arith.constant 0 : i32
          %dma_start3A_608 = arith.constant 0 : i32
          %dma_start3A_609 = tpu.memref_slice %arg3[%dma_start3A_607, %dma_start3A_608] : memref<1048576x32xf32, #tpu.memory_space<hbm>> -> memref<1048576x32xf32, #tpu.memory_space<hbm>>
          tpu.enqueue_indirect_dma source(%dma_start3A_609 : memref<1048576x32xf32, #tpu.memory_space<hbm>>) target(%dma_start3A_603 : memref<128x32xf32, #tpu.memory_space<vmem>>) offsets(%dma_start3A_606 : memref<128xi32, #tpu.memory_space<vmem>>) semaphore(%arg14 : memref<!tpu.dma_semaphore, #tpu.memory_space<semaphore_mem>>)
          %dma_start3A_610 = arith.constant 6 : i32
          %dma_start3A_611 = arith.constant 128 : i32
          %dma_start3A_612 = arith.constant 0 : i32
          %dma_start3A_613 = tpu.memref_slice %arg6[%dma_start3A_610, %dma_start3A_611, %dma_start3A_612] : memref<8x200x32xf32, #tpu.memory_space<vmem>> -> memref<1x72x32xf32, #tpu.memory_space<vmem>>
          %dma_start3A_614 = tpu.memref_squeeze %dma_start3A_613 : memref<1x72x32xf32, #tpu.memory_space<vmem>> -> memref<72x32xf32, #tpu.memory_space<vmem>>
          %dma_start3A_615 = arith.constant 128 : i32
          %dma_start3A_616 = tpu.memref_slice %arg5[%sub3A_598, %dma_start3A_615] : memref<256x200xi32, #tpu.memory_space<vmem>> -> memref<1x72xi32, #tpu.memory_space<vmem>>
          %dma_start3A_617 = tpu.memref_squeeze %dma_start3A_616 : memref<1x72xi32, #tpu.memory_space<vmem>> -> memref<72xi32, #tpu.memory_space<vmem>>
          %dma_start3A_618 = arith.constant 0 : i32
          %dma_start3A_619 = arith.constant 0 : i32
          %dma_start3A_620 = tpu.memref_slice %arg3[%dma_start3A_618, %dma_start3A_619] : memref<1048576x32xf32, #tpu.memory_space<hbm>> -> memref<1048576x32xf32, #tpu.memory_space<hbm>>
          tpu.enqueue_indirect_dma source(%dma_start3A_620 : memref<1048576x32xf32, #tpu.memory_space<hbm>>) target(%dma_start3A_614 : memref<72x32xf32, #tpu.memory_space<vmem>>) offsets(%dma_start3A_617 : memref<72xi32, #tpu.memory_space<vmem>>) semaphore(%arg14 : memref<!tpu.dma_semaphore, #tpu.memory_space<semaphore_mem>>)
        } else {
        }
        %dma_wait3A_556 = arith.constant 7 : i32
        %dma_wait3A_557 = arith.constant 0 : i32
        %dma_wait3A_558 = arith.constant 0 : i32
        %dma_wait3A_559 = tpu.memref_slice %arg6[%dma_wait3A_556, %dma_wait3A_557, %dma_wait3A_558] : memref<8x200x32xf32, #tpu.memory_space<vmem>> -> memref<1x200x32xf32, #tpu.memory_space<vmem>>
        %dma_wait3A_560 = tpu.memref_squeeze %dma_wait3A_559 : memref<1x200x32xf32, #tpu.memory_space<vmem>> -> memref<200x32xf32, #tpu.memory_space<vmem>>
        %dma_wait3A_561 = arith.constant 0 : i32
        %dma_wait3A_562 = arith.constant 0 : i32
        %dma_wait3A_563 = tpu.memref_slice %arg3[%dma_wait3A_561, %dma_wait3A_562] : memref<1048576x32xf32, #tpu.memory_space<hbm>> -> memref<200x32xf32, #tpu.memory_space<hbm>>
        %dma_wait3A_564 = arith.constant 0 : i32
        %dma_wait3A_565 = arith.constant 0 : i32
        %dma_wait3A_566 = tpu.memref_slice %arg6[%dma_wait3A_556, %dma_wait3A_564, %dma_wait3A_565] : memref<8x200x32xf32, #tpu.memory_space<vmem>> -> memref<1x200x32xf32, #tpu.memory_space<vmem>>
        %dma_wait3A_567 = tpu.memref_squeeze %dma_wait3A_566 : memref<1x200x32xf32, #tpu.memory_space<vmem>> -> memref<200x32xf32, #tpu.memory_space<vmem>>
        %dma_wait3A_568 = arith.constant 0 : i32
        %dma_wait3A_569 = arith.constant 0 : i32
        %dma_wait3A_570 = tpu.memref_slice %arg3[%dma_wait3A_568, %dma_wait3A_569] : memref<1048576x32xf32, #tpu.memory_space<hbm>> -> memref<200x32xf32, #tpu.memory_space<hbm>>
        tpu.wait_dma2 semaphore(%arg15 : memref<!tpu.dma_semaphore, #tpu.memory_space<semaphore_mem>>) src(%dma_wait3A_570 : memref<200x32xf32, #tpu.memory_space<hbm>>) dst(%dma_wait3A_567 : memref<200x32xf32, #tpu.memory_space<vmem>>)
        %broadcast_in_dim3A_571 = arith.constant 0.000000e+00 : f32
        %broadcast_in_dim3A_572 = vector.broadcast %broadcast_in_dim3A_571 : f32 to vector<16xf32>
        %scan3A_573 = arith.constant 0 : i32
        %scan3A_574 = arith.constant 25 : i32
        %scan3A_575 = arith.addi %scan3A_573, %scan3A_574 : i32
        %scan3A_576 = arith.constant 1 : i32
        %scan3A_577:8 = scf.for %scan3A_595 = %scan3A_573 to %scan3A_575 step %scan3A_576 iter_args(%scan3A_596 = %broadcast_in_dim3A_572, %scan3A_597 = %broadcast_in_dim3A_572, %scan3A_598 = %broadcast_in_dim3A_572, %scan3A_599 = %broadcast_in_dim3A_572, %scan3A_600 = %broadcast_in_dim3A_572, %scan3A_601 = %broadcast_in_dim3A_572, %scan3A_602 = %broadcast_in_dim3A_572, %scan3A_603 = %broadcast_in_dim3A_572) -> (vector<16xf32>, vector<16xf32>, vector<16xf32>, vector<16xf32>, vector<16xf32>, vector<16xf32>, vector<16xf32>, vector<16xf32>)  : i32 {
          %mul3A_604 = arith.constant 8 : i32
          %mul3A_605 = arith.muli %scan3A_595, %mul3A_604 : i32
          %add3A_606 = arith.constant 0 : i32
          %add3A_607 = arith.addi %mul3A_605, %add3A_606 : i32
          %get3A = arith.constant 7 : i32
          %get3A_608 = arith.index_cast %get3A : i32 to index
          %get3A_609 = arith.index_cast %add3A_607 : i32 to index
          %get3A_610 = arith.constant 0 : index
          %get3A_611 = tpu.vector_load %arg6[%get3A_608, %get3A_609, %get3A_610] {strides = array<i32>} : memref<8x200x32xf32, #tpu.memory_space<vmem>>, vector<1x1x16xf32>,
          %get3A_612 = vector.shape_cast %get3A_611 : vector<1x1x16xf32> to vector<16xf32>
          %add3A_613 = arith.addf %scan3A_596, %get3A_612 : vector<16xf32>
          %add3A_614 = arith.constant 0 : i32
          %add3A_615 = arith.addi %mul3A_605, %add3A_614 : i32
          %get3A_616 = arith.constant 7 : i32
          %get3A_617 = arith.index_cast %get3A_616 : i32 to index
          %get3A_618 = arith.index_cast %add3A_615 : i32 to index
          %get3A_619 = arith.constant 16 : index
          %get3A_620 = tpu.vector_load %arg6[%get3A_617, %get3A_618, %get3A_619] {strides = array<i32>} : memref<8x200x32xf32, #tpu.memory_space<vmem>>, vector<1x1x16xf32>,
          %get3A_621 = vector.shape_cast %get3A_620 : vector<1x1x16xf32> to vector<16xf32>
          %add3A_622 = arith.addf %scan3A_600, %get3A_621 : vector<16xf32>
          %add3A_623 = arith.constant 1 : i32
          %add3A_624 = arith.addi %mul3A_605, %add3A_623 : i32
          %get3A_625 = arith.constant 7 : i32
          %get3A_626 = arith.index_cast %get3A_625 : i32 to index
          %get3A_627 = arith.index_cast %add3A_624 : i32 to index
          %get3A_628 = arith.constant 0 : index
          %get3A_629 = tpu.vector_load %arg6[%get3A_626, %get3A_627, %get3A_628] {strides = array<i32>} : memref<8x200x32xf32, #tpu.memory_space<vmem>>, vector<1x1x16xf32>,
          %get3A_630 = vector.shape_cast %get3A_629 : vector<1x1x16xf32> to vector<16xf32>
          %add3A_631 = arith.addf %scan3A_597, %get3A_630 : vector<16xf32>
          %add3A_632 = arith.constant 1 : i32
          %add3A_633 = arith.addi %mul3A_605, %add3A_632 : i32
          %get3A_634 = arith.constant 7 : i32
          %get3A_635 = arith.index_cast %get3A_634 : i32 to index
          %get3A_636 = arith.index_cast %add3A_633 : i32 to index
          %get3A_637 = arith.constant 16 : index
          %get3A_638 = tpu.vector_load %arg6[%get3A_635, %get3A_636, %get3A_637] {strides = array<i32>} : memref<8x200x32xf32, #tpu.memory_space<vmem>>, vector<1x1x16xf32>,
          %get3A_639 = vector.shape_cast %get3A_638 : vector<1x1x16xf32> to vector<16xf32>
          %add3A_640 = arith.addf %scan3A_601, %get3A_639 : vector<16xf32>
          %add3A_641 = arith.constant 2 : i32
          %add3A_642 = arith.addi %mul3A_605, %add3A_641 : i32
          %get3A_643 = arith.constant 7 : i32
          %get3A_644 = arith.index_cast %get3A_643 : i32 to index
          %get3A_645 = arith.index_cast %add3A_642 : i32 to index
          %get3A_646 = arith.constant 0 : index
          %get3A_647 = tpu.vector_load %arg6[%get3A_644, %get3A_645, %get3A_646] {strides = array<i32>} : memref<8x200x32xf32, #tpu.memory_space<vmem>>, vector<1x1x16xf32>,
          %get3A_648 = vector.shape_cast %get3A_647 : vector<1x1x16xf32> to vector<16xf32>
          %add3A_649 = arith.addf %scan3A_598, %get3A_648 : vector<16xf32>
          %add3A_650 = arith.constant 2 : i32
          %add3A_651 = arith.addi %mul3A_605, %add3A_650 : i32
          %get3A_652 = arith.constant 7 : i32
          %get3A_653 = arith.index_cast %get3A_652 : i32 to index
          %get3A_654 = arith.index_cast %add3A_651 : i32 to index
          %get3A_655 = arith.constant 16 : index
          %get3A_656 = tpu.vector_load %arg6[%get3A_653, %get3A_654, %get3A_655] {strides = array<i32>} : memref<8x200x32xf32, #tpu.memory_space<vmem>>, vector<1x1x16xf32>,
          %get3A_657 = vector.shape_cast %get3A_656 : vector<1x1x16xf32> to vector<16xf32>
          %add3A_658 = arith.addf %scan3A_602, %get3A_657 : vector<16xf32>
          %add3A_659 = arith.constant 3 : i32
          %add3A_660 = arith.addi %mul3A_605, %add3A_659 : i32
          %get3A_661 = arith.constant 7 : i32
          %get3A_662 = arith.index_cast %get3A_661 : i32 to index
          %get3A_663 = arith.index_cast %add3A_660 : i32 to index
          %get3A_664 = arith.constant 0 : index
          %get3A_665 = tpu.vector_load %arg6[%get3A_662, %get3A_663, %get3A_664] {strides = array<i32>} : memref<8x200x32xf32, #tpu.memory_space<vmem>>, vector<1x1x16xf32>,
          %get3A_666 = vector.shape_cast %get3A_665 : vector<1x1x16xf32> to vector<16xf32>
          %add3A_667 = arith.addf %scan3A_599, %get3A_666 : vector<16xf32>
          %add3A_668 = arith.constant 3 : i32
          %add3A_669 = arith.addi %mul3A_605, %add3A_668 : i32
          %get3A_670 = arith.constant 7 : i32
          %get3A_671 = arith.index_cast %get3A_670 : i32 to index
          %get3A_672 = arith.index_cast %add3A_669 : i32 to index
          %get3A_673 = arith.constant 16 : index
          %get3A_674 = tpu.vector_load %arg6[%get3A_671, %get3A_672, %get3A_673] {strides = array<i32>} : memref<8x200x32xf32, #tpu.memory_space<vmem>>, vector<1x1x16xf32>,
          %get3A_675 = vector.shape_cast %get3A_674 : vector<1x1x16xf32> to vector<16xf32>
          %add3A_676 = arith.addf %scan3A_603, %get3A_675 : vector<16xf32>
          %add3A_677 = arith.constant 4 : i32
          %add3A_678 = arith.addi %mul3A_605, %add3A_677 : i32
          %get3A_679 = arith.constant 7 : i32
          %get3A_680 = arith.index_cast %get3A_679 : i32 to index
          %get3A_681 = arith.index_cast %add3A_678 : i32 to index
          %get3A_682 = arith.constant 0 : index
          %get3A_683 = tpu.vector_load %arg6[%get3A_680, %get3A_681, %get3A_682] {strides = array<i32>} : memref<8x200x32xf32, #tpu.memory_space<vmem>>, vector<1x1x16xf32>,
          %get3A_684 = vector.shape_cast %get3A_683 : vector<1x1x16xf32> to vector<16xf32>
          %add3A_685 = arith.addf %add3A_613, %get3A_684 : vector<16xf32>
          %add3A_686 = arith.constant 4 : i32
          %add3A_687 = arith.addi %mul3A_605, %add3A_686 : i32
          %get3A_688 = arith.constant 7 : i32
          %get3A_689 = arith.index_cast %get3A_688 : i32 to index
          %get3A_690 = arith.index_cast %add3A_687 : i32 to index
          %get3A_691 = arith.constant 16 : index
          %get3A_692 = tpu.vector_load %arg6[%get3A_689, %get3A_690, %get3A_691] {strides = array<i32>} : memref<8x200x32xf32, #tpu.memory_space<vmem>>, vector<1x1x16xf32>,
          %get3A_693 = vector.shape_cast %get3A_692 : vector<1x1x16xf32> to vector<16xf32>
          %add3A_694 = arith.addf %add3A_622, %get3A_693 : vector<16xf32>
          %add3A_695 = arith.constant 5 : i32
          %add3A_696 = arith.addi %mul3A_605, %add3A_695 : i32
          %get3A_697 = arith.constant 7 : i32
          %get3A_698 = arith.index_cast %get3A_697 : i32 to index
          %get3A_699 = arith.index_cast %add3A_696 : i32 to index
          %get3A_700 = arith.constant 0 : index
          %get3A_701 = tpu.vector_load %arg6[%get3A_698, %get3A_699, %get3A_700] {strides = array<i32>} : memref<8x200x32xf32, #tpu.memory_space<vmem>>, vector<1x1x16xf32>,
          %get3A_702 = vector.shape_cast %get3A_701 : vector<1x1x16xf32> to vector<16xf32>
          %add3A_703 = arith.addf %add3A_631, %get3A_702 : vector<16xf32>
          %add3A_704 = arith.constant 5 : i32
          %add3A_705 = arith.addi %mul3A_605, %add3A_704 : i32
          %get3A_706 = arith.constant 7 : i32
          %get3A_707 = arith.index_cast %get3A_706 : i32 to index
          %get3A_708 = arith.index_cast %add3A_705 : i32 to index
          %get3A_709 = arith.constant 16 : index
          %get3A_710 = tpu.vector_load %arg6[%get3A_707, %get3A_708, %get3A_709] {strides = array<i32>} : memref<8x200x32xf32, #tpu.memory_space<vmem>>, vector<1x1x16xf32>,
          %get3A_711 = vector.shape_cast %get3A_710 : vector<1x1x16xf32> to vector<16xf32>
          %add3A_712 = arith.addf %add3A_640, %get3A_711 : vector<16xf32>
          %add3A_713 = arith.constant 6 : i32
          %add3A_714 = arith.addi %mul3A_605, %add3A_713 : i32
          %get3A_715 = arith.constant 7 : i32
          %get3A_716 = arith.index_cast %get3A_715 : i32 to index
          %get3A_717 = arith.index_cast %add3A_714 : i32 to index
          %get3A_718 = arith.constant 0 : index
          %get3A_719 = tpu.vector_load %arg6[%get3A_716, %get3A_717, %get3A_718] {strides = array<i32>} : memref<8x200x32xf32, #tpu.memory_space<vmem>>, vector<1x1x16xf32>,
          %get3A_720 = vector.shape_cast %get3A_719 : vector<1x1x16xf32> to vector<16xf32>
          %add3A_721 = arith.addf %add3A_649, %get3A_720 : vector<16xf32>
          %add3A_722 = arith.constant 6 : i32
          %add3A_723 = arith.addi %mul3A_605, %add3A_722 : i32
          %get3A_724 = arith.constant 7 : i32
          %get3A_725 = arith.index_cast %get3A_724 : i32 to index
          %get3A_726 = arith.index_cast %add3A_723 : i32 to index
          %get3A_727 = arith.constant 16 : index
          %get3A_728 = tpu.vector_load %arg6[%get3A_725, %get3A_726, %get3A_727] {strides = array<i32>} : memref<8x200x32xf32, #tpu.memory_space<vmem>>, vector<1x1x16xf32>,
          %get3A_729 = vector.shape_cast %get3A_728 : vector<1x1x16xf32> to vector<16xf32>
          %add3A_730 = arith.addf %add3A_658, %get3A_729 : vector<16xf32>
          %add3A_731 = arith.constant 7 : i32
          %add3A_732 = arith.addi %mul3A_605, %add3A_731 : i32
          %get3A_733 = arith.constant 7 : i32
          %get3A_734 = arith.index_cast %get3A_733 : i32 to index
          %get3A_735 = arith.index_cast %add3A_732 : i32 to index
          %get3A_736 = arith.constant 0 : index
          %get3A_737 = tpu.vector_load %arg6[%get3A_734, %get3A_735, %get3A_736] {strides = array<i32>} : memref<8x200x32xf32, #tpu.memory_space<vmem>>, vector<1x1x16xf32>,
          %get3A_738 = vector.shape_cast %get3A_737 : vector<1x1x16xf32> to vector<16xf32>
          %add3A_739 = arith.addf %add3A_667, %get3A_738 : vector<16xf32>
          %add3A_740 = arith.constant 7 : i32
          %add3A_741 = arith.addi %mul3A_605, %add3A_740 : i32
          %get3A_742 = arith.constant 7 : i32
          %get3A_743 = arith.index_cast %get3A_742 : i32 to index
          %get3A_744 = arith.index_cast %add3A_741 : i32 to index
          %get3A_745 = arith.constant 16 : index
          %get3A_746 = tpu.vector_load %arg6[%get3A_743, %get3A_744, %get3A_745] {strides = array<i32>} : memref<8x200x32xf32, #tpu.memory_space<vmem>>, vector<1x1x16xf32>,
          %get3A_747 = vector.shape_cast %get3A_746 : vector<1x1x16xf32> to vector<16xf32>
          %add3A_748 = arith.addf %add3A_676, %get3A_747 : vector<16xf32>
          scf.yield %add3A_685, %add3A_703, %add3A_721, %add3A_739, %add3A_694, %add3A_712, %add3A_730, %add3A_748 : vector<16xf32>, vector<16xf32>, vector<16xf32>, vector<16xf32>, vector<16xf32>, vector<16xf32>, vector<16xf32>, vector<16xf32>
        }
        %scan3A_578 = arith.constant 25 : i32
        %add3A_579 = arith.addf %scan3A_577#0, %scan3A_577#1 : vector<16xf32>
        %add3A_580 = arith.addf %scan3A_577#2, %scan3A_577#3 : vector<16xf32>
        %add3A_581 = arith.addf %add3A_579, %add3A_580 : vector<16xf32>
        %swap3A_582 = arith.index_cast %add3A_546 : i32 to index
        %swap3A_583 = arith.constant 0 : index
        %swap3A_584 = tpu.vector_load %arg7[%swap3A_582, %swap3A_583] {strides = array<i32>} : memref<256x32xf32, #tpu.memory_space<vmem>>, vector<1x16xf32>,
        %swap3A_585 = vector.shape_cast %swap3A_584 : vector<1x16xf32> to vector<16xf32>
        %swap3A_586 = vector.shape_cast %add3A_581 : vector<16xf32> to vector<1x16xf32>
        tpu.vector_store %arg7[%swap3A_582, %swap3A_583], %swap3A_586 {strides = array<i32>} : memref<256x32xf32, #tpu.memory_space<vmem>>, vector<1x16xf32>,
        %add3A_587 = arith.addf %scan3A_577#4, %scan3A_577#5 : vector<16xf32>
        %add3A_588 = arith.addf %scan3A_577#6, %scan3A_577#7 : vector<16xf32>
        %add3A_589 = arith.addf %add3A_587, %add3A_588 : vector<16xf32>
        %swap3A_590 = arith.index_cast %add3A_546 : i32 to index
        %swap3A_591 = arith.constant 16 : index
        %swap3A_592 = tpu.vector_load %arg7[%swap3A_590, %swap3A_591] {strides = array<i32>} : memref<256x32xf32, #tpu.memory_space<vmem>>, vector<1x16xf32>,
        %swap3A_593 = vector.shape_cast %swap3A_592 : vector<1x16xf32> to vector<16xf32>
        %swap3A_594 = vector.shape_cast %add3A_589 : vector<16xf32> to vector<1x16xf32>
        tpu.vector_store %arg7[%swap3A_590, %swap3A_591], %swap3A_594 {strides = array<i32>} : memref<256x32xf32, #tpu.memory_space<vmem>>, vector<1x16xf32>,
      }
      %scan3A_184 = arith.constant 32 : i32
      "tpu.region"() ({
        %run_scoped3A = tpu.sem_alloc : memref<!tpu.dma_semaphore, #tpu.memory_space<semaphore_mem>>
        %dma_start3A_185 = arith.constant 0 : i32
        %dma_start3A_186 = tpu.memref_slice %arg4[%add3A_11, %dma_start3A_185] : memref<16384x32xf32, #tpu.memory_space<hbm>> -> memref<256x32xf32, #tpu.memory_space<hbm>>
        %dma_start3A_187 = arith.constant 0 : i32
        %dma_start3A_188 = tpu.memref_slice %arg4[%add3A_11, %dma_start3A_187] : memref<16384x32xf32, #tpu.memory_space<hbm>> -> memref<256x32xf32, #tpu.memory_space<hbm>>
        tpu.enqueue_dma source(%arg7 : memref<256x32xf32, #tpu.memory_space<vmem>>) target(%dma_start3A_188 : memref<256x32xf32, #tpu.memory_space<hbm>>) target_semaphore(%run_scoped3A : memref<!tpu.dma_semaphore, #tpu.memory_space<semaphore_mem>>)
        %dma_wait3A = arith.constant 0 : i32
        %dma_wait3A_189 = tpu.memref_slice %arg4[%add3A_11, %dma_wait3A] : memref<16384x32xf32, #tpu.memory_space<hbm>> -> memref<256x32xf32, #tpu.memory_space<hbm>>
        %dma_wait3A_190 = arith.constant 0 : i32
        %dma_wait3A_191 = tpu.memref_slice %arg4[%add3A_11, %dma_wait3A_190] : memref<16384x32xf32, #tpu.memory_space<hbm>> -> memref<256x32xf32, #tpu.memory_space<hbm>>
        tpu.wait_dma2 semaphore(%run_scoped3A : memref<!tpu.dma_semaphore, #tpu.memory_space<semaphore_mem>>) src(%arg7 : memref<256x32xf32, #tpu.memory_space<vmem>>) dst(%dma_wait3A_191 : memref<256x32xf32, #tpu.memory_space<hbm>>)
        tpu.yield
      }) : () -> ()
    }
    %scan3A_7 = arith.constant 2 : i32
    return
  }
}

module attributes {stable_mosaic.version = 14 : i64} {
  func.func @_lin_body(%arg0: i32, %arg1: memref<32x8192xf32, #tpu.memory_space<vmem>>, %arg2: memref<32x8192xf32, #tpu.memory_space<vmem>>, %arg3: memref<32x8192xf32, #tpu.memory_space<vmem>>, %arg4: memref<32x8192xf32, #tpu.memory_space<vmem>>, %arg5: memref<8192x128xf32, #tpu.memory_space<vmem>>) attributes {dimension_semantics = [#tpu.dimension_semantics<arbitrary>], iteration_bounds = array<i64: 32>, scalar_prefetch = 0 : i64, scratch_operands = 0 : i64, tpu.core_type = #tpu.core_type<tc>, window_params = [{transform_indices = @transform_0, window_bounds = array<i64: 32, 8192>}, {transform_indices = @transform_1, window_bounds = array<i64: 32, 8192>}, {transform_indices = @transform_2, window_bounds = array<i64: 32, 8192>}, {transform_indices = @transform_3, window_bounds = array<i64: 32, 8192>}, {transform_indices = @transform_4, window_bounds = array<i64: 8192, 128>}]} {
    %get3A = arith.constant 0 : index
    %get3A_0 = arith.constant 0 : index
    %get3A_1 = vector.load %arg1[%get3A, %get3A_0] : memref<32x8192xf32, #tpu.memory_space<vmem>>, vector<32x8192xf32>
    %transpose3A = tpu.transpose %get3A_1, [1, 0] : vector<32x8192xf32> -> vector<8192x32xf32>
    %get3A_2 = arith.constant 0 : index
    %get3A_3 = arith.constant 0 : index
    %get3A_4 = vector.load %arg2[%get3A_2, %get3A_3] : memref<32x8192xf32, #tpu.memory_space<vmem>>, vector<32x8192xf32>
    %transpose3A_5 = tpu.transpose %get3A_4, [1, 0] : vector<32x8192xf32> -> vector<8192x32xf32>
    %get3A_6 = arith.constant 0 : index
    %get3A_7 = arith.constant 0 : index
    %get3A_8 = vector.load %arg3[%get3A_6, %get3A_7] : memref<32x8192xf32, #tpu.memory_space<vmem>>, vector<32x8192xf32>
    %transpose3A_9 = tpu.transpose %get3A_8, [1, 0] : vector<32x8192xf32> -> vector<8192x32xf32>
    %get3A_10 = arith.constant 0 : index
    %get3A_11 = arith.constant 0 : index
    %get3A_12 = vector.load %arg4[%get3A_10, %get3A_11] : memref<32x8192xf32, #tpu.memory_space<vmem>>, vector<32x8192xf32>
    %transpose3A_13 = tpu.transpose %get3A_12, [1, 0] : vector<32x8192xf32> -> vector<8192x32xf32>
    %concatenate3A = tpu.concatenate %transpose3A, %transpose3A_5, %transpose3A_9, %transpose3A_13 in 1 : vector<8192x32xf32>, vector<8192x32xf32>, vector<8192x32xf32>, vector<8192x32xf32> -> vector<8192x128xf32>
    %swap3A = arith.constant 0 : index
    %swap3A_14 = arith.constant 0 : index
    %swap3A_15 = vector.load %arg5[%swap3A, %swap3A_14] : memref<8192x128xf32, #tpu.memory_space<vmem>>, vector<8192x128xf32>
    tpu.vector_store %arg5[%swap3A, %swap3A_14], %concatenate3A {strides = array<i32>} : memref<8192x128xf32, #tpu.memory_space<vmem>>, vector<8192x128xf32>,
    return
  }
  func.func @transform_0(%arg0: i32) -> (i32, i32) {
    %add3A = arith.constant 0 : i32
    %add3A_0 = arith.addi %add3A, %arg0 : i32
    %min3A = arith.constant 122 : i32
    %min3A_1 = arith.minsi %add3A_0, %min3A : i32
    %c0_i32 = arith.constant 0 : i32
    %c0_i32_2 = arith.constant 0 : i32
    return %c0_i32, %min3A_1 : i32, i32
  }
  func.func @transform_1(%arg0: i32) -> (i32, i32) {
    %add3A = arith.constant 32 : i32
    %add3A_0 = arith.addi %add3A, %arg0 : i32
    %min3A = arith.constant 122 : i32
    %min3A_1 = arith.minsi %add3A_0, %min3A : i32
    %c0_i32 = arith.constant 0 : i32
    %c0_i32_2 = arith.constant 0 : i32
    return %c0_i32, %min3A_1 : i32, i32
  }
  func.func @transform_2(%arg0: i32) -> (i32, i32) {
    %add3A = arith.constant 64 : i32
    %add3A_0 = arith.addi %add3A, %arg0 : i32
    %min3A = arith.constant 122 : i32
    %min3A_1 = arith.minsi %add3A_0, %min3A : i32
    %c0_i32 = arith.constant 0 : i32
    %c0_i32_2 = arith.constant 0 : i32
    return %c0_i32, %min3A_1 : i32, i32
  }
  func.func @transform_3(%arg0: i32) -> (i32, i32) {
    %add3A = arith.constant 96 : i32
    %add3A_0 = arith.addi %add3A, %arg0 : i32
    %min3A = arith.constant 122 : i32
    %min3A_1 = arith.minsi %add3A_0, %min3A : i32
    %c0_i32 = arith.constant 0 : i32
    %c0_i32_2 = arith.constant 0 : i32
    return %c0_i32, %min3A_1 : i32, i32
  }
  func.func @transform_4(%arg0: i32) -> (i32, i32) {
    %c0_i32 = arith.constant 0 : i32
    %c0_i32_0 = arith.constant 0 : i32
    return %arg0, %c0_i32 : i32, i32
  }
}

module attributes {stable_mosaic.version = 14 : i64} {
  func.func @_remap_body(%arg0: i32, %arg1: memref<1024x200xi32, #tpu.memory_space<vmem>>, %arg2: memref<1024x200xi32, #tpu.memory_space<vmem>>) attributes {dimension_semantics = [#tpu.dimension_semantics<arbitrary>], iteration_bounds = array<i64: 16>, scalar_prefetch = 0 : i64, scratch_operands = 0 : i64, tpu.core_type = #tpu.core_type<tc>, window_params = [{transform_indices = @transform_0, window_bounds = array<i64: 1024, 200>}, {transform_indices = @transform_1, window_bounds = array<i64: 1024, 200>}]} {
    %get3A = arith.constant 0 : index
    %get3A_0 = arith.constant 0 : index
    %get3A_1 = vector.load %arg1[%get3A, %get3A_0] : memref<1024x200xi32, #tpu.memory_space<vmem>>, vector<1024x200xi32>
    %and3A = arith.constant 262143 : i32
    %and3A_2 = vector.broadcast %and3A : i32 to vector<1024x200xi32>
    %and3A_3 = arith.andi %get3A_1, %and3A_2 : vector<1024x200xi32>
    %shift_left3A = arith.constant 2 : i32
    %shift_left3A_4 = vector.broadcast %shift_left3A : i32 to vector<1024x200xi32>
    %shift_left3A_5 = arith.shli %and3A_3, %shift_left3A_4 : vector<1024x200xi32>
    %shift_right_arithmetic3A = arith.constant 18 : i32
    %shift_right_arithmetic3A_6 = vector.broadcast %shift_right_arithmetic3A : i32 to vector<1024x200xi32>
    %shift_right_arithmetic3A_7 = arith.shrsi %get3A_1, %shift_right_arithmetic3A_6 : vector<1024x200xi32>
    %or3A = arith.ori %shift_left3A_5, %shift_right_arithmetic3A_7 : vector<1024x200xi32>
    %swap3A = arith.constant 0 : index
    %swap3A_8 = arith.constant 0 : index
    %swap3A_9 = vector.load %arg2[%swap3A, %swap3A_8] : memref<1024x200xi32, #tpu.memory_space<vmem>>, vector<1024x200xi32>
    tpu.vector_store %arg2[%swap3A, %swap3A_8], %or3A {strides = array<i32>} : memref<1024x200xi32, #tpu.memory_space<vmem>>, vector<1024x200xi32>,
    return
  }
  func.func @transform_0(%arg0: i32) -> (i32, i32) {
    %c0_i32 = arith.constant 0 : i32
    %c0_i32_0 = arith.constant 0 : i32
    return %arg0, %c0_i32 : i32, i32
  }
  func.func @transform_1(%arg0: i32) -> (i32, i32) {
    %c0_i32 = arith.constant 0 : i32
    %c0_i32_0 = arith.constant 0 : i32
    return %arg0, %c0_i32 : i32, i32
  }
}

module attributes {stable_mosaic.version = 14 : i64} {
  func.func @_mlp_body(%arg0: i32, %arg1: memref<1024x200xi32, #tpu.memory_space<vmem>>, %arg2: memref<1024x32xf32, #tpu.memory_space<vmem>>, %arg3: memref<32x64xf32, #tpu.memory_space<vmem>>, %arg4: memref<1x64xf32, #tpu.memory_space<vmem>>, %arg5: memref<64x4xf32, #tpu.memory_space<vmem>>, %arg6: memref<1x4xf32, #tpu.memory_space<vmem>>, %arg7: memref<1024x4xf32, #tpu.memory_space<vmem>>) attributes {dimension_semantics = [#tpu.dimension_semantics<arbitrary>], iteration_bounds = array<i64: 16>, scalar_prefetch = 0 : i64, scratch_operands = 0 : i64, tpu.core_type = #tpu.core_type<tc>, window_params = [{transform_indices = @transform_0, window_bounds = array<i64: 1024, 200>}, {transform_indices = @transform_1, window_bounds = array<i64: 1024, 32>}, {pipeline_mode = #tpu.pipeline_mode<synchronous>, transform_indices = @transform_2, window_bounds = array<i64: 32, 64>}, {pipeline_mode = #tpu.pipeline_mode<synchronous>, transform_indices = @transform_3, window_bounds = array<i64: 1, 64>}, {pipeline_mode = #tpu.pipeline_mode<synchronous>, transform_indices = @transform_4, window_bounds = array<i64: 64, 4>}, {pipeline_mode = #tpu.pipeline_mode<synchronous>, transform_indices = @transform_5, window_bounds = array<i64: 1, 4>}, {transform_indices = @transform_6, window_bounds = array<i64: 1024, 4>}]} {
    %get3A = arith.constant 0 : index
    %get3A_0 = arith.constant 0 : index
    %get3A_1 = vector.load %arg1[%get3A, %get3A_0] : memref<1024x200xi32, #tpu.memory_space<vmem>>, vector<1024x200xi32>
    %ne3A = arith.constant 0 : i32
    %ne3A_2 = vector.broadcast %ne3A : i32 to vector<1024x200xi32>
    %ne3A_3 = arith.cmpi ne, %get3A_1, %ne3A_2 : vector<1024x200xi32>
    %convert_element_type3A = arith.extui %ne3A_3 : vector<1024x200xi1> to vector<1024x200xi32>
    %convert_element_type3A_4 = arith.sitofp %convert_element_type3A : vector<1024x200xi32> to vector<1024x200xf32>
    %reduce_sum3A = arith.constant dense<0.000000e+00> : vector<1024xf32>
    %reduce_sum3A_5 = vector.multi_reduction <add>, %convert_element_type3A_4, %reduce_sum3A [1] : vector<1024x200xf32> to vector<1024xf32>
    %broadcast_in_dim3A = vector.shape_cast %reduce_sum3A_5 : vector<1024xf32> to vector<1024x1xf32>
    %get3A_6 = arith.constant 0 : index
    %get3A_7 = arith.constant 0 : index
    %get3A_8 = vector.load %arg2[%get3A_6, %get3A_7] : memref<1024x32xf32, #tpu.memory_space<vmem>>, vector<1024x32xf32>
    %max3A = arith.constant 1.000000e+00 : f32
    %max3A_9 = vector.broadcast %max3A : f32 to vector<1024x1xf32>
    %max3A_10 = arith.maximumf %broadcast_in_dim3A, %max3A_9 : vector<1024x1xf32>
    %div3A = vector.broadcast %max3A_10 : vector<1024x1xf32> to vector<1024x32xf32>
    %div3A_11 = arith.divf %get3A_8, %div3A : vector<1024x32xf32>
    %get3A_12 = arith.constant 0 : index
    %get3A_13 = arith.constant 0 : index
    %get3A_14 = vector.load %arg3[%get3A_12, %get3A_13] : memref<32x64xf32, #tpu.memory_space<vmem>>, vector<32x64xf32>
    %dot_general3A = arith.constant dense<0.000000e+00> : vector<1024x64xf32>
    %dot_general3A_15 = tpu.matmul %div3A_11, %get3A_14, %dot_general3A {dimension_numbers = #tpu.dot_dimension_numbers<[1], [0], [0], [1], [0, 0, 1, 1], [], []>, transpose_lhs_hint = false} : vector<1024x32xf32>, vector<32x64xf32>, vector<1024x64xf32> -> vector<1024x64xf32>
    %get3A_16 = arith.constant 0 : index
    %get3A_17 = arith.constant 0 : index
    %get3A_18 = vector.load %arg4[%get3A_16, %get3A_17] : memref<1x64xf32, #tpu.memory_space<vmem>>, vector<1x64xf32>
    %add3A = vector.broadcast %get3A_18 : vector<1x64xf32> to vector<1024x64xf32>
    %add3A_19 = arith.addf %dot_general3A_15, %add3A : vector<1024x64xf32>
    %max3A_20 = arith.constant 0.000000e+00 : f32
    %max3A_21 = vector.broadcast %max3A_20 : f32 to vector<1024x64xf32>
    %max3A_22 = arith.maximumf %add3A_19, %max3A_21 : vector<1024x64xf32>
    %get3A_23 = arith.constant 0 : index
    %get3A_24 = arith.constant 0 : index
    %get3A_25 = vector.load %arg5[%get3A_23, %get3A_24] : memref<64x4xf32, #tpu.memory_space<vmem>>, vector<64x4xf32>
    %dot_general3A_26 = arith.constant dense<0.000000e+00> : vector<1024x4xf32>
    %dot_general3A_27 = tpu.matmul %max3A_22, %get3A_25, %dot_general3A_26 {dimension_numbers = #tpu.dot_dimension_numbers<[1], [0], [0], [1], [0, 0, 1, 1], [], []>, transpose_lhs_hint = false} : vector<1024x64xf32>, vector<64x4xf32>, vector<1024x4xf32> -> vector<1024x4xf32>
    %get3A_28 = arith.constant 0 : index
    %get3A_29 = arith.constant 0 : index
    %get3A_30 = vector.load %arg6[%get3A_28, %get3A_29] : memref<1x4xf32, #tpu.memory_space<vmem>>, vector<1x4xf32>
    %add3A_31 = vector.broadcast %get3A_30 : vector<1x4xf32> to vector<1024x4xf32>
    %add3A_32 = arith.addf %dot_general3A_27, %add3A_31 : vector<1024x4xf32>
    %swap3A = arith.constant 0 : index
    %swap3A_33 = arith.constant 0 : index
    %swap3A_34 = vector.load %arg7[%swap3A, %swap3A_33] : memref<1024x4xf32, #tpu.memory_space<vmem>>, vector<1024x4xf32>
    tpu.vector_store %arg7[%swap3A, %swap3A_33], %add3A_32 {strides = array<i32>} : memref<1024x4xf32, #tpu.memory_space<vmem>>, vector<1024x4xf32>,
    return
  }
  func.func @transform_0(%arg0: i32) -> (i32, i32) {
    %c0_i32 = arith.constant 0 : i32
    %c0_i32_0 = arith.constant 0 : i32
    return %arg0, %c0_i32 : i32, i32
  }
  func.func @transform_1(%arg0: i32) -> (i32, i32) {
    %c0_i32 = arith.constant 0 : i32
    %c0_i32_0 = arith.constant 0 : i32
    return %arg0, %c0_i32 : i32, i32
  }
  func.func @transform_2(%arg0: i32) -> (i32, i32) {
    %c0_i32 = arith.constant 0 : i32
    %c0_i32_0 = arith.constant 0 : i32
    %c0_i32_1 = arith.constant 0 : i32
    return %c0_i32, %c0_i32_0 : i32, i32
  }
  func.func @transform_3(%arg0: i32) -> (i32, i32) {
    %c0_i32 = arith.constant 0 : i32
    %c0_i32_0 = arith.constant 0 : i32
    %c0_i32_1 = arith.constant 0 : i32
    return %c0_i32, %c0_i32_0 : i32, i32
  }
  func.func @transform_4(%arg0: i32) -> (i32, i32) {
    %c0_i32 = arith.constant 0 : i32
    %c0_i32_0 = arith.constant 0 : i32
    %c0_i32_1 = arith.constant 0 : i32
    return %c0_i32, %c0_i32_0 : i32, i32
  }
  func.func @transform_5(%arg0: i32) -> (i32, i32) {
    %c0_i32 = arith.constant 0 : i32
    %c0_i32_0 = arith.constant 0 : i32
    %c0_i32_1 = arith.constant 0 : i32
    return %c0_i32, %c0_i32_0 : i32, i32
  }
  func.func @transform_6(%arg0: i32) -> (i32, i32) {
    %c0_i32 = arith.constant 0 : i32
    %c0_i32_0 = arith.constant 0 : i32
    return %arg0, %c0_i32 : i32, i32
  }
}

</mosaic_0001>

<sc_bundles>
// kernel: kernel.6.cloned.1.call-start
scs
__scs_entry_jumppad:
0x0: {  	(pc) =	sbr.rel $0x88, $3  }
0x1: {  	(tag) =	ssettag $0x0;
	lr =	simm.s32 $0x1  }
0x2: {  	[smem:$0x3F9B] =	sst lr;
	_ =	strace $0xD0000000  }
0x3: {  	_ = 	snop  }
0x4: {  	_ = 	snop  }
0x5: {  	_ = 	snop  }
0x6: {  	_ = 	snop  }
0x7: {  	_ = 	snop  }
__scs_overlays_trampoline_lowered:
0x8: {  	[smem:$0x3FAA] =	sst s0  }
0x9: {  	[smem:$0x3FAB] =	sst s1  }
0xa: {  	[smem:$0x3FAC] =	sst s2  }
0xb: {  	[smem:$0x3FAD] =	sst s3  }
0xc: {  	[smem:$0x3FAE] =	sst s4  }
0xd: {  	[smem:$0x3FAF] =	sst s5  }
0xe: {  	[smem:$0x3FB0] =	sst s6  }
0xf: {  	[smem:$0x3FB1] =	sst s7  }
0x10: {  	[smem:$0x3FB2] =	sst s8  }
0x11: {  	[smem:$0x3FB3] =	sst s9;
	s0 =	simm.s32 @!p0 $0x0  }
0x12: {  	s1 =	sld [smem:$0x3F99];
	s0 =	simm.s32 @p0 $0x1  }
0x13: {  	[smem:$0x3FB4] =	sst s0;
	s0 =	simm.s32 @!p1 $0x0  }
0x14: {  	s2 =	sld [smem:$0x3F98];
	s0 =	simm.s32 @p1 $0x1  }
0x15: {  	[smem:$0x3FB5] =	sst s0;
	s0 =	simm.s32 @!p2 $0x0  }
0x16: {  	s3 =	sld [smem:$0x3FDB];
	s0 =	simm.s32 @p2 $0x1  }
0x17: {  	s4 =	simm.s32 $0x1BF5;
	[smem:$0x3FB7] =	sst s0  }
0x18: {  	s0 =	sld [smem:$0x3F9A];
	_ =	swait.ge [sflag:s4], $0x0  }
0x19: {  	s7 =	sld [smem:$0x3F9B]  }
0x1a: {  	s8 =	sadd.s32 $0xFFFFE003, lr  }
0x1b: {  	s9 =	sadd.s32 $0xFFFFFEF7, lr;
	s5 =	simm.s32 $0xFFFFFFFF;
	p2 =	slt.u32 s8, $0xFFFFF086  }
0x1c: {  	p1 =	slt.u32 s9, $0xF7A;
	s5 =	simm.s32 @!p2 $0x0  }
0x1d: {  	s5 =	simm.s32 @p1 $0x1;
	p0 =	seq.s32 s7, s2  }
0x1e: {  	s7 =	smul.u32 @!p0 $0xF7A, s2;
	p2 =	seq.s32 @!p0 s5, $0x0  }
0x1f: {  	s9 =	smul.u32 $0xF7A, s1;
	s8 =	simm.s32 @!p0 $0x1BF5;
	p2 =	por !p2, p0  }
0x20: {  	[sflag:s8] =	ssyncset.s32 @!p0 $0xFFFFF086;
	s6 =	sadd.s32 @!p0 s3, s7;
	s7 =	simm.s32 @!p0 $0x108  }
0x21: {  	s3 =	sadd.s32 s3, s9;
	s6 =	sadd.s32 @!p0 $0x88, s6;
	s7 =	simm.s32 @p2 $0x1082  }
0x22: {  	[simem:s7], [sflag:s8] =	dma.local @!p0 [hbm:s6], $0xF7A  }
0x23: {  	s9 =	sor.u32 $0xD0000000, s2;
	s6 =	simm.s32 $0x108;
	_ =	swait.ge @!p0 [sflag:s8], $0x0  }
0x24: {  	s3 =	sadd.s32 $0x88, s3;
	s6 =	simm.s32 @!p1 $0x1082;
	[sflag:s4] =	ssyncset.s32 $0xFFFFF086  }
0x25: {  	[simem:s6], [sflag:s4] =	dma.local [hbm:s3], $0xF7A  }
0x26: {  	[smem:$0x3F9B] =	sst s1;
	(tag) =	ssettag s2;
	_ =	strace s9  }
0x27: {  	s1 =	sld [smem:$0x3FAB]  }
0x28: {  	s2 =	sld [smem:$0x3FAC]  }
0x29: {  	s4 =	sld [smem:$0x3FAE]  }
0x2a: {  	p0 =	seq.s32 s5, $0x0;
	s5 =	sld [smem:$0x3FAF]  }
0x2b: {  	s6 =	sld [smem:$0x3FB0]  }
0x2c: {  	s7 =	sld [smem:$0x3FB1]  }
0x2d: {  	s3 =	simm.s32 $0x108;
	s8 =	sld [smem:$0x3FB2]  }
0x2e: {  	s3 =	simm.s32 @!p0 $0x1082;
	s9 =	sld [smem:$0x3FB3]  }
0x2f: {  	lr =	sadd.s32 s0, s3;
	s0 =	sld [smem:$0x3FAA]  }
0x30: {  	s3 =	sld [smem:$0x3FAD]  }
0x31: {  	[smem:$0x3FB6] =	sst s10  }
0x32: {  	s10 =	sld [smem:$0x3FB4];
	_ =	sdelay $0x3  }
0x33: {  	p0 =	seq.s32 s10, $0x1;
	s10 =	sld [smem:$0x3FB6];
	_ =	sdelay $0x3  }
0x34: {  	[smem:$0x3FB6] =	sst s10  }
0x35: {  	s10 =	sld [smem:$0x3FB5];
	_ =	sdelay $0x3  }
0x36: {  	p1 =	seq.s32 s10, $0x1;
	s10 =	sld [smem:$0x3FB6];
	_ =	sdelay $0x3  }
0x37: {  	[smem:$0x3FB6] =	sst s10  }
0x38: {  	s10 =	sld [smem:$0x3FB7]  }
0x39: {  	_ = 	snop;
	(pc) =	sbr.ind lr, $3  }
0x3a: {  	_ = 	snop  }
0x3b: {  	_ = 	snop  }
0x3c: {  	p2 =	seq.s32 s10, $0x1;
	s10 =	sld [smem:$0x3FB6]  }
0x3d: {  	_ =	shalt  }
0x3e: {  	_ =	shalt  }
0x3f: {  	_ =	shalt  }
0x40: {  	_ =	shalt  }
0x41: {  	_ =	shalt  }
0x42: {  	_ =	shalt  }
0x43: {  	_ =	shalt  }
0x44: {  	_ =	shalt  }
0x45: {  	_ =	shalt  }
0x46: {  	_ =	shalt  }
0x47: {  	_ =	shalt  }
0x48: {  	_ =	shalt  }
0x49: {  	_ =	shalt  }
0x4a: {  	_ =	shalt  }
0x4b: {  	_ =	shalt  }
0x4c: {  	_ =	shalt  }
0x4d: {  	_ =	shalt  }
0x4e: {  	_ =	shalt  }
0x4f: {  	_ =	shalt  }
0x50: {  	_ =	shalt  }
0x51: {  	_ =	shalt  }
0x52: {  	_ =	shalt  }
0x53: {  	_ =	shalt  }
0x54: {  	_ =	shalt  }
0x55: {  	_ =	shalt  }
0x56: {  	_ =	shalt  }
0x57: {  	_ =	shalt  }
0x58: {  	_ =	shalt  }
0x59: {  	_ =	shalt  }
0x5a: {  	_ =	shalt  }
0x5b: {  	_ =	shalt  }
0x5c: {  	_ =	shalt  }
0x5d: {  	_ =	shalt  }
0x5e: {  	_ =	shalt  }
0x5f: {  	_ =	shalt  }
0x60: {  	_ =	shalt  }
0x61: {  	_ =	shalt  }
0x62: {  	_ =	shalt  }
0x63: {  	_ =	shalt  }
0x64: {  	_ =	shalt  }
0x65: {  	_ =	shalt  }
0x66: {  	_ =	shalt  }
0x67: {  	_ =	shalt  }
0x68: {  	_ =	shalt  }
0x69: {  	_ =	shalt  }
0x6a: {  	_ =	shalt  }
0x6b: {  	_ =	shalt  }
0x6c: {  	_ =	shalt  }
0x6d: {  	_ =	shalt  }
0x6e: {  	_ =	shalt  }
0x6f: {  	_ =	shalt  }
0x70: {  	_ =	shalt  }
0x71: {  	_ =	shalt  }
0x72: {  	_ =	shalt  }
0x73: {  	_ =	shalt  }
0x74: {  	_ =	shalt  }
0x75: {  	_ =	shalt  }
0x76: {  	_ =	shalt  }
0x77: {  	_ =	shalt  }
0x78: {  	_ =	shalt  }
0x79: {  	_ =	shalt  }
0x7a: {  	_ =	shalt  }
0x7b: {  	_ =	shalt  }
0x7c: {  	_ =	shalt  }
0x7d: {  	_ =	shalt  }
0x7e: {  	_ =	shalt  }
0x7f: {  	_ =	shalt  }
0x80: {  	_ =	shalt  }
0x81: {  	_ =	shalt  }
0x82: {  	_ =	shalt  }
0x83: {  	_ =	shalt  }
0x84: {  	_ =	shalt  }
0x85: {  	_ =	shalt  }
0x86: {  	_ =	shalt  }
0x87: {  	_ =	shalt  }
.Lfunc_end0:
.L_simem_size_0:
called_computation_lowered:
.L_overlay_start_0:
0x88: {  	s2 =	sld [smem:$0x3FD9]  }
0x89: {  	s3 =	sld [smem:$0x3FFE];
	_ =	sdelay $0x1  }
0x8a: {  	s1 =	srdreg.scid  }
0x8b: {  	s0 =	sand.u32 $0x1, s1  }
0x8c: {  	s16 =	sshll.u32 s0, $0xA;
	s2 =	sadd.s32 s3, s2  }
0x8d: {  	s2 =	sadd.s32 s2, s16  }
0x8e: {  	[smem:$0x3FC2] =	sst s2  }
0x8f: {  	_ = 	snop  }
0x90: {  	(tm) =	ssettm $0x1  }
0x91: {  	s17 =	sld [smem:$0x3FFB];
	_ =	sdelay $0x3  }
0x92: {  	_ =	strace s17  }
0x93: {  	s2 =	sld [smem:$0x3FFC];
	_ =	sdelay $0x3  }
0x94: {  	_ =	strace s2  }
0x95: {  	s2 =	sld [smem:$0x3FFD];
	_ =	sdelay $0x3  }
0x96: {  	_ =	strace s2  }
0x97: {  	_ =	strace $0x8FFFFFFF  }
0x98: {  	s18 =	sld [smem:$0x3FDB];
	_ =	sdelay $0x1  }
0x99: {  	s19 =	simm.s32 $_scs_section_size  }
0x9a: {  	s4 =	simm.s32 $_size__tile_overlayer_lowered;
	s5 =	simm.s32 $_tile_overlayer_lowered  }
0x9b: {  	s22 =	simm.s32 $0x1BFF;
	s21 =	sshll.u32 s5, $0x1;
	s2 =	sadd.s32 s19, s18  }
0x9c: {  	s6 =	simm.s32 $0x0;
	s20 =	sshll.u32 s4, $0x1;
	s4 =	sadd.s32 s21, s2  }
0x9d: {  	[timem:s6], [sflag:s22] =	dma.local [hbm:s4], s20  }
0x9e: {  	_ =	swait.ge [sflag:s22], s20  }
0x9f: {  	s3 =	ssub.s32 $0x0, s20;
	[sflag:s22] =	ssyncset.done $0x0  }
0xa0: {  	[sflag:s22] =	ssyncadd.s32 s3;
	_ =	sdelay $0x1  }
0xa1: {  	s23 =	simm.s32 $0x1B8B  }
0xa2: {  	_ =	swait.ge [sflag:s23], $0x1  }
0xa3: {  	[sflag:s23] =	ssyncset.done $0x0  }
0xa4: {  	s25 =	simm.s32 $0x1B8E;
	s24 =	sld [smem:$0x3FFE];
	[sflag:s23] =	ssyncadd.s32 $0xFFFFFFFF  }
0xa5: {  	s26 =	simm.s32 $execute0_lowered;
	[smem:$0x3FD2] =	sst s25  }
0xa6: {  	s4 =	sshll.u32 s26, $0x1;
	_ =	strace $0x80000046;
	[dreg:$0x1] =	wrdreg $0xFFFFFFFF  }
0xa7: {  	s28 =	simm.s32 $_size_execute0_lowered;
	s2 =	sadd.s32 s2, s4;
	[dreg:$0x0] =	wrdreg $0x0  }
0xa8: {  	s4 =	sshll.u32 s28, $0x1;
	[dreg:$0x2] =	wrdreg s2  }
0xa9: {  	[dreg:$0x3] =	wrdreg s4  }
0xaa: {  	[dreg:$0x4] =	wrdreg $0xC0  }
0xab: {  	_ =	task [dreg:s6], $0x5FFFF  }
0xac: {  	[dreg:$0x1] =	wrdreg $0xFFFFFFFF  }
0xad: {  	[dreg:$0x0] =	wrdreg $0x60  }
0xae: {  	[dreg:$0x2] =	wrdreg s24  }
0xaf: {  	[dreg:$0x3] =	wrdreg $0x9  }
0xb0: {  	_ =	task.clear_ibuf [dreg:s6], $0x4FFFF;
	_ =	strace $0x90000046  }
0xb1: {  	s29 =	simm.s32 $0x9;
	_ =	strace $0x80000048  }
0xb2: {  	_ =	swait.ge [sflag:s29], $0x1  }
0xb3: {  	[sflag:s29] =	ssyncadd.s32 $0xFFFFFFFF  }
0xb4: {  	_ =	strace $0x90000048  }
0xb5: {  	_ =	sfence  }
0xb6: {  	s30 =	sld [smem:$0x0];
	_ =	sdelay $0x2  }
0xb7: {  	s31 =	sshll.u32 s1, $0xD;
	s1 =	sshrl.u32 s1, $0x2  }
0xb8: {  	s3 =	sand.u32 $0x4000, s31;
	s1 =	sadd.s32 s1, s30  }
0xb9: {  	s0 =	sor.u32 s3, s0;
	s1 =	sshll.u32 s1, $0x11  }
0xba: {  	s0 =	sor.u32 s1, s0  }
0xbb: {  	s0 =	sadd.s32 $0x8F2B, s0  }
0xbc: {  	[sflag:s0] =	ssyncadd.remote.s32 $0x1  }
0xbd: {  	_ =	sfence.sel $0xFFFF  }
0xbe: {  	[dreg:$0x0] =	wrdreg $0xFFFFFFFF;
	(pc) =	sbr.abs _section_cstart, $3  }
0xbf: {  	[dreg:$0x1] =	wrdreg $0xFFFFFFFF  }
0xc0: {  	_ =	task.clear_ibuf [dreg:s6], $0x2FFFF;
	_ =	strace $0x9FFFFFFF  }
0xc1: {  	(tm) =	ssettm $0x7FFFFFFF  }
tec
execute0_lowered:
.L_overlay_start_1:
0x0: {  	(tag) =	ssettag $0x1  }
0x1: {  	s0 =	rddreg [dreg:$0x0];
	s1 =	simm.s32 $0x0  }
0x2: {  	s30 =	srdreg.scid;
	s5 =	stileid.u32;
	s8 =	simm.s32 $0x9  }
0x3: {  	s9 =	simm.s32 $0x80;
	s11 =	simm.s32 $0x48;
	s10 =	simm.s32 $0x530  }
0x4: {  	s12 =	simm.s32 $0x16E00;
	s13 =	simm.s32 $0x17700;
	s14 =	simm.s32 $0x18700  }
0x5: {  	s15 =	simm.s32 $0x1;
	s16 =	simm.s32 $0x2;
	s17 =	simm.s32 $0x3  }
0x6: {  	s18 =	simm.s32 $0x4;
	s19 =	simm.s32 $0x5;
	s20 =	simm.s32 $0x6  }
0x7: {  	s21 =	simm.s32 $0x7;
	s22 =	simm.s32 $0x8;
	s23 =	simm.s32 $0x19000  }
0x8: {  	s24 =	simm.s32 $0x0;
	[smem:$0x7FF] =	sst s1;
	s1 =	sand.u32 $0x1, s30  }
0x9: {  	s3 =	sadd.s32 $0x80C00, s0;
	s4 =	sadd.s32 $0xE4C00, s0;
	s2 =	ssub.s32 $0x2, s1  }
0xa: {  	s7 =	sshll.u32 s5, $0xA;
	s5 =	sadd.s32 $0x4E4C00, s0;
	s6 =	sshrl.u32 s2, $0x1  }
0xb: {  	_ =	strace $0x80000047;
	s1 =	sshll.u32 s1, $0x9;
	s31 =	ssub.s32 s2, s6  }
0xc: {  	s6 =	sor.u32 s1, s7;
	s2 =	simm.s32 $0x15500;
	s0 =	smax.u32 s31, $0x1  }
0xd: {  	s7 =	simm.s32 $0x4B0;
	s1 =	simm.s32 $0x15E00;
	[dreg:$0x2] =	wrdreg s0  }
.LBB2_1:
0xe: {  	[dreg:$0x3] =	wrdreg s24;
	p1 =	por $0x1, $0x1;
	s24 =	simm.s32 $0x0  }
.LBB2_2:
0xf: {  	s24 =	sor.u32 s6, s24  }
0x10: {  	s25 =	smul.u32 $0x19, s24;
	_ =	sdelay $0x1  }
0x11: {  	s26 =	sadd.s32 s3, s25;
	s25 =	simm.s32 $0x0  }
0x12: {  	[tilespmem:s25], [sflag:$0x9] =	stream.linear.gather [hbm4b:s26+s25], $0xC800, $0x38;
	[tilespmem:$0x1B000] =	vst v63  }
0x13: {  	_ =	swait.ge [sflag:s8], $0xC800  }
0x14: {  	[sflag:s8] =	ssyncset.done $0x0  }
0x15: {  	s0 =	simm.s32 $0xC800;
	[sflag:s8] =	ssyncadd.s32 $0xFFFF3800  }
0x16: {  	[tilespmem:s0], [sflag:$0x1] =	stream.indirect.gather [hbm4b:s4+s9], $0x20, s25, s9, $0xb8;
	[tilespmem:$0x1B000] =	vst v63  }
0x17: {  	s29 =	simm.s32 $0xD800  }
0x18: {  	[tilespmem:s29], [sflag:$0x1] =	stream.indirect.gather [hbm4b:s4+s11], $0x20, s9, s11, $0xb8;
	[tilespmem:$0x1B000] =	vst v63  }
0x19: {  	s30 =	simm.s32 $0xC8;
	s31 =	simm.s32 $0xE100  }
0x1a: {  	[tilespmem:s31], [sflag:$0x2] =	stream.indirect.gather [hbm4b:s4+s9], $0x20, s30, s9, $0xb8;
	[tilespmem:$0x1B000] =	vst v63  }
0x1b: {  	s28 =	simm.s32 $0x148;
	s29 =	simm.s32 $0xF100  }
0x1c: {  	[tilespmem:s29], [sflag:$0x2] =	stream.indirect.gather [hbm4b:s4+s11], $0x20, s28, s11, $0xb8;
	[tilespmem:$0x1B000] =	vst v63  }
0x1d: {  	s30 =	simm.s32 $0x190;
	s31 =	simm.s32 $0xFA00  }
0x1e: {  	[tilespmem:s31], [sflag:$0x3] =	stream.indirect.gather [hbm4b:s4+s9], $0x20, s30, s9, $0xb8;
	[tilespmem:$0x1B000] =	vst v63  }
0x1f: {  	s28 =	simm.s32 $0x210;
	s29 =	simm.s32 $0x10A00  }
0x20: {  	[tilespmem:s29], [sflag:$0x3] =	stream.indirect.gather [hbm4b:s4+s11], $0x20, s28, s11, $0xb8;
	[tilespmem:$0x1B000] =	vst v63  }
0x21: {  	s30 =	simm.s32 $0x258;
	s31 =	simm.s32 $0x11300  }
0x22: {  	[tilespmem:s31], [sflag:$0x4] =	stream.indirect.gather [hbm4b:s4+s9], $0x20, s30, s9, $0xb8;
	[tilespmem:$0x1B000] =	vst v63  }
0x23: {  	s28 =	simm.s32 $0x2D8;
	s29 =	simm.s32 $0x12300  }
0x24: {  	[tilespmem:s29], [sflag:$0x4] =	stream.indirect.gather [hbm4b:s4+s11], $0x20, s28, s11, $0xb8;
	[tilespmem:$0x1B000] =	vst v63  }
0x25: {  	s30 =	simm.s32 $0x320;
	s31 =	simm.s32 $0x12C00  }
0x26: {  	[tilespmem:s31], [sflag:$0x5] =	stream.indirect.gather [hbm4b:s4+s9], $0x20, s30, s9, $0xb8;
	[tilespmem:$0x1B000] =	vst v63  }
0x27: {  	s26 =	simm.s32 $0x3A0;
	s28 =	simm.s32 $0x13C00  }
0x28: {  	[tilespmem:s28], [sflag:$0x5] =	stream.indirect.gather [hbm4b:s4+s11], $0x20, s26, s11, $0xb8;
	[tilespmem:$0x1B000] =	vst v63  }
0x29: {  	s29 =	simm.s32 $0x3E8;
	s30 =	simm.s32 $0x14500  }
0x2a: {  	[tilespmem:s30], [sflag:$0x6] =	stream.indirect.gather [hbm4b:s4+s9], $0x20, s29, s9, $0xb8;
	[tilespmem:$0x1B000] =	vst v63  }
0x2b: {  	s31 =	simm.s32 $0x468  }
0x2c: {  	[tilespmem:s2], [sflag:$0x6] =	stream.indirect.gather [hbm4b:s4+s11], $0x20, s31, s11, $0xb8;
	[tilespmem:$0x1B000] =	vst v63  }
0x2d: {  	_ = 	snop  }
0x2e: {  	[tilespmem:s1], [sflag:$0x7] =	stream.indirect.gather [hbm4b:s4+s9], $0x20, s7, s9, $0xb8;
	[tilespmem:$0x1B000] =	vst v63  }
0x2f: {  	p0 =	por p1, p1  }
0x30: {  	[tilespmem:s12], [sflag:$0x7] =	stream.indirect.gather [hbm4b:s4+s11], $0x20, s10, s11, $0xb8;
	[tilespmem:$0x1B000] =	vst v63  }
.LBB2_3:
0x31: {  	s26 =	sshllo.u32 s25, $0x3  }
0x32: {  	s28 =	smul.u32 $0x320, s26;
	_ =	sdelay $0x1  }
0x33: {  	s28 =	sshra.s32 s28, $0x2  }
0x34: {  	[tilespmem:s13], [sflag:$0x8] =	stream.indirect.gather [hbm4b:s4+s9], $0x20, s28, s9, $0xb8;
	[tilespmem:$0x1B000] =	vst v63  }
0x35: {  	s28 =	sadd.s32 $0x80, s28  }
0x36: {  	[tilespmem:s14], [sflag:$0x8] =	stream.indirect.gather [hbm4b:s4+s11], $0x20, s28, s11, $0xb8;
	[tilespmem:$0x1B000] =	vst v63  }
0x37: {  	_ =	swait.ge [sflag:s15], $0x1900  }
0x38: {  	[sflag:s15] =	ssyncset.done $0x0  }
0x39: {  	s28 =	simm.s32 $0x0;
	[sflag:s15] =	ssyncadd.s32 $0xFFFFE700  }
0x3a: {  	v2 =	vld [tilespmem:s28+$0xC880]  }
0x3b: {  	v4 =	vld [tilespmem:s28+$0xC890]  }
0x3c: {  	v3 =	vld [tilespmem:s28+$0xC8A0]  }
0x3d: {  	v5 =	vld [tilespmem:s28+$0xC8B0]  }
0x3e: {  	v0 =	vld [tilespmem:s28+$0xC8C0]  }
0x3f: {  	v1 =	vld [tilespmem:s28+$0xC8D0]  }
0x40: {  	v18 =	vld [tilespmem:s28+$0xC800]  }
0x41: {  	v20 =	vld [tilespmem:s28+$0xC810]  }
0x42: {  	v17 =	vld [tilespmem:s28+$0xC820]  }
0x43: {  	v19 =	vld [tilespmem:s28+$0xC830]  }
0x44: {  	v10 =	vimm.f32 $0.0e+00;
	v11 =	vimm.f32 $0.0e+00;
	v14 =	vld [tilespmem:s28+$0xC840]  }
0x45: {  	v12 =	vimm.f32 $0.0e+00;
	v13 =	vimm.f32 $0.0e+00;
	v6 =	vimm.f32 $0.0e+00;
	v15 =	vld [tilespmem:s28+$0xC850]  }
0x46: {  	s29 =	simm.s32 $0x400;
	v7 =	vimm.f32 $0.0e+00;
	v9 =	vimm.f32 $0.0e+00;
	v8 =	vimm.f32 $0.0e+00;
	v16 =	vld [tilespmem:s28+$0xC860]  }
.LBB2_4:
0x47: {  	p1 =	sne.s32 s29, $0x6000;
	v10 =	vadd.f32 v18, v10;
	v11 =	vadd.f32 v20, v11;
	v18 =	vld [tilespmem:s28+$0xC870]  }
0x48: {  	v12 =	vadd.f32 v17, v12;
	v13 =	vadd.f32 v19, v13;
	v17 =	vld [tilespmem:s28+$0xC8E0]  }
0x49: {  	v10 =	vadd.f32 v2, v10;
	v11 =	vadd.f32 v4, v11;
	v19 =	vld [tilespmem:s28+$0xC8F0];
	s28 =	sshra.s32 s29, $0x2  }
0x4a: {  	v12 =	vadd.f32 v3, v12;
	v2 =	vld [tilespmem:s28+$0xC880];
	v13 =	vadd.f32 v5, v13  }
0x4b: {  	v6 =	vadd.f32 v14, v6;
	v7 =	vadd.f32 v15, v7;
	v4 =	vld [tilespmem:s28+$0xC890]  }
0x4c: {  	v9 =	vadd.f32 v16, v9;
	v3 =	vld [tilespmem:s28+$0xC8A0];
	v8 =	vadd.f32 v18, v8  }
0x4d: {  	v6 =	vadd.f32 v0, v6;
	v7 =	vadd.f32 v1, v7;
	v5 =	vld [tilespmem:s28+$0xC8B0]  }
0x4e: {  	v9 =	vadd.f32 v17, v9;
	v0 =	vld [tilespmem:s28+$0xC8C0];
	v8 =	vadd.f32 v19, v8  }
0x4f: {  	v1 =	vld [tilespmem:s28+$0xC8D0]  }
0x50: {  	v18 =	vld [tilespmem:s28+$0xC800]  }
0x51: {  	v20 =	vld [tilespmem:s28+$0xC810]  }
.Ltmp0:
0x52: {  	v17 =	vld [tilespmem:s28+$0xC820];
	(pc) =	sbr.rel @p1 .LBB2_4-.Ltmp0, $4  }
0x53: {  	v19 =	vld [tilespmem:s28+$0xC830]  }
0x54: {  	v14 =	vld [tilespmem:s28+$0xC840]  }
0x55: {  	v15 =	vld [tilespmem:s28+$0xC850]  }
0x56: {  	s29 =	sadd.s32 $0x400, s29;
	v16 =	vld [tilespmem:s28+$0xC860]  }
0x57: {  	v10 =	vadd.f32 v18, v10;
	v11 =	vadd.f32 v20, v11;
	v18 =	vld [tilespmem:s28+$0xC870]  }
0x58: {  	v12 =	vadd.f32 v17, v12;
	v17 =	vld [tilespmem:s28+$0xC8E0];
	v13 =	vadd.f32 v19, v13  }
0x59: {  	v2 =	vadd.f32 v2, v10;
	v4 =	vadd.f32 v4, v11;
	v10 =	vld [tilespmem:s28+$0xC8F0]  }
0x5a: {  	v3 =	vadd.f32 v3, v12;
	v6 =	vadd.f32 v14, v6  }
0x5b: {  	v5 =	vadd.f32 v5, v13;
	v9 =	vadd.f32 v16, v9  }
0x5c: {  	v7 =	vadd.f32 v15, v7;
	v8 =	vadd.f32 v18, v8  }
0x5d: {  	v0 =	vadd.f32 v0, v6;
	v6 =	vadd.f32 v17, v9  }
0x5e: {  	v1 =	vadd.f32 v1, v7;
	v7 =	vadd.f32 v10, v8  }
0x5f: {  	v2 =	vadd.f32 v3, v2;
	v0 =	vadd.f32 v6, v0  }
0x60: {  	p1 =	seq.s32 s25, $0x1F;
	v3 =	vadd.f32 v5, v4;
	v1 =	vadd.f32 v7, v1  }
0x61: {  	s30 =	smul.u32 @!p1 $0x1900, s25;
	s28 =	sshll.u32 s25, $0x8;
	v0 =	vadd.f32 v0, v2  }
0x62: {  	s29 =	sand.u32 $0x3FFFFF00, s28;
	v1 =	vadd.f32 v1, v3  }
0x63: {  	s28 =	sshra.s32 @!p1 s30, $0x2;
	[tilespmem:s29+$0x19000] =	vst v0  }
0x64: {  	s31 =	simm.s32 @!p1 $0x80;
	s0 =	simm.s32 @!p1 $0xC800;
	s30 =	sadd.s32 @!p1 $0x640, s28;
	[tilespmem:s29+$0x19010] =	vst v1  }
0x65: {  	[tilespmem:s0], [sflag:$0x1] =	stream.indirect.gather @!p1 [hbm4b:s4+s31], $0x20, s30, s31, $0xb8;
	[tilespmem:$0x1B000] =	vst v63  }
0x66: {  	s0 =	sadd.s32 @!p1 $0x6C0, s28;
	s30 =	simm.s32 @!p1 $0x48;
	s31 =	simm.s32 @!p1 $0xD800  }
0x67: {  	[tilespmem:s31], [sflag:$0x1] =	stream.indirect.gather @!p1 [hbm4b:s4+s30], $0x20, s0, s30, $0xb8;
	[tilespmem:$0x1B000] =	vst v63  }
0x68: {  	_ =	swait.ge [sflag:s16], $0x1900  }
0x69: {  	[sflag:s16] =	ssyncset.done $0x0  }
0x6a: {  	s30 =	simm.s32 $0x0;
	[sflag:s16] =	ssyncadd.s32 $0xFFFFE700  }
0x6b: {  	v2 =	vld [tilespmem:s30+$0xE180]  }
0x6c: {  	v4 =	vld [tilespmem:s30+$0xE190]  }
0x6d: {  	v3 =	vld [tilespmem:s30+$0xE1A0]  }
0x6e: {  	v5 =	vld [tilespmem:s30+$0xE1B0]  }
0x6f: {  	v0 =	vld [tilespmem:s30+$0xE1C0]  }
0x70: {  	v1 =	vld [tilespmem:s30+$0xE1D0]  }
0x71: {  	v18 =	vld [tilespmem:s30+$0xE100]  }
0x72: {  	v20 =	vld [tilespmem:s30+$0xE110]  }
0x73: {  	v17 =	vld [tilespmem:s30+$0xE120]  }
0x74: {  	v19 =	vld [tilespmem:s30+$0xE130]  }
0x75: {  	v11 =	vimm.f32 $0.0e+00;
	v12 =	vimm.f32 $0.0e+00;
	v14 =	vld [tilespmem:s30+$0xE140]  }
0x76: {  	v13 =	vimm.f32 $0.0e+00;
	v9 =	vimm.f32 $0.0e+00;
	v10 =	vimm.f32 $0.0e+00;
	v15 =	vld [tilespmem:s30+$0xE150]  }
0x77: {  	v8 =	vimm.f32 $0.0e+00;
	v6 =	vimm.f32 $0.0e+00;
	v7 =	vimm.f32 $0.0e+00;
	s31 =	simm.s32 $0x400;
	v16 =	vld [tilespmem:s30+$0xE160]  }
.LBB2_6:
0x78: {  	p2 =	sne.s32 s31, $0x6000;
	v10 =	vadd.f32 v18, v10;
	v11 =	vadd.f32 v20, v11;
	v18 =	vld [tilespmem:s30+$0xE170]  }
0x79: {  	v12 =	vadd.f32 v17, v12;
	v13 =	vadd.f32 v19, v13;
	v17 =	vld [tilespmem:s30+$0xE1E0]  }
0x7a: {  	v10 =	vadd.f32 v2, v10;
	v11 =	vadd.f32 v4, v11;
	v19 =	vld [tilespmem:s30+$0xE1F0];
	s30 =	sshra.s32 s31, $0x2  }
0x7b: {  	v12 =	vadd.f32 v3, v12;
	v2 =	vld [tilespmem:s30+$0xE180];
	v13 =	vadd.f32 v5, v13  }
0x7c: {  	v6 =	vadd.f32 v14, v6;
	v7 =	vadd.f32 v15, v7;
	v4 =	vld [tilespmem:s30+$0xE190]  }
0x7d: {  	v9 =	vadd.f32 v16, v9;
	v3 =	vld [tilespmem:s30+$0xE1A0];
	v8 =	vadd.f32 v18, v8  }
0x7e: {  	v6 =	vadd.f32 v0, v6;
	v7 =	vadd.f32 v1, v7;
	v5 =	vld [tilespmem:s30+$0xE1B0]  }
0x7f: {  	v9 =	vadd.f32 v17, v9;
	v0 =	vld [tilespmem:s30+$0xE1C0];
	v8 =	vadd.f32 v19, v8  }
0x80: {  	v1 =	vld [tilespmem:s30+$0xE1D0]  }
0x81: {  	v18 =	vld [tilespmem:s30+$0xE100]  }
0x82: {  	v20 =	vld [tilespmem:s30+$0xE110]  }
.Ltmp1:
0x83: {  	v17 =	vld [tilespmem:s30+$0xE120];
	(pc) =	sbr.rel @p2 .LBB2_6-.Ltmp1, $4  }
0x84: {  	v19 =	vld [tilespmem:s30+$0xE130]  }
0x85: {  	v14 =	vld [tilespmem:s30+$0xE140]  }
0x86: {  	v15 =	vld [tilespmem:s30+$0xE150]  }
0x87: {  	s31 =	sadd.s32 $0x400, s31;
	v16 =	vld [tilespmem:s30+$0xE160]  }
0x88: {  	v10 =	vadd.f32 v18, v10;
	v11 =	vadd.f32 v20, v11;
	v18 =	vld [tilespmem:s30+$0xE170]  }
0x89: {  	v12 =	vadd.f32 v17, v12;
	v17 =	vld [tilespmem:s30+$0xE1E0];
	v13 =	vadd.f32 v19, v13  }
0x8a: {  	v2 =	vadd.f32 v2, v10;
	v4 =	vadd.f32 v4, v11;
	v10 =	vld [tilespmem:s30+$0xE1F0]  }
0x8b: {  	v3 =	vadd.f32 v3, v12;
	v6 =	vadd.f32 v14, v6  }
0x8c: {  	v5 =	vadd.f32 v5, v13;
	v9 =	vadd.f32 v16, v9  }
0x8d: {  	v7 =	vadd.f32 v15, v7;
	v8 =	vadd.f32 v18, v8  }
0x8e: {  	v0 =	vadd.f32 v0, v6;
	v6 =	vadd.f32 v17, v9  }
0x8f: {  	v1 =	vadd.f32 v1, v7;
	v7 =	vadd.f32 v10, v8  }
0x90: {  	v2 =	vadd.f32 v3, v2;
	v0 =	vadd.f32 v6, v0  }
0x91: {  	v3 =	vadd.f32 v5, v4;
	v1 =	vadd.f32 v7, v1  }
0x92: {  	v0 =	vadd.f32 v0, v2  }
0x93: {  	v1 =	vadd.f32 v1, v3  }
0x94: {  	[tilespmem:s29+$0x19020] =	vst v0  }
0x95: {  	s0 =	sadd.s32 @!p1 $0x708, s28;
	s31 =	simm.s32 @!p1 $0xE100;
	s30 =	simm.s32 @!p1 $0x80;
	[tilespmem:s29+$0x19030] =	vst v1  }
0x96: {  	[tilespmem:s31], [sflag:$0x2] =	stream.indirect.gather @!p1 [hbm4b:s4+s30], $0x20, s0, s30, $0xb8;
	[tilespmem:$0x1B000] =	vst v63  }
0x97: {  	s0 =	sadd.s32 @!p1 $0x788, s28;
	s30 =	simm.s32 @!p1 $0x48;
	s31 =	simm.s32 @!p1 $0xF100  }
0x98: {  	[tilespmem:s31], [sflag:$0x2] =	stream.indirect.gather @!p1 [hbm4b:s4+s30], $0x20, s0, s30, $0xb8;
	[tilespmem:$0x1B000] =	vst v63  }
0x99: {  	_ =	swait.ge [sflag:s17], $0x1900  }
0x9a: {  	[sflag:s17] =	ssyncset.done $0x0  }
0x9b: {  	s30 =	simm.s32 $0x0;
	[sflag:s17] =	ssyncadd.s32 $0xFFFFE700  }
0x9c: {  	v2 =	vld [tilespmem:s30+$0xFA80]  }
0x9d: {  	v4 =	vld [tilespmem:s30+$0xFA90]  }
0x9e: {  	v3 =	vld [tilespmem:s30+$0xFAA0]  }
0x9f: {  	v5 =	vld [tilespmem:s30+$0xFAB0]  }
0xa0: {  	v0 =	vld [tilespmem:s30+$0xFAC0]  }
0xa1: {  	v1 =	vld [tilespmem:s30+$0xFAD0]  }
0xa2: {  	v18 =	vld [tilespmem:s30+$0xFA00]  }
0xa3: {  	v20 =	vld [tilespmem:s30+$0xFA10]  }
0xa4: {  	v17 =	vld [tilespmem:s30+$0xFA20]  }
0xa5: {  	v19 =	vld [tilespmem:s30+$0xFA30]  }
0xa6: {  	v11 =	vimm.f32 $0.0e+00;
	v12 =	vimm.f32 $0.0e+00;
	v14 =	vld [tilespmem:s30+$0xFA40]  }
0xa7: {  	v13 =	vimm.f32 $0.0e+00;
	v9 =	vimm.f32 $0.0e+00;
	v10 =	vimm.f32 $0.0e+00;
	v15 =	vld [tilespmem:s30+$0xFA50]  }
0xa8: {  	v8 =	vimm.f32 $0.0e+00;
	v6 =	vimm.f32 $0.0e+00;
	v7 =	vimm.f32 $0.0e+00;
	s31 =	simm.s32 $0x400;
	v16 =	vld [tilespmem:s30+$0xFA60]  }
.LBB2_8:
0xa9: {  	p2 =	sne.s32 s31, $0x6000;
	v10 =	vadd.f32 v18, v10;
	v11 =	vadd.f32 v20, v11;
	v18 =	vld [tilespmem:s30+$0xFA70]  }
0xaa: {  	v12 =	vadd.f32 v17, v12;
	v13 =	vadd.f32 v19, v13;
	v17 =	vld [tilespmem:s30+$0xFAE0]  }
0xab: {  	v10 =	vadd.f32 v2, v10;
	v11 =	vadd.f32 v4, v11;
	v19 =	vld [tilespmem:s30+$0xFAF0];
	s30 =	sshra.s32 s31, $0x2  }
0xac: {  	v12 =	vadd.f32 v3, v12;
	v2 =	vld [tilespmem:s30+$0xFA80];
	v13 =	vadd.f32 v5, v13  }
0xad: {  	v6 =	vadd.f32 v14, v6;
	v7 =	vadd.f32 v15, v7;
	v4 =	vld [tilespmem:s30+$0xFA90]  }
0xae: {  	v9 =	vadd.f32 v16, v9;
	v3 =	vld [tilespmem:s30+$0xFAA0];
	v8 =	vadd.f32 v18, v8  }
0xaf: {  	v6 =	vadd.f32 v0, v6;
	v7 =	vadd.f32 v1, v7;
	v5 =	vld [tilespmem:s30+$0xFAB0]  }
0xb0: {  	v9 =	vadd.f32 v17, v9;
	v0 =	vld [tilespmem:s30+$0xFAC0];
	v8 =	vadd.f32 v19, v8  }
0xb1: {  	v1 =	vld [tilespmem:s30+$0xFAD0]  }
0xb2: {  	v18 =	vld [tilespmem:s30+$0xFA00]  }
0xb3: {  	v20 =	vld [tilespmem:s30+$0xFA10]  }
.Ltmp2:
0xb4: {  	v17 =	vld [tilespmem:s30+$0xFA20];
	(pc) =	sbr.rel @p2 .LBB2_8-.Ltmp2, $4  }
0xb5: {  	v19 =	vld [tilespmem:s30+$0xFA30]  }
0xb6: {  	v14 =	vld [tilespmem:s30+$0xFA40]  }
0xb7: {  	v15 =	vld [tilespmem:s30+$0xFA50]  }
0xb8: {  	s31 =	sadd.s32 $0x400, s31;
	v16 =	vld [tilespmem:s30+$0xFA60]  }
0xb9: {  	v10 =	vadd.f32 v18, v10;
	v11 =	vadd.f32 v20, v11;
	v18 =	vld [tilespmem:s30+$0xFA70]  }
0xba: {  	v12 =	vadd.f32 v17, v12;
	v17 =	vld [tilespmem:s30+$0xFAE0];
	v13 =	vadd.f32 v19, v13  }
0xbb: {  	v2 =	vadd.f32 v2, v10;
	v4 =	vadd.f32 v4, v11;
	v10 =	vld [tilespmem:s30+$0xFAF0]  }
0xbc: {  	v3 =	vadd.f32 v3, v12;
	v6 =	vadd.f32 v14, v6  }
0xbd: {  	v5 =	vadd.f32 v5, v13;
	v9 =	vadd.f32 v16, v9  }
0xbe: {  	v7 =	vadd.f32 v15, v7;
	v8 =	vadd.f32 v18, v8  }
0xbf: {  	v0 =	vadd.f32 v0, v6;
	v6 =	vadd.f32 v17, v9  }
0xc0: {  	v1 =	vadd.f32 v1, v7;
	v7 =	vadd.f32 v10, v8  }
0xc1: {  	v2 =	vadd.f32 v3, v2;
	v0 =	vadd.f32 v6, v0  }
0xc2: {  	v3 =	vadd.f32 v5, v4;
	v1 =	vadd.f32 v7, v1  }
0xc3: {  	v0 =	vadd.f32 v0, v2  }
0xc4: {  	v1 =	vadd.f32 v1, v3  }
0xc5: {  	[tilespmem:s29+$0x19040] =	vst v0  }
0xc6: {  	s0 =	sadd.s32 @!p1 $0x7D0, s28;
	s31 =	simm.s32 @!p1 $0xFA00;
	s30 =	simm.s32 @!p1 $0x80;
	[tilespmem:s29+$0x19050] =	vst v1  }
0xc7: {  	[tilespmem:s31], [sflag:$0x3] =	stream.indirect.gather @!p1 [hbm4b:s4+s30], $0x20, s0, s30, $0xb8;
	[tilespmem:$0x1B000] =	vst v63  }
0xc8: {  	s0 =	sadd.s32 @!p1 $0x850, s28;
	s30 =	simm.s32 @!p1 $0x48;
	s31 =	simm.s32 @!p1 $0x10A00  }
0xc9: {  	[tilespmem:s31], [sflag:$0x3] =	stream.indirect.gather @!p1 [hbm4b:s4+s30], $0x20, s0, s30, $0xb8;
	[tilespmem:$0x1B000] =	vst v63  }
0xca: {  	_ =	swait.ge [sflag:s18], $0x1900  }
0xcb: {  	[sflag:s18] =	ssyncset.done $0x0  }
0xcc: {  	s30 =	simm.s32 $0x0;
	[sflag:s18] =	ssyncadd.s32 $0xFFFFE700  }
0xcd: {  	v2 =	vld [tilespmem:s30+$0x11380]  }
0xce: {  	v4 =	vld [tilespmem:s30+$0x11390]  }
0xcf: {  	v3 =	vld [tilespmem:s30+$0x113A0]  }
0xd0: {  	v5 =	vld [tilespmem:s30+$0x113B0]  }
0xd1: {  	v0 =	vld [tilespmem:s30+$0x113C0]  }
0xd2: {  	v1 =	vld [tilespmem:s30+$0x113D0]  }
0xd3: {  	v18 =	vld [tilespmem:s30+$0x11300]  }
0xd4: {  	v20 =	vld [tilespmem:s30+$0x11310]  }
0xd5: {  	v17 =	vld [tilespmem:s30+$0x11320]  }
0xd6: {  	v19 =	vld [tilespmem:s30+$0x11330]  }
0xd7: {  	v11 =	vimm.f32 $0.0e+00;
	v12 =	vimm.f32 $0.0e+00;
	v14 =	vld [tilespmem:s30+$0x11340]  }
0xd8: {  	v13 =	vimm.f32 $0.0e+00;
	v9 =	vimm.f32 $0.0e+00;
	v10 =	vimm.f32 $0.0e+00;
	v15 =	vld [tilespmem:s30+$0x11350]  }
0xd9: {  	v8 =	vimm.f32 $0.0e+00;
	v6 =	vimm.f32 $0.0e+00;
	v7 =	vimm.f32 $0.0e+00;
	s31 =	simm.s32 $0x400;
	v16 =	vld [tilespmem:s30+$0x11360]  }
.LBB2_10:
0xda: {  	p2 =	sne.s32 s31, $0x6000;
	v10 =	vadd.f32 v18, v10;
	v11 =	vadd.f32 v20, v11;
	v18 =	vld [tilespmem:s30+$0x11370]  }
0xdb: {  	v12 =	vadd.f32 v17, v12;
	v13 =	vadd.f32 v19, v13;
	v17 =	vld [tilespmem:s30+$0x113E0]  }
0xdc: {  	v10 =	vadd.f32 v2, v10;
	v11 =	vadd.f32 v4, v11;
	v19 =	vld [tilespmem:s30+$0x113F0];
	s30 =	sshra.s32 s31, $0x2  }
0xdd: {  	v12 =	vadd.f32 v3, v12;
	v2 =	vld [tilespmem:s30+$0x11380];
	v13 =	vadd.f32 v5, v13  }
0xde: {  	v6 =	vadd.f32 v14, v6;
	v7 =	vadd.f32 v15, v7;
	v4 =	vld [tilespmem:s30+$0x11390]  }
0xdf: {  	v9 =	vadd.f32 v16, v9;
	v3 =	vld [tilespmem:s30+$0x113A0];
	v8 =	vadd.f32 v18, v8  }
0xe0: {  	v6 =	vadd.f32 v0, v6;
	v7 =	vadd.f32 v1, v7;
	v5 =	vld [tilespmem:s30+$0x113B0]  }
0xe1: {  	v9 =	vadd.f32 v17, v9;
	v0 =	vld [tilespmem:s30+$0x113C0];
	v8 =	vadd.f32 v19, v8  }
0xe2: {  	v1 =	vld [tilespmem:s30+$0x113D0]  }
0xe3: {  	v18 =	vld [tilespmem:s30+$0x11300]  }
0xe4: {  	v20 =	vld [tilespmem:s30+$0x11310]  }
.Ltmp3:
0xe5: {  	v17 =	vld [tilespmem:s30+$0x11320];
	(pc) =	sbr.rel @p2 .LBB2_10-.Ltmp3, $4  }
0xe6: {  	v19 =	vld [tilespmem:s30+$0x11330]  }
0xe7: {  	v14 =	vld [tilespmem:s30+$0x11340]  }
0xe8: {  	v15 =	vld [tilespmem:s30+$0x11350]  }
0xe9: {  	s31 =	sadd.s32 $0x400, s31;
	v16 =	vld [tilespmem:s30+$0x11360]  }
0xea: {  	v10 =	vadd.f32 v18, v10;
	v11 =	vadd.f32 v20, v11;
	v18 =	vld [tilespmem:s30+$0x11370]  }
0xeb: {  	v12 =	vadd.f32 v17, v12;
	v17 =	vld [tilespmem:s30+$0x113E0];
	v13 =	vadd.f32 v19, v13  }
0xec: {  	v2 =	vadd.f32 v2, v10;
	v4 =	vadd.f32 v4, v11;
	v10 =	vld [tilespmem:s30+$0x113F0]  }
0xed: {  	v3 =	vadd.f32 v3, v12;
	v6 =	vadd.f32 v14, v6  }
0xee: {  	v5 =	vadd.f32 v5, v13;
	v9 =	vadd.f32 v16, v9  }
0xef: {  	v7 =	vadd.f32 v15, v7;
	v8 =	vadd.f32 v18, v8  }
0xf0: {  	v0 =	vadd.f32 v0, v6;
	v6 =	vadd.f32 v17, v9  }
0xf1: {  	v1 =	vadd.f32 v1, v7;
	v7 =	vadd.f32 v10, v8  }
0xf2: {  	v2 =	vadd.f32 v3, v2;
	v0 =	vadd.f32 v6, v0  }
0xf3: {  	v3 =	vadd.f32 v5, v4;
	v1 =	vadd.f32 v7, v1  }
0xf4: {  	v0 =	vadd.f32 v0, v2  }
0xf5: {  	v1 =	vadd.f32 v1, v3  }
0xf6: {  	[tilespmem:s29+$0x19060] =	vst v0  }
0xf7: {  	s0 =	sadd.s32 @!p1 $0x898, s28;
	s31 =	simm.s32 @!p1 $0x11300;
	s30 =	simm.s32 @!p1 $0x80;
	[tilespmem:s29+$0x19070] =	vst v1  }
0xf8: {  	[tilespmem:s31], [sflag:$0x4] =	stream.indirect.gather @!p1 [hbm4b:s4+s30], $0x20, s0, s30, $0xb8;
	[tilespmem:$0x1B000] =	vst v63  }
0xf9: {  	s0 =	sadd.s32 @!p1 $0x918, s28;
	s30 =	simm.s32 @!p1 $0x48;
	s31 =	simm.s32 @!p1 $0x12300  }
0xfa: {  	[tilespmem:s31], [sflag:$0x4] =	stream.indirect.gather @!p1 [hbm4b:s4+s30], $0x20, s0, s30, $0xb8;
	[tilespmem:$0x1B000] =	vst v63  }
0xfb: {  	_ =	swait.ge [sflag:s19], $0x1900  }
0xfc: {  	[sflag:s19] =	ssyncset.done $0x0  }
0xfd: {  	s30 =	simm.s32 $0x0;
	[sflag:s19] =	ssyncadd.s32 $0xFFFFE700  }
0xfe: {  	v2 =	vld [tilespmem:s30+$0x12C80]  }
0xff: {  	v4 =	vld [tilespmem:s30+$0x12C90]  }
0x100: {  	v3 =	vld [tilespmem:s30+$0x12CA0]  }
0x101: {  	v5 =	vld [tilespmem:s30+$0x12CB0]  }
0x102: {  	v0 =	vld [tilespmem:s30+$0x12CC0]  }
0x103: {  	v1 =	vld [tilespmem:s30+$0x12CD0]  }
0x104: {  	v18 =	vld [tilespmem:s30+$0x12C00]  }
0x105: {  	v20 =	vld [tilespmem:s30+$0x12C10]  }
0x106: {  	v17 =	vld [tilespmem:s30+$0x12C20]  }
0x107: {  	v19 =	vld [tilespmem:s30+$0x12C30]  }
0x108: {  	v11 =	vimm.f32 $0.0e+00;
	v12 =	vimm.f32 $0.0e+00;
	v14 =	vld [tilespmem:s30+$0x12C40]  }
0x109: {  	v13 =	vimm.f32 $0.0e+00;
	v9 =	vimm.f32 $0.0e+00;
	v10 =	vimm.f32 $0.0e+00;
	v15 =	vld [tilespmem:s30+$0x12C50]  }
0x10a: {  	v8 =	vimm.f32 $0.0e+00;
	v6 =	vimm.f32 $0.0e+00;
	v7 =	vimm.f32 $0.0e+00;
	s31 =	simm.s32 $0x400;
	v16 =	vld [tilespmem:s30+$0x12C60]  }
.LBB2_12:
0x10b: {  	p2 =	sne.s32 s31, $0x6000;
	v10 =	vadd.f32 v18, v10;
	v11 =	vadd.f32 v20, v11;
	v18 =	vld [tilespmem:s30+$0x12C70]  }
0x10c: {  	v12 =	vadd.f32 v17, v12;
	v13 =	vadd.f32 v19, v13;
	v17 =	vld [tilespmem:s30+$0x12CE0]  }
0x10d: {  	v10 =	vadd.f32 v2, v10;
	v11 =	vadd.f32 v4, v11;
	v19 =	vld [tilespmem:s30+$0x12CF0];
	s30 =	sshra.s32 s31, $0x2  }
0x10e: {  	v12 =	vadd.f32 v3, v12;
	v2 =	vld [tilespmem:s30+$0x12C80];
	v13 =	vadd.f32 v5, v13  }
0x10f: {  	v6 =	vadd.f32 v14, v6;
	v7 =	vadd.f32 v15, v7;
	v4 =	vld [tilespmem:s30+$0x12C90]  }
0x110: {  	v9 =	vadd.f32 v16, v9;
	v3 =	vld [tilespmem:s30+$0x12CA0];
	v8 =	vadd.f32 v18, v8  }
0x111: {  	v6 =	vadd.f32 v0, v6;
	v7 =	vadd.f32 v1, v7;
	v5 =	vld [tilespmem:s30+$0x12CB0]  }
0x112: {  	v9 =	vadd.f32 v17, v9;
	v0 =	vld [tilespmem:s30+$0x12CC0];
	v8 =	vadd.f32 v19, v8  }
0x113: {  	v1 =	vld [tilespmem:s30+$0x12CD0]  }
0x114: {  	v18 =	vld [tilespmem:s30+$0x12C00]  }
0x115: {  	v20 =	vld [tilespmem:s30+$0x12C10]  }
.Ltmp4:
0x116: {  	v17 =	vld [tilespmem:s30+$0x12C20];
	(pc) =	sbr.rel @p2 .LBB2_12-.Ltmp4, $4  }
0x117: {  	v19 =	vld [tilespmem:s30+$0x12C30]  }
0x118: {  	v14 =	vld [tilespmem:s30+$0x12C40]  }
0x119: {  	v15 =	vld [tilespmem:s30+$0x12C50]  }
0x11a: {  	s31 =	sadd.s32 $0x400, s31;
	v16 =	vld [tilespmem:s30+$0x12C60]  }
0x11b: {  	v10 =	vadd.f32 v18, v10;
	v11 =	vadd.f32 v20, v11;
	v18 =	vld [tilespmem:s30+$0x12C70]  }
0x11c: {  	v12 =	vadd.f32 v17, v12;
	v17 =	vld [tilespmem:s30+$0x12CE0];
	v13 =	vadd.f32 v19, v13  }
0x11d: {  	v2 =	vadd.f32 v2, v10;
	v4 =	vadd.f32 v4, v11;
	v10 =	vld [tilespmem:s30+$0x12CF0]  }
0x11e: {  	v3 =	vadd.f32 v3, v12;
	v6 =	vadd.f32 v14, v6  }
0x11f: {  	v5 =	vadd.f32 v5, v13;
	v9 =	vadd.f32 v16, v9  }
0x120: {  	v7 =	vadd.f32 v15, v7;
	v8 =	vadd.f32 v18, v8  }
0x121: {  	v0 =	vadd.f32 v0, v6;
	v6 =	vadd.f32 v17, v9  }
0x122: {  	v1 =	vadd.f32 v1, v7;
	v7 =	vadd.f32 v10, v8  }
0x123: {  	v2 =	vadd.f32 v3, v2;
	v0 =	vadd.f32 v6, v0  }
0x124: {  	v3 =	vadd.f32 v5, v4;
	v1 =	vadd.f32 v7, v1  }
0x125: {  	v0 =	vadd.f32 v0, v2  }
0x126: {  	v1 =	vadd.f32 v1, v3  }
0x127: {  	[tilespmem:s29+$0x19080] =	vst v0  }
0x128: {  	s0 =	sadd.s32 @!p1 $0x960, s28;
	s31 =	simm.s32 @!p1 $0x12C00;
	s30 =	simm.s32 @!p1 $0x80;
	[tilespmem:s29+$0x19090] =	vst v1  }
0x129: {  	[tilespmem:s31], [sflag:$0x5] =	stream.indirect.gather @!p1 [hbm4b:s4+s30], $0x20, s0, s30, $0xb8;
	[tilespmem:$0x1B000] =	vst v63  }
0x12a: {  	s0 =	sadd.s32 @!p1 $0x9E0, s28;
	s30 =	simm.s32 @!p1 $0x48;
	s31 =	simm.s32 @!p1 $0x13C00  }
0x12b: {  	[tilespmem:s31], [sflag:$0x5] =	stream.indirect.gather @!p1 [hbm4b:s4+s30], $0x20, s0, s30, $0xb8;
	[tilespmem:$0x1B000] =	vst v63  }
0x12c: {  	_ =	swait.ge [sflag:s20], $0x1900  }
0x12d: {  	[sflag:s20] =	ssyncset.done $0x0  }
0x12e: {  	s30 =	simm.s32 $0x0;
	[sflag:s20] =	ssyncadd.s32 $0xFFFFE700  }
0x12f: {  	v2 =	vld [tilespmem:s30+$0x14580]  }
0x130: {  	v4 =	vld [tilespmem:s30+$0x14590]  }
0x131: {  	v3 =	vld [tilespmem:s30+$0x145A0]  }
0x132: {  	v5 =	vld [tilespmem:s30+$0x145B0]  }
0x133: {  	v0 =	vld [tilespmem:s30+$0x145C0]  }
0x134: {  	v1 =	vld [tilespmem:s30+$0x145D0]  }
0x135: {  	v18 =	vld [tilespmem:s30+$0x14500]  }
0x136: {  	v20 =	vld [tilespmem:s30+$0x14510]  }
0x137: {  	v17 =	vld [tilespmem:s30+$0x14520]  }
0x138: {  	v19 =	vld [tilespmem:s30+$0x14530]  }
0x139: {  	v11 =	vimm.f32 $0.0e+00;
	v12 =	vimm.f32 $0.0e+00;
	v14 =	vld [tilespmem:s30+$0x14540]  }
0x13a: {  	v13 =	vimm.f32 $0.0e+00;
	v9 =	vimm.f32 $0.0e+00;
	v10 =	vimm.f32 $0.0e+00;
	v15 =	vld [tilespmem:s30+$0x14550]  }
0x13b: {  	v8 =	vimm.f32 $0.0e+00;
	v6 =	vimm.f32 $0.0e+00;
	v7 =	vimm.f32 $0.0e+00;
	s31 =	simm.s32 $0x400;
	v16 =	vld [tilespmem:s30+$0x14560]  }
.LBB2_14:
0x13c: {  	p2 =	sne.s32 s31, $0x6000;
	v10 =	vadd.f32 v18, v10;
	v11 =	vadd.f32 v20, v11;
	v18 =	vld [tilespmem:s30+$0x14570]  }
0x13d: {  	v12 =	vadd.f32 v17, v12;
	v13 =	vadd.f32 v19, v13;
	v17 =	vld [tilespmem:s30+$0x145E0]  }
0x13e: {  	v10 =	vadd.f32 v2, v10;
	v11 =	vadd.f32 v4, v11;
	v19 =	vld [tilespmem:s30+$0x145F0];
	s30 =	sshra.s32 s31, $0x2  }
0x13f: {  	v12 =	vadd.f32 v3, v12;
	v2 =	vld [tilespmem:s30+$0x14580];
	v13 =	vadd.f32 v5, v13  }
0x140: {  	v6 =	vadd.f32 v14, v6;
	v7 =	vadd.f32 v15, v7;
	v4 =	vld [tilespmem:s30+$0x14590]  }
0x141: {  	v9 =	vadd.f32 v16, v9;
	v3 =	vld [tilespmem:s30+$0x145A0];
	v8 =	vadd.f32 v18, v8  }
0x142: {  	v6 =	vadd.f32 v0, v6;
	v7 =	vadd.f32 v1, v7;
	v5 =	vld [tilespmem:s30+$0x145B0]  }
0x143: {  	v9 =	vadd.f32 v17, v9;
	v0 =	vld [tilespmem:s30+$0x145C0];
	v8 =	vadd.f32 v19, v8  }
0x144: {  	v1 =	vld [tilespmem:s30+$0x145D0]  }
0x145: {  	v18 =	vld [tilespmem:s30+$0x14500]  }
0x146: {  	v20 =	vld [tilespmem:s30+$0x14510]  }
.Ltmp5:
0x147: {  	v17 =	vld [tilespmem:s30+$0x14520];
	(pc) =	sbr.rel @p2 .LBB2_14-.Ltmp5, $4  }
0x148: {  	v19 =	vld [tilespmem:s30+$0x14530]  }
0x149: {  	v14 =	vld [tilespmem:s30+$0x14540]  }
0x14a: {  	v15 =	vld [tilespmem:s30+$0x14550]  }
0x14b: {  	s31 =	sadd.s32 $0x400, s31;
	v16 =	vld [tilespmem:s30+$0x14560]  }
0x14c: {  	v10 =	vadd.f32 v18, v10;
	v11 =	vadd.f32 v20, v11;
	v18 =	vld [tilespmem:s30+$0x14570]  }
0x14d: {  	v12 =	vadd.f32 v17, v12;
	v17 =	vld [tilespmem:s30+$0x145E0];
	v13 =	vadd.f32 v19, v13  }
0x14e: {  	v2 =	vadd.f32 v2, v10;
	v4 =	vadd.f32 v4, v11;
	v10 =	vld [tilespmem:s30+$0x145F0]  }
0x14f: {  	v3 =	vadd.f32 v3, v12;
	v6 =	vadd.f32 v14, v6  }
0x150: {  	v5 =	vadd.f32 v5, v13;
	v9 =	vadd.f32 v16, v9  }
0x151: {  	v7 =	vadd.f32 v15, v7;
	v8 =	vadd.f32 v18, v8  }
0x152: {  	v0 =	vadd.f32 v0, v6;
	v6 =	vadd.f32 v17, v9  }
0x153: {  	v1 =	vadd.f32 v1, v7;
	v7 =	vadd.f32 v10, v8  }
0x154: {  	v2 =	vadd.f32 v3, v2;
	v0 =	vadd.f32 v6, v0  }
0x155: {  	v3 =	vadd.f32 v5, v4;
	v1 =	vadd.f32 v7, v1  }
0x156: {  	v0 =	vadd.f32 v0, v2  }
0x157: {  	v1 =	vadd.f32 v1, v3  }
0x158: {  	[tilespmem:s29+$0x190A0] =	vst v0  }
0x159: {  	s0 =	sadd.s32 @!p1 $0xA28, s28;
	s31 =	simm.s32 @!p1 $0x14500;
	s30 =	simm.s32 @!p1 $0x80;
	[tilespmem:s29+$0x190B0] =	vst v1  }
0x15a: {  	[tilespmem:s31], [sflag:$0x6] =	stream.indirect.gather @!p1 [hbm4b:s4+s30], $0x20, s0, s30, $0xb8;
	[tilespmem:$0x1B000] =	vst v63  }
0x15b: {  	s0 =	sadd.s32 @!p1 $0xAA8, s28;
	s30 =	simm.s32 @!p1 $0x48;
	s31 =	simm.s32 @!p1 $0x15500  }
0x15c: {  	[tilespmem:s31], [sflag:$0x6] =	stream.indirect.gather @!p1 [hbm4b:s4+s30], $0x20, s0, s30, $0xb8;
	[tilespmem:$0x1B000] =	vst v63  }
0x15d: {  	_ =	swait.ge [sflag:s21], $0x1900  }
0x15e: {  	[sflag:s21] =	ssyncset.done $0x0  }
0x15f: {  	s30 =	simm.s32 $0x0;
	[sflag:s21] =	ssyncadd.s32 $0xFFFFE700  }
0x160: {  	v2 =	vld [tilespmem:s30+$0x15E80]  }
0x161: {  	v4 =	vld [tilespmem:s30+$0x15E90]  }
0x162: {  	v3 =	vld [tilespmem:s30+$0x15EA0]  }
0x163: {  	v5 =	vld [tilespmem:s30+$0x15EB0]  }
0x164: {  	v0 =	vld [tilespmem:s30+$0x15EC0]  }
0x165: {  	v1 =	vld [tilespmem:s30+$0x15ED0]  }
0x166: {  	v18 =	vld [tilespmem:s30+$0x15E00]  }
0x167: {  	v20 =	vld [tilespmem:s30+$0x15E10]  }
0x168: {  	v17 =	vld [tilespmem:s30+$0x15E20]  }
0x169: {  	v19 =	vld [tilespmem:s30+$0x15E30]  }
0x16a: {  	v11 =	vimm.f32 $0.0e+00;
	v12 =	vimm.f32 $0.0e+00;
	v14 =	vld [tilespmem:s30+$0x15E40]  }
0x16b: {  	v13 =	vimm.f32 $0.0e+00;
	v9 =	vimm.f32 $0.0e+00;
	v10 =	vimm.f32 $0.0e+00;
	v15 =	vld [tilespmem:s30+$0x15E50]  }
0x16c: {  	v8 =	vimm.f32 $0.0e+00;
	v6 =	vimm.f32 $0.0e+00;
	v7 =	vimm.f32 $0.0e+00;
	s31 =	simm.s32 $0x400;
	v16 =	vld [tilespmem:s30+$0x15E60]  }
.LBB2_16:
0x16d: {  	p2 =	sne.s32 s31, $0x6000;
	v10 =	vadd.f32 v18, v10;
	v11 =	vadd.f32 v20, v11;
	v18 =	vld [tilespmem:s30+$0x15E70]  }
0x16e: {  	v12 =	vadd.f32 v17, v12;
	v13 =	vadd.f32 v19, v13;
	v17 =	vld [tilespmem:s30+$0x15EE0]  }
0x16f: {  	v10 =	vadd.f32 v2, v10;
	v11 =	vadd.f32 v4, v11;
	v19 =	vld [tilespmem:s30+$0x15EF0];
	s30 =	sshra.s32 s31, $0x2  }
0x170: {  	v12 =	vadd.f32 v3, v12;
	v2 =	vld [tilespmem:s30+$0x15E80];
	v13 =	vadd.f32 v5, v13  }
0x171: {  	v6 =	vadd.f32 v14, v6;
	v7 =	vadd.f32 v15, v7;
	v4 =	vld [tilespmem:s30+$0x15E90]  }
0x172: {  	v9 =	vadd.f32 v16, v9;
	v3 =	vld [tilespmem:s30+$0x15EA0];
	v8 =	vadd.f32 v18, v8  }
0x173: {  	v6 =	vadd.f32 v0, v6;
	v7 =	vadd.f32 v1, v7;
	v5 =	vld [tilespmem:s30+$0x15EB0]  }
0x174: {  	v9 =	vadd.f32 v17, v9;
	v0 =	vld [tilespmem:s30+$0x15EC0];
	v8 =	vadd.f32 v19, v8  }
0x175: {  	v1 =	vld [tilespmem:s30+$0x15ED0]  }
0x176: {  	v18 =	vld [tilespmem:s30+$0x15E00]  }
0x177: {  	v20 =	vld [tilespmem:s30+$0x15E10]  }
.Ltmp6:
0x178: {  	v17 =	vld [tilespmem:s30+$0x15E20];
	(pc) =	sbr.rel @p2 .LBB2_16-.Ltmp6, $4  }
0x179: {  	v19 =	vld [tilespmem:s30+$0x15E30]  }
0x17a: {  	v14 =	vld [tilespmem:s30+$0x15E40]  }
0x17b: {  	v15 =	vld [tilespmem:s30+$0x15E50]  }
0x17c: {  	s31 =	sadd.s32 $0x400, s31;
	v16 =	vld [tilespmem:s30+$0x15E60]  }
0x17d: {  	v10 =	vadd.f32 v18, v10;
	v11 =	vadd.f32 v20, v11;
	v18 =	vld [tilespmem:s30+$0x15E70]  }
0x17e: {  	v12 =	vadd.f32 v17, v12;
	v17 =	vld [tilespmem:s30+$0x15EE0];
	v13 =	vadd.f32 v19, v13  }
0x17f: {  	v2 =	vadd.f32 v2, v10;
	v4 =	vadd.f32 v4, v11;
	v10 =	vld [tilespmem:s30+$0x15EF0]  }
0x180: {  	v3 =	vadd.f32 v3, v12;
	v6 =	vadd.f32 v14, v6  }
0x181: {  	v5 =	vadd.f32 v5, v13;
	v9 =	vadd.f32 v16, v9  }
0x182: {  	v7 =	vadd.f32 v15, v7;
	v8 =	vadd.f32 v18, v8  }
0x183: {  	v0 =	vadd.f32 v0, v6;
	v6 =	vadd.f32 v17, v9  }
0x184: {  	v1 =	vadd.f32 v1, v7;
	v7 =	vadd.f32 v10, v8  }
0x185: {  	v2 =	vadd.f32 v3, v2;
	v0 =	vadd.f32 v6, v0  }
0x186: {  	v3 =	vadd.f32 v5, v4;
	v1 =	vadd.f32 v7, v1  }
0x187: {  	v0 =	vadd.f32 v0, v2  }
0x188: {  	v1 =	vadd.f32 v1, v3  }
0x189: {  	[tilespmem:s29+$0x190C0] =	vst v0  }
0x18a: {  	s0 =	sadd.s32 @!p1 $0xAF0, s28;
	s30 =	simm.s32 @!p1 $0x15E00;
	[tilespmem:s29+$0x190D0] =	vst v1;
	s29 =	simm.s32 @!p1 $0x80  }
0x18b: {  	[tilespmem:s30], [sflag:$0x7] =	stream.indirect.gather @!p1 [hbm4b:s4+s29], $0x20, s0, s29, $0xb8;
	[tilespmem:$0x1B000] =	vst v63  }
0x18c: {  	s0 =	sadd.s32 @!p1 $0xB70, s28;
	s28 =	simm.s32 @!p1 $0x48;
	s29 =	simm.s32 @!p1 $0x16E00  }
0x18d: {  	[tilespmem:s29], [sflag:$0x7] =	stream.indirect.gather @!p1 [hbm4b:s4+s28], $0x20, s0, s28, $0xb8;
	[tilespmem:$0x1B000] =	vst v63  }
0x18e: {  	_ =	swait.ge [sflag:s22], $0x1900  }
0x18f: {  	[sflag:s22] =	ssyncset.done $0x0  }
0x190: {  	s28 =	simm.s32 $0x0;
	[sflag:s22] =	ssyncadd.s32 $0xFFFFE700  }
0x191: {  	v2 =	vld [tilespmem:s28+$0x17780]  }
0x192: {  	v4 =	vld [tilespmem:s28+$0x17790]  }
0x193: {  	v3 =	vld [tilespmem:s28+$0x177A0]  }
0x194: {  	v5 =	vld [tilespmem:s28+$0x177B0]  }
0x195: {  	v0 =	vld [tilespmem:s28+$0x177C0]  }
0x196: {  	v1 =	vld [tilespmem:s28+$0x177D0]  }
0x197: {  	v18 =	vld [tilespmem:s28+$0x17700]  }
0x198: {  	v20 =	vld [tilespmem:s28+$0x17710]  }
0x199: {  	v17 =	vld [tilespmem:s28+$0x17720]  }
0x19a: {  	v19 =	vld [tilespmem:s28+$0x17730]  }
0x19b: {  	v11 =	vimm.f32 $0.0e+00;
	v12 =	vimm.f32 $0.0e+00;
	v14 =	vld [tilespmem:s28+$0x17740]  }
0x19c: {  	v13 =	vimm.f32 $0.0e+00;
	v9 =	vimm.f32 $0.0e+00;
	v10 =	vimm.f32 $0.0e+00;
	v15 =	vld [tilespmem:s28+$0x17750]  }
0x19d: {  	v8 =	vimm.f32 $0.0e+00;
	v6 =	vimm.f32 $0.0e+00;
	v7 =	vimm.f32 $0.0e+00;
	s29 =	simm.s32 $0x400;
	v16 =	vld [tilespmem:s28+$0x17760]  }
.LBB2_18:
0x19e: {  	p1 =	sne.s32 s29, $0x6000;
	v10 =	vadd.f32 v18, v10;
	v11 =	vadd.f32 v20, v11;
	v18 =	vld [tilespmem:s28+$0x17770]  }
0x19f: {  	v12 =	vadd.f32 v17, v12;
	v13 =	vadd.f32 v19, v13;
	v17 =	vld [tilespmem:s28+$0x177E0]  }
0x1a0: {  	v10 =	vadd.f32 v2, v10;
	v11 =	vadd.f32 v4, v11;
	v19 =	vld [tilespmem:s28+$0x177F0];
	s28 =	sshra.s32 s29, $0x2  }
0x1a1: {  	v12 =	vadd.f32 v3, v12;
	v2 =	vld [tilespmem:s28+$0x17780];
	v13 =	vadd.f32 v5, v13  }
0x1a2: {  	v6 =	vadd.f32 v14, v6;
	v7 =	vadd.f32 v15, v7;
	v4 =	vld [tilespmem:s28+$0x17790]  }
0x1a3: {  	v9 =	vadd.f32 v16, v9;
	v3 =	vld [tilespmem:s28+$0x177A0];
	v8 =	vadd.f32 v18, v8  }
0x1a4: {  	v6 =	vadd.f32 v0, v6;
	v7 =	vadd.f32 v1, v7;
	v5 =	vld [tilespmem:s28+$0x177B0]  }
0x1a5: {  	v9 =	vadd.f32 v17, v9;
	v0 =	vld [tilespmem:s28+$0x177C0];
	v8 =	vadd.f32 v19, v8  }
0x1a6: {  	v1 =	vld [tilespmem:s28+$0x177D0]  }
0x1a7: {  	v18 =	vld [tilespmem:s28+$0x17700]  }
0x1a8: {  	v20 =	vld [tilespmem:s28+$0x17710]  }
.Ltmp7:
0x1a9: {  	v17 =	vld [tilespmem:s28+$0x17720];
	(pc) =	sbr.rel @p1 .LBB2_18-.Ltmp7, $4  }
0x1aa: {  	v19 =	vld [tilespmem:s28+$0x17730]  }
0x1ab: {  	v14 =	vld [tilespmem:s28+$0x17740]  }
0x1ac: {  	v15 =	vld [tilespmem:s28+$0x17750]  }
0x1ad: {  	s29 =	sadd.s32 $0x400, s29;
	v16 =	vld [tilespmem:s28+$0x17760]  }
0x1ae: {  	v10 =	vadd.f32 v18, v10;
	v11 =	vadd.f32 v20, v11;
	v58 =	vld [tilespmem:s28+$0x17770]  }
0x1af: {  	v12 =	vadd.f32 v17, v12;
	v59 =	vld [tilespmem:s28+$0x177E0];
	v13 =	vadd.f32 v19, v13  }
0x1b0: {  	v60 =	vld [tilespmem:s28+$0x177F0];
	v2 =	vadd.f32 v2, v10;
	v4 =	vadd.f32 v4, v11  }
0x1b1: {  	v3 =	vadd.f32 v3, v12;
	v6 =	vadd.f32 v14, v6  }
0x1b2: {  	v5 =	vadd.f32 v5, v13;
	v9 =	vadd.f32 v16, v9  }
0x1b3: {  	v7 =	vadd.f32 v15, v7;
	v8 =	vadd.f32 v58, v8  }
0x1b4: {  	v0 =	vadd.f32 v0, v6;
	v61 =	vadd.f32 v59, v9  }
0x1b5: {  	s25 =	sadd.s32 $0x1, s25;
	v1 =	vadd.f32 v1, v7;
	v62 =	vadd.f32 v60, v8  }
0x1b6: {  	p1 =	sne.s32 s25, $0x20;
	v2 =	vadd.f32 v3, v2;
	v0 =	vadd.f32 v61, v0  }
.Ltmp8:
0x1b7: {  	v63 =	vadd.f32 v5, v4;
	v1 =	vadd.f32 v62, v1;
	(pc) =	sbr.rel @p1 .LBB2_3-.Ltmp8, $4  }
0x1b8: {  	s0 =	sshll.u32 s26, $0x5;
	v0 =	vadd.f32 v0, v2  }
0x1b9: {  	s0 =	sand.u32 $0x3FFFFFE0, s0;
	v1 =	vadd.f32 v1, v63  }
0x1ba: {  	[tilespmem:s0+$0x19000] =	vst v0  }
0x1bb: {  	[tilespmem:s0+$0x19010] =	vst v1  }
0x1bc: {  	s0 =	sshll.u32 s24, $0x2  }
.Ltmp9:
0x1bd: {  	s31 =	simm.s32 $0x0;
	s0 =	sadd.s32 s5, s0;
	(pc) =	sbr.rel @p0 .LBB2_2-.Ltmp9, $4  }
0x1be: {  	[hbm4b:s0+s31] =	stream.linear.scatter [tilespmem:s23], [sflag:$0x9], $0x2000, $0x38;
	[tilespmem:$0x1B000] =	vst v63  }
0x1bf: {  	_ =	swait.ge [sflag:s8], $0x2000  }
0x1c0: {  	[sflag:s8] =	ssyncset.done $0x0  }
0x1c1: {  	s24 =	simm.s32 $0x100;
	p1 =	por $0x0, $0x0;
	[sflag:s8] =	ssyncadd.s32 $0xFFFFE000  }
0x1c2: {  	s24 =	rddreg [dreg:$0x3]  }
0x1c3: {  	s0 =	rddreg [dreg:$0x2];
	s24 =	sadd.s32 $0x1, s24  }
0x1c4: {  	p0 =	sne.s32 s24, s0  }
.Ltmp10:
0x1c5: {  	_ = 	snop;
	(pc) =	sbr.rel @p0 .LBB2_1-.Ltmp10, $1  }
0x1c6: {  	_ =	sdelay $0x3  }
0x1c7: {  	_ =	sfence.sel $0x180000  }
0x1c8: {  	[bflag:$0x0] =	sbarrier.arrive $0xFFFF  }
0x1c9: {  	_ =	strace $0x90000047  }
0x1ca: {  	s0 =	stileid.u32;
	[bflag:$0x2] =	sbarrier.arrive $0xFFFF  }
0x1cb: {  	p0 =	sne.s32 s0, $0x0;
	s0 =	rddreg [dreg:$0x1]  }
0x1cc: {  	s0 =	sadd.s32 @!p0 $0x100000, s0  }
0x1cd: {  	[sflag:s0] =	ssyncadd.tile.s32 @!p0 $0x1;
	_ =	shalt  }
.Lfunc_end2:
_tile_overlayer_lowered:
.L_overlay_start_2:
0x1ce: {  	(tag) =	ssettag $0x2  }
0x1cf: {  	s0 =	rddreg [dreg:$0x0];
	s2 =	stileid.u32  }
0x1d0: {  	s1 =	rddreg [dreg:$0x1];
	p0 =	sne.s32 s2, $0x0  }
0x1d1: {  	s3 =	rddreg [dreg:$0x2];
	[bflag:$0x3] =	sbarrier.arrive $0xFFFF;
	s2 =	simm.s32 @!p0 $0x1C09  }
0x1d2: {  	[timem:s3], [sflag:s2] =	dma.local @!p0 [hbm:s0], s1  }
0x1d3: {  	s0 =	simm.s32 @!p0 $0x9  }
0x1d4: {  	_ =	swait.ge @!p0 [sflag:s0], s1  }
0x1d5: {  	s1 =	ssub.s32 @!p0 $0x0, s1;
	[sflag:s0] =	ssyncset.done @!p0 $0x0  }
0x1d6: {  	[sflag:s0] =	ssyncadd.s32 @!p0 s1  }
0x1d7: {  	[bflag:$0x3] =	sbarrier.arrive $0xFFFF  }
0x1d8: {  	_ =	shalt  }

</sc_bundles>
